<compile_context>
chip_gen: v7x
topology: tpu7x:2x2x1
jax: 0.10.2.dev20260603
libtpu: 0.0.44.dev20260713+nightly
codegen_flags: <defaults>
</compile_context>

<pallas_src>
import jax
import jax.numpy as jnp
from jax import lax
from jax.experimental import pallas as pl
from jax.experimental.pallas import tpu as pltpu
from jax.experimental.pallas import tpu_sc as plsc

S, H, E = 2048, 1024, 16
BLK = 256
P = S * 2 + E * BLK
NBLKMAX = P // BLK
CHUNK = 512
NCH = (2 * S) // CHUNK
NW = 32
TPW = S // NW


def _f32(x):
    return x.astype(jnp.float32)



def _gate_route_body(tokens_ref, gateW_ref, pos_ref, w01_ref, meta_ref):
    x = tokens_ref[...]
    logits = lax.dot_general(x, gateW_ref[...], (((1,), (1,)), ((), ())),
                             preferred_element_type=jnp.float32)
    w = jax.nn.softmax(logits, axis=-1)
    lane = lax.broadcasted_iota(jnp.int32, (S, E), 1)
    m0 = jnp.max(w, axis=-1, keepdims=True)
    i0 = jnp.min(jnp.where(w == m0, lane, E), axis=-1, keepdims=True)
    wm = jnp.where(lane == i0, -1.0, w)
    m1 = jnp.max(wm, axis=-1, keepdims=True)
    i1 = jnp.min(jnp.where(wm == m1, lane, E), axis=-1, keepdims=True)
    oh0 = _f32(lane == i0)
    oh1 = _f32(lane == i1)

    r512 = lax.broadcasted_iota(jnp.int32, (CHUNK, CHUNK), 0)
    c512 = lax.broadcasted_iota(jnp.int32, (CHUNK, CHUNK), 1)
    ident = _f32(r512 == c512)
    upper = _f32(r512 < c512)
    re16 = lax.broadcasted_iota(jnp.int32, (E, E), 0)
    ce16 = lax.broadcasted_iota(jnp.int32, (E, E), 1)
    m16 = _f32(ce16 < re16)

    def transpose(mat):
        return lax.dot_general(mat, ident, (((0,), (0,)), ((), ())),
                               preferred_element_type=jnp.float32)

    ec = jnp.concatenate([oh0, oh1], axis=0)
    running = jnp.zeros((E, 1), jnp.float32)
    ecT, rankT, excl = [], [], []
    for c in range(NCH):
        ec_c = ec[c * CHUNK:(c + 1) * CHUNK]
        t = transpose(ec_c)
        rk = lax.dot_general(t, upper, (((1,), (0,)), ((), ())),
                             preferred_element_type=jnp.float32)
        ecT.append(t)
        rankT.append(rk)
        excl.append(running)
        running = running + jnp.sum(t, axis=1, keepdims=True)

    counts = running
    padded = jnp.floor((counts + (BLK - 1)) * (1.0 / BLK)) * BLK
    pad_off = lax.dot_general(m16, padded, (((1,), (0,)), ((), ())),
                              preferred_element_type=jnp.float32)

    pos_chunks = []
    for c in range(NCH):
        base = rankT[c] + excl[c] + pad_off
        pos_c = jnp.sum(ecT[c] * base, axis=0, keepdims=True)
        pos_chunks.append(pos_c)

    pos0 = jnp.concatenate(pos_chunks[:NCH // 2], axis=1)
    pos1 = jnp.concatenate(pos_chunks[NCH // 2:], axis=1)
    pos_ref[...] = jnp.concatenate([pos0, pos1], axis=0).astype(jnp.int32)
    w01_ref[0] = jnp.broadcast_to(m0, (S, E))
    w01_ref[1] = jnp.broadcast_to(m1, (S, E))

    total = jnp.sum(padded)
    nblk = total * (1.0 / BLK)
    biota = lax.broadcasted_iota(jnp.int32, (1, NBLKMAX), 1)
    thresh = _f32(biota) * float(BLK)
    eid = jnp.sum(_f32(pad_off <= thresh), axis=0, keepdims=True) - 1.0
    eid_prev = jnp.concatenate([eid[:, :1], eid[:, :-1]], axis=1)
    changes = _f32(eid != eid_prev)
    rb = lax.broadcasted_iota(jnp.int32, (NBLKMAX, NBLKMAX), 0)
    cb = lax.broadcasted_iota(jnp.int32, (NBLKMAX, NBLKMAX), 1)
    incl = _f32(rb <= cb)
    ident_b = _f32(rb == cb)
    run = lax.dot_general(changes, incl, (((1,), (0,)), ((), ())),
                          preferred_element_type=jnp.float32)
    ohlast = _f32(_f32(biota) == (nblk - 1.0))
    nruns = jnp.sum(run * ohlast) + 1.0
    first = jnp.maximum(changes, _f32(biota == 0))
    runT = lax.dot_general(ident_b, run, (((1,), (1,)), ((), ())),
                           preferred_element_type=jnp.float32)
    firstT = lax.dot_general(ident_b, first, (((1,), (1,)), ((), ())),
                             preferred_element_type=jnp.float32)
    runmat = _f32(runT == _f32(biota)) * firstT
    dist_eid = lax.dot_general(eid * first, runmat, (((1,), (0,)), ((), ())),
                               preferred_element_type=jnp.float32)
    seg1 = jnp.where(biota == 0, nblk, jnp.where(biota == 1, nruns, 0.0))
    meta = jnp.concatenate([eid, seg1, run, dist_eid], axis=1)
    meta_ref[...] = meta.astype(jnp.int32)


def _gate_route(flat_tokens, gate_W):
    return pl.pallas_call(
        _gate_route_body,
        out_shape=(
            jax.ShapeDtypeStruct((2, S), jnp.int32),
            jax.ShapeDtypeStruct((2, S, E), jnp.float32),
            jax.ShapeDtypeStruct((1, 4 * NBLKMAX), jnp.int32),
        ),
    )(flat_tokens, gate_W)



def _dispatch(flat_tokens, pos):
    mesh = plsc.VectorSubcoreMesh(core_axis_name="c", subcore_axis_name="s")

    def body(tokens_hbm, pos_hbm, sx_hbm, idx0_v, idx1_v, rows_v, sem):
        wid = lax.axis_index("s") * 2 + lax.axis_index("c")
        base = wid * TPW
        pltpu.sync_copy(pos_hbm.at[0, pl.ds(base, TPW)], idx0_v)
        pltpu.sync_copy(pos_hbm.at[1, pl.ds(base, TPW)], idx1_v)
        pltpu.sync_copy(tokens_hbm.at[pl.ds(base, TPW)], rows_v)
        c0 = pltpu.async_copy(rows_v, sx_hbm.at[idx0_v], sem)
        c1 = pltpu.async_copy(rows_v, sx_hbm.at[idx1_v], sem)
        c0.wait()
        c1.wait()

    return pl.kernel(
        body,
        out_type=jax.ShapeDtypeStruct((P, H), jnp.float32),
        mesh=mesh,
        scratch_types=[
            pltpu.VMEM((TPW,), jnp.int32),
            pltpu.VMEM((TPW,), jnp.int32),
            pltpu.VMEM((TPW, H), jnp.float32),
            pltpu.SemaphoreType.DMA,
        ],
    )(flat_tokens, pos)



def _expert_body(eid_ref, nblk_ref, nruns_ref, run_ref, dist_ref,
                 x_ref, W_hbm, b_ref, y_ref, Wbuf_ref, Wbf_ref, sem_ref):
    j = pl.program_id(0)
    run = run_ref[j]
    slot = lax.rem(run, 3)
    K = nruns_ref[0]
    jm1 = jnp.maximum(j - 1, 0)
    changed = jnp.logical_or(j == 0, eid_ref[j] != eid_ref[jm1])

    def fetch(k, s):
        pltpu.make_async_copy(
            W_hbm.at[pl.ds(dist_ref[k], 1)], Wbuf_ref.at[pl.ds(s, 1)],
            sem_ref.at[s]).start()

    @pl.when(j < nblk_ref[0])
    def _active():
        @pl.when(j == 0)
        def _prime():
            fetch(0, 0)

            @pl.when(K > 1)
            def _():
                fetch(1, 1)

            @pl.when(K > 2)
            def _():
                fetch(2, 2)

        @pl.when(jnp.logical_and(changed, j > 0))
        def _issue_ahead():
            @pl.when(run + 2 < K)
            def _():
                fetch(run + 2, lax.rem(run + 2, 3))

        @pl.when(changed)
        def _wait_and_cast():
            pltpu.make_async_copy(
                W_hbm.at[pl.ds(eid_ref[j], 1)], Wbuf_ref.at[pl.ds(slot, 1)],
                sem_ref.at[slot]).wait()
            Wbf_ref[slot] = Wbuf_ref[slot].astype(jnp.bfloat16)

        xw = lax.dot_general(
            x_ref[...].astype(jnp.bfloat16), Wbf_ref[slot],
            (((1,), (1,)), ((), ())), preferred_element_type=jnp.float32)
        y_ref[...] = jnp.maximum(xw + b_ref[0], 0.0)


def _expert_matmul(sorted_x, expert_W, expert_b, eid, nblk, nruns, run, dist):
    def clamp(j, nblk_ref):
        return jnp.minimum(j, nblk_ref[0] - 1)

    return pl.pallas_call(
        _expert_body,
        grid_spec=pltpu.PrefetchScalarGridSpec(
            num_scalar_prefetch=5,
            grid=(NBLKMAX,),
            in_specs=[
                pl.BlockSpec((BLK, H),
                             lambda j, e, n, k, r, d: (clamp(j, n), 0)),
                pl.BlockSpec(memory_space=pl.ANY),
                pl.BlockSpec((1, 1, H),
                             lambda j, e, n, k, r, d: (e[j], 0, 0)),
            ],
            out_specs=pl.BlockSpec(
                (BLK, H), lambda j, e, n, k, r, d: (clamp(j, n), 0)),
            scratch_shapes=[
                pltpu.VMEM((3, H, H), jnp.float32),
                pltpu.VMEM((3, H, H), jnp.bfloat16),
                pltpu.SemaphoreType.DMA((3,)),
            ],
        ),
        out_shape=jax.ShapeDtypeStruct((P, H), jnp.float32),
        compiler_params=pltpu.CompilerParams(
            dimension_semantics=("arbitrary",)),
    )(eid, nblk, nruns, run, dist, sorted_x, expert_W,
      expert_b.reshape(E, 1, H))



HALF = TPW // 2


def _combine(y, pos, w01):
    mesh = plsc.VectorSubcoreMesh(core_axis_name="c", subcore_axis_name="s")

    NC4 = 4
    CH = TPW // NC4

    def body(y_hbm, pos_hbm, w01_hbm, out_hbm,
             idx0_v, idx1_v, w0_v, w1_v, ya0, ya1, yb0, yb1, sem):
        wid = lax.axis_index("s") * 2 + lax.axis_index("c")
        base = wid * TPW
        pltpu.sync_copy(pos_hbm.at[0, pl.ds(base, TPW)], idx0_v)
        pltpu.sync_copy(pos_hbm.at[1, pl.ds(base, TPW)], idx1_v)
        pltpu.sync_copy(w01_hbm.at[0, pl.ds(base, TPW)], w0_v)
        pltpu.sync_copy(w01_hbm.at[1, pl.ds(base, TPW)], w1_v)
        bufs = [(ya0, ya1), (yb0, yb1)]

        def gathers(c):
            b0, b1 = bufs[c % 2]
            g0 = pltpu.async_copy(
                y_hbm.at[idx0_v.at[pl.ds(c * CH, CH)]], b0, sem)
            g1 = pltpu.async_copy(
                y_hbm.at[idx1_v.at[pl.ds(c * CH, CH)]], b1, sem)
            return g0, g1

        pend = gathers(0)
        for c in range(NC4):
            pend[0].wait()
            pend[1].wait()
            if c + 1 < NC4:
                pend = gathers(c + 1)
            b0, b1 = bufs[c % 2]

            def comb_row(r, _):
                bc0 = w0_v[c * CH + r, :]
                bc1 = w1_v[c * CH + r, :]

                def comb_vec(i, _):
                    sl = pl.ds(i * 16, 16)
                    b0[r, sl] = bc0 * b0[r, sl] + bc1 * b1[r, sl]
                    return ()
                lax.fori_loop(0, H // 16, comb_vec, (), unroll=4)
                return ()
            lax.fori_loop(0, CH, comb_row, ())
            pltpu.sync_copy(b0, out_hbm.at[pl.ds(base + c * CH, CH)])

    return pl.kernel(
        body,
        out_type=jax.ShapeDtypeStruct((S, H), jnp.float32),
        mesh=mesh,
        scratch_types=[
            pltpu.VMEM((TPW,), jnp.int32),
            pltpu.VMEM((TPW,), jnp.int32),
            pltpu.VMEM((TPW, E), jnp.float32),
            pltpu.VMEM((TPW, E), jnp.float32),
            pltpu.VMEM((CH, H), jnp.float32),
            pltpu.VMEM((CH, H), jnp.float32),
            pltpu.VMEM((CH, H), jnp.float32),
            pltpu.VMEM((CH, H), jnp.float32),
            pltpu.SemaphoreType.DMA,
        ],
    )(y, pos, w01)



def kernel(tokens, gate_W, expert_W, expert_b):
    b, s, h = tokens.shape
    flat = tokens.reshape(s, h)
    pos, w01, meta = _gate_route(flat, gate_W)
    eid = meta[0, :NBLKMAX]
    nblk = meta[0, NBLKMAX:NBLKMAX + 1]
    nruns = meta[0, NBLKMAX + 1:NBLKMAX + 2]
    run = meta[0, 2 * NBLKMAX:3 * NBLKMAX]
    dist = meta[0, 3 * NBLKMAX:4 * NBLKMAX]
    sorted_x = _dispatch(flat, pos)
    y = _expert_matmul(sorted_x, expert_W, expert_b, eid, nblk, nruns,
                       run, dist)
    out = _combine(y, pos, w01)
    return out.reshape(b, s, h)

# --- scband reference (transcript-rebuilt; emitter-appended) ---
"""Pipeline reference for scband-wide-expert-mo-e-63900523430547 (READ-ONLY COPY).

The authoritative reference and input builder live on the scoring server;
editing this copy changes nothing except your own understanding.
"""

import jax, jax.numpy as jnp
import numpy as np

B, S, H = 1, 2048, 1024
E = 16  # num_groups * experts_per_group = 4 * 4


def setup_inputs(seed: int = 0) -> dict:
    key = jax.random.key(seed)
    k1, k2, k3, k4 = jax.random.split(key, 4)
    tokens = jax.random.normal(k1, (B, S, H), dtype=jnp.float32)
    # gate: nn.Linear(H, E, bias=False) -> weight [E, H]
    gate_W = jax.random.normal(k2, (E, H), dtype=jnp.float32) * (1.0 / np.sqrt(H))
    # experts: E x (Linear(H, H) + ReLU) -> stacked weight [E, H, H] (out, in), bias [E, H]
    expert_W = jax.random.normal(k3, (E, H, H), dtype=jnp.float32) * (1.0 / np.sqrt(H))
    expert_b = jax.random.normal(k4, (E, H), dtype=jnp.float32) * 0.01
    return {"tokens": tokens, "gate_W": gate_W, "expert_W": expert_W, "expert_b": expert_b}


def reference(tokens, gate_W, expert_W, expert_b):
    b, s, h = tokens.shape
    e = gate_W.shape[0]
    # gate logits and softmax weights
    logits = jnp.einsum('bsh,eh->bse', tokens, gate_W)
    weights = jax.nn.softmax(logits, axis=-1)
    top2_w, top2_idx = jax.lax.top_k(weights, 2)
    flat_tokens = tokens.reshape(b * s, h)
    flat_idx = top2_idx.reshape(b * s, 2)
    flat_w = top2_w.reshape(b * s, 2)
    # combined per-expert weight per token: sum over the two slots of w * 1[idx == e]
    onehot = jax.nn.one_hot(flat_idx, e, dtype=flat_w.dtype)  # [N, 2, E]
    comb = jnp.einsum('nk,nke->ne', flat_w, onehot)  # [N, E]
    # every expert applied to every token (mathematically identical to masked loop)
    expert_out = jax.nn.relu(jnp.einsum('nh,eoh->neo', flat_tokens, expert_W) + expert_b[None, :, :])  # [N, E, H]
    outputs = jnp.einsum('ne,neo->no', comb, expert_out)
    return outputs.reshape(b, s, h)

if __name__ == "__main__":
    import jax
    _d = setup_inputs()
    print(jax.jit(kernel)(*tuple(_d.values())))

</pallas_src>

<mosaic_0001>
#map = affine_map<(d0, d1) -> (0, 0)>
module attributes {stable_mosaic.version = 14 : i64} {
  func.func @body(%arg0: i32, %arg1: i32, %arg2: memref<2048x1024xf32, #tpu.memory_space<hbm>>, %arg3: memref<2x2048xi32, #tpu.memory_space<hbm>>, %arg4: memref<8192x1024xf32, #tpu.memory_space<hbm>>, %arg5: memref<64xi32, #tpu.memory_space<vmem>>, %arg6: memref<64xi32, #tpu.memory_space<vmem>>, %arg7: memref<64x1024xf32, #tpu.memory_space<vmem>>, %arg8: memref<!tpu.dma_semaphore, #tpu.memory_space<semaphore_mem>>) attributes {dimension_semantics = [#tpu.dimension_semantics<core_parallel>, #tpu.dimension_semantics<subcore_parallel>], iteration_bounds = array<i64: 2, 16>, scalar_prefetch = 0 : i64, scratch_operands = 4 : i64, tpu.core_type = #tpu.core_type<sc_vector_subcore>, window_params = [{transform_indices = #map}, {transform_indices = #map}, {transform_indices = #map}]} {
    %mul3A = arith.constant 2 : i32
    %mul3A_0 = arith.muli %arg1, %mul3A : i32
    %add3A = arith.addi %mul3A_0, %arg0 : i32
    %mul3A_1 = arith.constant 64 : i32
    %mul3A_2 = arith.muli %add3A, %mul3A_1 : i32
    %run_scoped3A = arith.constant 0 : i32
    "tpu.region"() ({
      %run_scoped3A_14 = tpu.sem_alloc : memref<!tpu.dma_semaphore, #tpu.memory_space<semaphore_mem>>
      %dma_start3A_15 = tpu.memref_slice %arg3[%run_scoped3A, %mul3A_2] : memref<2x2048xi32, #tpu.memory_space<hbm>> -> memref<1x64xi32, #tpu.memory_space<hbm>>
      %dma_start3A_16 = tpu.memref_squeeze %dma_start3A_15 : memref<1x64xi32, #tpu.memory_space<hbm>> -> memref<64xi32, #tpu.memory_space<hbm>>
      %dma_start3A_17 = tpu.memref_slice %arg3[%run_scoped3A, %mul3A_2] : memref<2x2048xi32, #tpu.memory_space<hbm>> -> memref<1x64xi32, #tpu.memory_space<hbm>>
      %dma_start3A_18 = tpu.memref_squeeze %dma_start3A_17 : memref<1x64xi32, #tpu.memory_space<hbm>> -> memref<64xi32, #tpu.memory_space<hbm>>
      tpu.enqueue_dma source(%dma_start3A_18 : memref<64xi32, #tpu.memory_space<hbm>>) target(%arg5 : memref<64xi32, #tpu.memory_space<vmem>>) target_semaphore(%run_scoped3A_14 : memref<!tpu.dma_semaphore, #tpu.memory_space<semaphore_mem>>)
      %dma_wait3A_19 = tpu.memref_slice %arg3[%run_scoped3A, %mul3A_2] : memref<2x2048xi32, #tpu.memory_space<hbm>> -> memref<1x64xi32, #tpu.memory_space<hbm>>
      %dma_wait3A_20 = tpu.memref_squeeze %dma_wait3A_19 : memref<1x64xi32, #tpu.memory_space<hbm>> -> memref<64xi32, #tpu.memory_space<hbm>>
      %dma_wait3A_21 = tpu.memref_slice %arg3[%run_scoped3A, %mul3A_2] : memref<2x2048xi32, #tpu.memory_space<hbm>> -> memref<1x64xi32, #tpu.memory_space<hbm>>
      %dma_wait3A_22 = tpu.memref_squeeze %dma_wait3A_21 : memref<1x64xi32, #tpu.memory_space<hbm>> -> memref<64xi32, #tpu.memory_space<hbm>>
      tpu.wait_dma2 semaphore(%run_scoped3A_14 : memref<!tpu.dma_semaphore, #tpu.memory_space<semaphore_mem>>) src(%dma_wait3A_22 : memref<64xi32, #tpu.memory_space<hbm>>) dst(%arg5 : memref<64xi32, #tpu.memory_space<vmem>>)
      tpu.yield
    }) : () -> ()
    %run_scoped3A_3 = arith.constant 1 : i32
    "tpu.region"() ({
      %run_scoped3A_14 = tpu.sem_alloc : memref<!tpu.dma_semaphore, #tpu.memory_space<semaphore_mem>>
      %dma_start3A_15 = tpu.memref_slice %arg3[%run_scoped3A_3, %mul3A_2] : memref<2x2048xi32, #tpu.memory_space<hbm>> -> memref<1x64xi32, #tpu.memory_space<hbm>>
      %dma_start3A_16 = tpu.memref_squeeze %dma_start3A_15 : memref<1x64xi32, #tpu.memory_space<hbm>> -> memref<64xi32, #tpu.memory_space<hbm>>
      %dma_start3A_17 = tpu.memref_slice %arg3[%run_scoped3A_3, %mul3A_2] : memref<2x2048xi32, #tpu.memory_space<hbm>> -> memref<1x64xi32, #tpu.memory_space<hbm>>
      %dma_start3A_18 = tpu.memref_squeeze %dma_start3A_17 : memref<1x64xi32, #tpu.memory_space<hbm>> -> memref<64xi32, #tpu.memory_space<hbm>>
      tpu.enqueue_dma source(%dma_start3A_18 : memref<64xi32, #tpu.memory_space<hbm>>) target(%arg6 : memref<64xi32, #tpu.memory_space<vmem>>) target_semaphore(%run_scoped3A_14 : memref<!tpu.dma_semaphore, #tpu.memory_space<semaphore_mem>>)
      %dma_wait3A_19 = tpu.memref_slice %arg3[%run_scoped3A_3, %mul3A_2] : memref<2x2048xi32, #tpu.memory_space<hbm>> -> memref<1x64xi32, #tpu.memory_space<hbm>>
      %dma_wait3A_20 = tpu.memref_squeeze %dma_wait3A_19 : memref<1x64xi32, #tpu.memory_space<hbm>> -> memref<64xi32, #tpu.memory_space<hbm>>
      %dma_wait3A_21 = tpu.memref_slice %arg3[%run_scoped3A_3, %mul3A_2] : memref<2x2048xi32, #tpu.memory_space<hbm>> -> memref<1x64xi32, #tpu.memory_space<hbm>>
      %dma_wait3A_22 = tpu.memref_squeeze %dma_wait3A_21 : memref<1x64xi32, #tpu.memory_space<hbm>> -> memref<64xi32, #tpu.memory_space<hbm>>
      tpu.wait_dma2 semaphore(%run_scoped3A_14 : memref<!tpu.dma_semaphore, #tpu.memory_space<semaphore_mem>>) src(%dma_wait3A_22 : memref<64xi32, #tpu.memory_space<hbm>>) dst(%arg6 : memref<64xi32, #tpu.memory_space<vmem>>)
      tpu.yield
    }) : () -> ()
    "tpu.region"() ({
      %run_scoped3A_14 = tpu.sem_alloc : memref<!tpu.dma_semaphore, #tpu.memory_space<semaphore_mem>>
      %dma_start3A_15 = arith.constant 0 : i32
      %dma_start3A_16 = tpu.memref_slice %arg2[%mul3A_2, %dma_start3A_15] : memref<2048x1024xf32, #tpu.memory_space<hbm>> -> memref<64x1024xf32, #tpu.memory_space<hbm>>
      %dma_start3A_17 = arith.constant 0 : i32
      %dma_start3A_18 = tpu.memref_slice %arg2[%mul3A_2, %dma_start3A_17] : memref<2048x1024xf32, #tpu.memory_space<hbm>> -> memref<64x1024xf32, #tpu.memory_space<hbm>>
      tpu.enqueue_dma source(%dma_start3A_18 : memref<64x1024xf32, #tpu.memory_space<hbm>>) target(%arg7 : memref<64x1024xf32, #tpu.memory_space<vmem>>) target_semaphore(%run_scoped3A_14 : memref<!tpu.dma_semaphore, #tpu.memory_space<semaphore_mem>>)
      %dma_wait3A_19 = arith.constant 0 : i32
      %dma_wait3A_20 = tpu.memref_slice %arg2[%mul3A_2, %dma_wait3A_19] : memref<2048x1024xf32, #tpu.memory_space<hbm>> -> memref<64x1024xf32, #tpu.memory_space<hbm>>
      %dma_wait3A_21 = arith.constant 0 : i32
      %dma_wait3A_22 = tpu.memref_slice %arg2[%mul3A_2, %dma_wait3A_21] : memref<2048x1024xf32, #tpu.memory_space<hbm>> -> memref<64x1024xf32, #tpu.memory_space<hbm>>
      tpu.wait_dma2 semaphore(%run_scoped3A_14 : memref<!tpu.dma_semaphore, #tpu.memory_space<semaphore_mem>>) src(%dma_wait3A_22 : memref<64x1024xf32, #tpu.memory_space<hbm>>) dst(%arg7 : memref<64x1024xf32, #tpu.memory_space<vmem>>)
      tpu.yield
    }) : () -> ()
    %dma_start3A = arith.constant 0 : i32
    %dma_start3A_4 = arith.constant 0 : i32
    %dma_start3A_5 = tpu.memref_slice %arg4[%dma_start3A, %dma_start3A_4] : memref<8192x1024xf32, #tpu.memory_space<hbm>> -> memref<8192x1024xf32, #tpu.memory_space<hbm>>
    tpu.enqueue_indirect_dma source(%arg7 : memref<64x1024xf32, #tpu.memory_space<vmem>>) target(%dma_start3A_5 : memref<8192x1024xf32, #tpu.memory_space<hbm>>) offsets(%arg5 : memref<64xi32, #tpu.memory_space<vmem>>) semaphore(%arg8 : memref<!tpu.dma_semaphore, #tpu.memory_space<semaphore_mem>>)
    %dma_start3A_6 = arith.constant 0 : i32
    %dma_start3A_7 = arith.constant 0 : i32
    %dma_start3A_8 = tpu.memref_slice %arg4[%dma_start3A_6, %dma_start3A_7] : memref<8192x1024xf32, #tpu.memory_space<hbm>> -> memref<8192x1024xf32, #tpu.memory_space<hbm>>
    tpu.enqueue_indirect_dma source(%arg7 : memref<64x1024xf32, #tpu.memory_space<vmem>>) target(%dma_start3A_8 : memref<8192x1024xf32, #tpu.memory_space<hbm>>) offsets(%arg6 : memref<64xi32, #tpu.memory_space<vmem>>) semaphore(%arg8 : memref<!tpu.dma_semaphore, #tpu.memory_space<semaphore_mem>>)
    %dma_wait3A = arith.constant 0 : i32
    %dma_wait3A_9 = arith.constant 0 : i32
    %dma_wait3A_10 = tpu.memref_slice %arg4[%dma_wait3A, %dma_wait3A_9] : memref<8192x1024xf32, #tpu.memory_space<hbm>> -> memref<8192x1024xf32, #tpu.memory_space<hbm>>
    tpu.wait_indirect_dma semaphore(%arg8 : memref<!tpu.dma_semaphore, #tpu.memory_space<semaphore_mem>>) src(%arg7 : memref<64x1024xf32, #tpu.memory_space<vmem>>) dst(%dma_wait3A_10 : memref<8192x1024xf32, #tpu.memory_space<hbm>>)
    %dma_wait3A_11 = arith.constant 0 : i32
    %dma_wait3A_12 = arith.constant 0 : i32
    %dma_wait3A_13 = tpu.memref_slice %arg4[%dma_wait3A_11, %dma_wait3A_12] : memref<8192x1024xf32, #tpu.memory_space<hbm>> -> memref<8192x1024xf32, #tpu.memory_space<hbm>>
    tpu.wait_indirect_dma semaphore(%arg8 : memref<!tpu.dma_semaphore, #tpu.memory_space<semaphore_mem>>) src(%arg7 : memref<64x1024xf32, #tpu.memory_space<vmem>>) dst(%dma_wait3A_13 : memref<8192x1024xf32, #tpu.memory_space<hbm>>)
    return
  }
}

#map = affine_map<(d0, d1) -> (0, 0)>
#map1 = affine_map<(d0, d1) -> (0, 0, 0)>
module attributes {stable_mosaic.version = 14 : i64} {
  func.func @body(%arg0: i32, %arg1: i32, %arg2: memref<8192x1024xf32, #tpu.memory_space<hbm>>, %arg3: memref<2x2048xi32, #tpu.memory_space<hbm>>, %arg4: memref<2x2048x16xf32, #tpu.memory_space<hbm>>, %arg5: memref<2048x1024xf32, #tpu.memory_space<hbm>>, %arg6: memref<64xi32, #tpu.memory_space<vmem>>, %arg7: memref<64xi32, #tpu.memory_space<vmem>>, %arg8: memref<64x16xf32, #tpu.memory_space<vmem>>, %arg9: memref<64x16xf32, #tpu.memory_space<vmem>>, %arg10: memref<16x1024xf32, #tpu.memory_space<vmem>>, %arg11: memref<16x1024xf32, #tpu.memory_space<vmem>>, %arg12: memref<16x1024xf32, #tpu.memory_space<vmem>>, %arg13: memref<16x1024xf32, #tpu.memory_space<vmem>>, %arg14: memref<!tpu.dma_semaphore, #tpu.memory_space<semaphore_mem>>) attributes {dimension_semantics = [#tpu.dimension_semantics<core_parallel>, #tpu.dimension_semantics<subcore_parallel>], iteration_bounds = array<i64: 2, 16>, scalar_prefetch = 0 : i64, scratch_operands = 9 : i64, tpu.core_type = #tpu.core_type<sc_vector_subcore>, window_params = [{transform_indices = #map}, {transform_indices = #map}, {transform_indices = #map1}, {transform_indices = #map}]} {
    %mul3A = arith.constant 2 : i32
    %mul3A_0 = arith.muli %arg1, %mul3A : i32
    %add3A = arith.addi %mul3A_0, %arg0 : i32
    %mul3A_1 = arith.constant 64 : i32
    %mul3A_2 = arith.muli %add3A, %mul3A_1 : i32
    %run_scoped3A = arith.constant 0 : i32
    "tpu.region"() ({
      %run_scoped3A_111 = tpu.sem_alloc : memref<!tpu.dma_semaphore, #tpu.memory_space<semaphore_mem>>
      %dma_start3A_112 = tpu.memref_slice %arg3[%run_scoped3A, %mul3A_2] : memref<2x2048xi32, #tpu.memory_space<hbm>> -> memref<1x64xi32, #tpu.memory_space<hbm>>
      %dma_start3A_113 = tpu.memref_squeeze %dma_start3A_112 : memref<1x64xi32, #tpu.memory_space<hbm>> -> memref<64xi32, #tpu.memory_space<hbm>>
      %dma_start3A_114 = tpu.memref_slice %arg3[%run_scoped3A, %mul3A_2] : memref<2x2048xi32, #tpu.memory_space<hbm>> -> memref<1x64xi32, #tpu.memory_space<hbm>>
      %dma_start3A_115 = tpu.memref_squeeze %dma_start3A_114 : memref<1x64xi32, #tpu.memory_space<hbm>> -> memref<64xi32, #tpu.memory_space<hbm>>
      tpu.enqueue_dma source(%dma_start3A_115 : memref<64xi32, #tpu.memory_space<hbm>>) target(%arg6 : memref<64xi32, #tpu.memory_space<vmem>>) target_semaphore(%run_scoped3A_111 : memref<!tpu.dma_semaphore, #tpu.memory_space<semaphore_mem>>)
      %dma_wait3A_116 = tpu.memref_slice %arg3[%run_scoped3A, %mul3A_2] : memref<2x2048xi32, #tpu.memory_space<hbm>> -> memref<1x64xi32, #tpu.memory_space<hbm>>
      %dma_wait3A_117 = tpu.memref_squeeze %dma_wait3A_116 : memref<1x64xi32, #tpu.memory_space<hbm>> -> memref<64xi32, #tpu.memory_space<hbm>>
      %dma_wait3A_118 = tpu.memref_slice %arg3[%run_scoped3A, %mul3A_2] : memref<2x2048xi32, #tpu.memory_space<hbm>> -> memref<1x64xi32, #tpu.memory_space<hbm>>
      %dma_wait3A_119 = tpu.memref_squeeze %dma_wait3A_118 : memref<1x64xi32, #tpu.memory_space<hbm>> -> memref<64xi32, #tpu.memory_space<hbm>>
      tpu.wait_dma2 semaphore(%run_scoped3A_111 : memref<!tpu.dma_semaphore, #tpu.memory_space<semaphore_mem>>) src(%dma_wait3A_119 : memref<64xi32, #tpu.memory_space<hbm>>) dst(%arg6 : memref<64xi32, #tpu.memory_space<vmem>>)
      tpu.yield
    }) : () -> ()
    %run_scoped3A_3 = arith.constant 1 : i32
    "tpu.region"() ({
      %run_scoped3A_111 = tpu.sem_alloc : memref<!tpu.dma_semaphore, #tpu.memory_space<semaphore_mem>>
      %dma_start3A_112 = tpu.memref_slice %arg3[%run_scoped3A_3, %mul3A_2] : memref<2x2048xi32, #tpu.memory_space<hbm>> -> memref<1x64xi32, #tpu.memory_space<hbm>>
      %dma_start3A_113 = tpu.memref_squeeze %dma_start3A_112 : memref<1x64xi32, #tpu.memory_space<hbm>> -> memref<64xi32, #tpu.memory_space<hbm>>
      %dma_start3A_114 = tpu.memref_slice %arg3[%run_scoped3A_3, %mul3A_2] : memref<2x2048xi32, #tpu.memory_space<hbm>> -> memref<1x64xi32, #tpu.memory_space<hbm>>
      %dma_start3A_115 = tpu.memref_squeeze %dma_start3A_114 : memref<1x64xi32, #tpu.memory_space<hbm>> -> memref<64xi32, #tpu.memory_space<hbm>>
      tpu.enqueue_dma source(%dma_start3A_115 : memref<64xi32, #tpu.memory_space<hbm>>) target(%arg7 : memref<64xi32, #tpu.memory_space<vmem>>) target_semaphore(%run_scoped3A_111 : memref<!tpu.dma_semaphore, #tpu.memory_space<semaphore_mem>>)
      %dma_wait3A_116 = tpu.memref_slice %arg3[%run_scoped3A_3, %mul3A_2] : memref<2x2048xi32, #tpu.memory_space<hbm>> -> memref<1x64xi32, #tpu.memory_space<hbm>>
      %dma_wait3A_117 = tpu.memref_squeeze %dma_wait3A_116 : memref<1x64xi32, #tpu.memory_space<hbm>> -> memref<64xi32, #tpu.memory_space<hbm>>
      %dma_wait3A_118 = tpu.memref_slice %arg3[%run_scoped3A_3, %mul3A_2] : memref<2x2048xi32, #tpu.memory_space<hbm>> -> memref<1x64xi32, #tpu.memory_space<hbm>>
      %dma_wait3A_119 = tpu.memref_squeeze %dma_wait3A_118 : memref<1x64xi32, #tpu.memory_space<hbm>> -> memref<64xi32, #tpu.memory_space<hbm>>
      tpu.wait_dma2 semaphore(%run_scoped3A_111 : memref<!tpu.dma_semaphore, #tpu.memory_space<semaphore_mem>>) src(%dma_wait3A_119 : memref<64xi32, #tpu.memory_space<hbm>>) dst(%arg7 : memref<64xi32, #tpu.memory_space<vmem>>)
      tpu.yield
    }) : () -> ()
    %run_scoped3A_4 = arith.constant 0 : i32
    "tpu.region"() ({
      %run_scoped3A_111 = tpu.sem_alloc : memref<!tpu.dma_semaphore, #tpu.memory_space<semaphore_mem>>
      %dma_start3A_112 = arith.constant 0 : i32
      %dma_start3A_113 = tpu.memref_slice %arg4[%run_scoped3A_4, %mul3A_2, %dma_start3A_112] : memref<2x2048x16xf32, #tpu.memory_space<hbm>> -> memref<1x64x16xf32, #tpu.memory_space<hbm>>
      %dma_start3A_114 = tpu.memref_squeeze %dma_start3A_113 : memref<1x64x16xf32, #tpu.memory_space<hbm>> -> memref<64x16xf32, #tpu.memory_space<hbm>>
      %dma_start3A_115 = arith.constant 0 : i32
      %dma_start3A_116 = tpu.memref_slice %arg4[%run_scoped3A_4, %mul3A_2, %dma_start3A_115] : memref<2x2048x16xf32, #tpu.memory_space<hbm>> -> memref<1x64x16xf32, #tpu.memory_space<hbm>>
      %dma_start3A_117 = tpu.memref_squeeze %dma_start3A_116 : memref<1x64x16xf32, #tpu.memory_space<hbm>> -> memref<64x16xf32, #tpu.memory_space<hbm>>
      tpu.enqueue_dma source(%dma_start3A_117 : memref<64x16xf32, #tpu.memory_space<hbm>>) target(%arg8 : memref<64x16xf32, #tpu.memory_space<vmem>>) target_semaphore(%run_scoped3A_111 : memref<!tpu.dma_semaphore, #tpu.memory_space<semaphore_mem>>)
      %dma_wait3A_118 = arith.constant 0 : i32
      %dma_wait3A_119 = tpu.memref_slice %arg4[%run_scoped3A_4, %mul3A_2, %dma_wait3A_118] : memref<2x2048x16xf32, #tpu.memory_space<hbm>> -> memref<1x64x16xf32, #tpu.memory_space<hbm>>
      %dma_wait3A_120 = tpu.memref_squeeze %dma_wait3A_119 : memref<1x64x16xf32, #tpu.memory_space<hbm>> -> memref<64x16xf32, #tpu.memory_space<hbm>>
      %dma_wait3A_121 = arith.constant 0 : i32
      %dma_wait3A_122 = tpu.memref_slice %arg4[%run_scoped3A_4, %mul3A_2, %dma_wait3A_121] : memref<2x2048x16xf32, #tpu.memory_space<hbm>> -> memref<1x64x16xf32, #tpu.memory_space<hbm>>
      %dma_wait3A_123 = tpu.memref_squeeze %dma_wait3A_122 : memref<1x64x16xf32, #tpu.memory_space<hbm>> -> memref<64x16xf32, #tpu.memory_space<hbm>>
      tpu.wait_dma2 semaphore(%run_scoped3A_111 : memref<!tpu.dma_semaphore, #tpu.memory_space<semaphore_mem>>) src(%dma_wait3A_123 : memref<64x16xf32, #tpu.memory_space<hbm>>) dst(%arg8 : memref<64x16xf32, #tpu.memory_space<vmem>>)
      tpu.yield
    }) : () -> ()
    %run_scoped3A_5 = arith.constant 1 : i32
    "tpu.region"() ({
      %run_scoped3A_111 = tpu.sem_alloc : memref<!tpu.dma_semaphore, #tpu.memory_space<semaphore_mem>>
      %dma_start3A_112 = arith.constant 0 : i32
      %dma_start3A_113 = tpu.memref_slice %arg4[%run_scoped3A_5, %mul3A_2, %dma_start3A_112] : memref<2x2048x16xf32, #tpu.memory_space<hbm>> -> memref<1x64x16xf32, #tpu.memory_space<hbm>>
      %dma_start3A_114 = tpu.memref_squeeze %dma_start3A_113 : memref<1x64x16xf32, #tpu.memory_space<hbm>> -> memref<64x16xf32, #tpu.memory_space<hbm>>
      %dma_start3A_115 = arith.constant 0 : i32
      %dma_start3A_116 = tpu.memref_slice %arg4[%run_scoped3A_5, %mul3A_2, %dma_start3A_115] : memref<2x2048x16xf32, #tpu.memory_space<hbm>> -> memref<1x64x16xf32, #tpu.memory_space<hbm>>
      %dma_start3A_117 = tpu.memref_squeeze %dma_start3A_116 : memref<1x64x16xf32, #tpu.memory_space<hbm>> -> memref<64x16xf32, #tpu.memory_space<hbm>>
      tpu.enqueue_dma source(%dma_start3A_117 : memref<64x16xf32, #tpu.memory_space<hbm>>) target(%arg9 : memref<64x16xf32, #tpu.memory_space<vmem>>) target_semaphore(%run_scoped3A_111 : memref<!tpu.dma_semaphore, #tpu.memory_space<semaphore_mem>>)
      %dma_wait3A_118 = arith.constant 0 : i32
      %dma_wait3A_119 = tpu.memref_slice %arg4[%run_scoped3A_5, %mul3A_2, %dma_wait3A_118] : memref<2x2048x16xf32, #tpu.memory_space<hbm>> -> memref<1x64x16xf32, #tpu.memory_space<hbm>>
      %dma_wait3A_120 = tpu.memref_squeeze %dma_wait3A_119 : memref<1x64x16xf32, #tpu.memory_space<hbm>> -> memref<64x16xf32, #tpu.memory_space<hbm>>
      %dma_wait3A_121 = arith.constant 0 : i32
      %dma_wait3A_122 = tpu.memref_slice %arg4[%run_scoped3A_5, %mul3A_2, %dma_wait3A_121] : memref<2x2048x16xf32, #tpu.memory_space<hbm>> -> memref<1x64x16xf32, #tpu.memory_space<hbm>>
      %dma_wait3A_123 = tpu.memref_squeeze %dma_wait3A_122 : memref<1x64x16xf32, #tpu.memory_space<hbm>> -> memref<64x16xf32, #tpu.memory_space<hbm>>
      tpu.wait_dma2 semaphore(%run_scoped3A_111 : memref<!tpu.dma_semaphore, #tpu.memory_space<semaphore_mem>>) src(%dma_wait3A_123 : memref<64x16xf32, #tpu.memory_space<hbm>>) dst(%arg9 : memref<64x16xf32, #tpu.memory_space<vmem>>)
      tpu.yield
    }) : () -> ()
    %dma_start3A = arith.constant 0 : i32
    %dma_start3A_6 = tpu.memref_slice %arg6[%dma_start3A] : memref<64xi32, #tpu.memory_space<vmem>> -> memref<16xi32, #tpu.memory_space<vmem>>
    %dma_start3A_7 = arith.constant 0 : i32
    %dma_start3A_8 = arith.constant 0 : i32
    %dma_start3A_9 = tpu.memref_slice %arg2[%dma_start3A_7, %dma_start3A_8] : memref<8192x1024xf32, #tpu.memory_space<hbm>> -> memref<8192x1024xf32, #tpu.memory_space<hbm>>
    tpu.enqueue_indirect_dma source(%dma_start3A_9 : memref<8192x1024xf32, #tpu.memory_space<hbm>>) target(%arg10 : memref<16x1024xf32, #tpu.memory_space<vmem>>) offsets(%dma_start3A_6 : memref<16xi32, #tpu.memory_space<vmem>>) semaphore(%arg14 : memref<!tpu.dma_semaphore, #tpu.memory_space<semaphore_mem>>)
    %dma_start3A_10 = arith.constant 0 : i32
    %dma_start3A_11 = tpu.memref_slice %arg7[%dma_start3A_10] : memref<64xi32, #tpu.memory_space<vmem>> -> memref<16xi32, #tpu.memory_space<vmem>>
    %dma_start3A_12 = arith.constant 0 : i32
    %dma_start3A_13 = arith.constant 0 : i32
    %dma_start3A_14 = tpu.memref_slice %arg2[%dma_start3A_12, %dma_start3A_13] : memref<8192x1024xf32, #tpu.memory_space<hbm>> -> memref<8192x1024xf32, #tpu.memory_space<hbm>>
    tpu.enqueue_indirect_dma source(%dma_start3A_14 : memref<8192x1024xf32, #tpu.memory_space<hbm>>) target(%arg11 : memref<16x1024xf32, #tpu.memory_space<vmem>>) offsets(%dma_start3A_11 : memref<16xi32, #tpu.memory_space<vmem>>) semaphore(%arg14 : memref<!tpu.dma_semaphore, #tpu.memory_space<semaphore_mem>>)
    %dma_wait3A = arith.constant 0 : i32
    %dma_wait3A_15 = tpu.memref_slice %arg6[%dma_wait3A] : memref<64xi32, #tpu.memory_space<vmem>> -> memref<16xi32, #tpu.memory_space<vmem>>
    %dma_wait3A_16 = arith.constant 0 : i32
    %dma_wait3A_17 = arith.constant 0 : i32
    %dma_wait3A_18 = tpu.memref_slice %arg2[%dma_wait3A_16, %dma_wait3A_17] : memref<8192x1024xf32, #tpu.memory_space<hbm>> -> memref<8192x1024xf32, #tpu.memory_space<hbm>>
    tpu.wait_indirect_dma semaphore(%arg14 : memref<!tpu.dma_semaphore, #tpu.memory_space<semaphore_mem>>) src(%dma_wait3A_18 : memref<8192x1024xf32, #tpu.memory_space<hbm>>) dst(%arg10 : memref<16x1024xf32, #tpu.memory_space<vmem>>)
    %dma_wait3A_19 = arith.constant 0 : i32
    %dma_wait3A_20 = tpu.memref_slice %arg7[%dma_wait3A_19] : memref<64xi32, #tpu.memory_space<vmem>> -> memref<16xi32, #tpu.memory_space<vmem>>
    %dma_wait3A_21 = arith.constant 0 : i32
    %dma_wait3A_22 = arith.constant 0 : i32
    %dma_wait3A_23 = tpu.memref_slice %arg2[%dma_wait3A_21, %dma_wait3A_22] : memref<8192x1024xf32, #tpu.memory_space<hbm>> -> memref<8192x1024xf32, #tpu.memory_space<hbm>>
    tpu.wait_indirect_dma semaphore(%arg14 : memref<!tpu.dma_semaphore, #tpu.memory_space<semaphore_mem>>) src(%dma_wait3A_23 : memref<8192x1024xf32, #tpu.memory_space<hbm>>) dst(%arg11 : memref<16x1024xf32, #tpu.memory_space<vmem>>)
    %dma_start3A_24 = arith.constant 16 : i32
    %dma_start3A_25 = tpu.memref_slice %arg6[%dma_start3A_24] : memref<64xi32, #tpu.memory_space<vmem>> -> memref<16xi32, #tpu.memory_space<vmem>>
    %dma_start3A_26 = arith.constant 0 : i32
    %dma_start3A_27 = arith.constant 0 : i32
    %dma_start3A_28 = tpu.memref_slice %arg2[%dma_start3A_26, %dma_start3A_27] : memref<8192x1024xf32, #tpu.memory_space<hbm>> -> memref<8192x1024xf32, #tpu.memory_space<hbm>>
    tpu.enqueue_indirect_dma source(%dma_start3A_28 : memref<8192x1024xf32, #tpu.memory_space<hbm>>) target(%arg12 : memref<16x1024xf32, #tpu.memory_space<vmem>>) offsets(%dma_start3A_25 : memref<16xi32, #tpu.memory_space<vmem>>) semaphore(%arg14 : memref<!tpu.dma_semaphore, #tpu.memory_space<semaphore_mem>>)
    %dma_start3A_29 = arith.constant 16 : i32
    %dma_start3A_30 = tpu.memref_slice %arg7[%dma_start3A_29] : memref<64xi32, #tpu.memory_space<vmem>> -> memref<16xi32, #tpu.memory_space<vmem>>
    %dma_start3A_31 = arith.constant 0 : i32
    %dma_start3A_32 = arith.constant 0 : i32
    %dma_start3A_33 = tpu.memref_slice %arg2[%dma_start3A_31, %dma_start3A_32] : memref<8192x1024xf32, #tpu.memory_space<hbm>> -> memref<8192x1024xf32, #tpu.memory_space<hbm>>
    tpu.enqueue_indirect_dma source(%dma_start3A_33 : memref<8192x1024xf32, #tpu.memory_space<hbm>>) target(%arg13 : memref<16x1024xf32, #tpu.memory_space<vmem>>) offsets(%dma_start3A_30 : memref<16xi32, #tpu.memory_space<vmem>>) semaphore(%arg14 : memref<!tpu.dma_semaphore, #tpu.memory_space<semaphore_mem>>)
    %scan3A = arith.constant 0 : i32
    %scan3A_34 = arith.constant 16 : i32
    %scan3A_35 = arith.addi %scan3A, %scan3A_34 : i32
    %scan3A_36 = arith.constant 1 : i32
    scf.for %scan3A_111 = %scan3A to %scan3A_35 step %scan3A_36  : i32 {
      %add3A_112 = arith.constant 0 : i32
      %add3A_113 = arith.addi %add3A_112, %scan3A_111 : i32
      %get3A = arith.index_cast %add3A_113 : i32 to index
      %get3A_114 = arith.constant 0 : index
      %get3A_115 = tpu.vector_load %arg8[%get3A, %get3A_114] {strides = array<i32>} : memref<64x16xf32, #tpu.memory_space<vmem>>, vector<1x16xf32>,
      %get3A_116 = vector.shape_cast %get3A_115 : vector<1x16xf32> to vector<16xf32>
      %add3A_117 = arith.constant 0 : i32
      %add3A_118 = arith.addi %add3A_117, %scan3A_111 : i32
      %get3A_119 = arith.index_cast %add3A_118 : i32 to index
      %get3A_120 = arith.constant 0 : index
      %get3A_121 = tpu.vector_load %arg9[%get3A_119, %get3A_120] {strides = array<i32>} : memref<64x16xf32, #tpu.memory_space<vmem>>, vector<1x16xf32>,
      %get3A_122 = vector.shape_cast %get3A_121 : vector<1x16xf32> to vector<16xf32>
      %scan3A_123 = arith.constant 0 : i32
      %scan3A_124 = arith.constant 64 : i32
      %scan3A_125 = arith.addi %scan3A_123, %scan3A_124 : i32
      %scan3A_126 = arith.constant 4 : i32
      scf.for %scan3A_128 = %scan3A_123 to %scan3A_125 step %scan3A_126  : i32 {
        %mul3A_129 = arith.constant 16 : i32
        %mul3A_130 = arith.muli %scan3A_128, %mul3A_129 : i32
        %get3A_131 = arith.index_cast %scan3A_111 : i32 to index
        %get3A_132 = arith.index_cast %mul3A_130 : i32 to index
        %get3A_133 = tpu.vector_load %arg10[%get3A_131, %get3A_132] {strides = array<i32>} : memref<16x1024xf32, #tpu.memory_space<vmem>>, vector<1x16xf32>,
        %get3A_134 = vector.shape_cast %get3A_133 : vector<1x16xf32> to vector<16xf32>
        %mul3A_135 = arith.mulf %get3A_116, %get3A_134 : vector<16xf32>
        %get3A_136 = arith.index_cast %scan3A_111 : i32 to index
        %get3A_137 = arith.index_cast %mul3A_130 : i32 to index
        %get3A_138 = tpu.vector_load %arg11[%get3A_136, %get3A_137] {strides = array<i32>} : memref<16x1024xf32, #tpu.memory_space<vmem>>, vector<1x16xf32>,
        %get3A_139 = vector.shape_cast %get3A_138 : vector<1x16xf32> to vector<16xf32>
        %mul3A_140 = arith.mulf %get3A_122, %get3A_139 : vector<16xf32>
        %add3A_141 = arith.addf %mul3A_135, %mul3A_140 : vector<16xf32>
        %swap3A = arith.index_cast %scan3A_111 : i32 to index
        %swap3A_142 = arith.index_cast %mul3A_130 : i32 to index
        %swap3A_143 = tpu.vector_load %arg10[%swap3A, %swap3A_142] {strides = array<i32>} : memref<16x1024xf32, #tpu.memory_space<vmem>>, vector<1x16xf32>,
        %swap3A_144 = vector.shape_cast %swap3A_143 : vector<1x16xf32> to vector<16xf32>
        %swap3A_145 = vector.shape_cast %add3A_141 : vector<16xf32> to vector<1x16xf32>
        tpu.vector_store %arg10[%swap3A, %swap3A_142], %swap3A_145 {strides = array<i32>} : memref<16x1024xf32, #tpu.memory_space<vmem>>, vector<1x16xf32>,
        %scan3A_146 = arith.constant 1 : i32
        %scan3A_147 = arith.addi %scan3A_128, %scan3A_146 : i32
        %mul3A_148 = arith.constant 16 : i32
        %mul3A_149 = arith.muli %scan3A_147, %mul3A_148 : i32
        %get3A_150 = arith.index_cast %scan3A_111 : i32 to index
        %get3A_151 = arith.index_cast %mul3A_149 : i32 to index
        %get3A_152 = tpu.vector_load %arg10[%get3A_150, %get3A_151] {strides = array<i32>} : memref<16x1024xf32, #tpu.memory_space<vmem>>, vector<1x16xf32>,
        %get3A_153 = vector.shape_cast %get3A_152 : vector<1x16xf32> to vector<16xf32>
        %mul3A_154 = arith.mulf %get3A_116, %get3A_153 : vector<16xf32>
        %get3A_155 = arith.index_cast %scan3A_111 : i32 to index
        %get3A_156 = arith.index_cast %mul3A_149 : i32 to index
        %get3A_157 = tpu.vector_load %arg11[%get3A_155, %get3A_156] {strides = array<i32>} : memref<16x1024xf32, #tpu.memory_space<vmem>>, vector<1x16xf32>,
        %get3A_158 = vector.shape_cast %get3A_157 : vector<1x16xf32> to vector<16xf32>
        %mul3A_159 = arith.mulf %get3A_122, %get3A_158 : vector<16xf32>
        %add3A_160 = arith.addf %mul3A_154, %mul3A_159 : vector<16xf32>
        %swap3A_161 = arith.index_cast %scan3A_111 : i32 to index
        %swap3A_162 = arith.index_cast %mul3A_149 : i32 to index
        %swap3A_163 = tpu.vector_load %arg10[%swap3A_161, %swap3A_162] {strides = array<i32>} : memref<16x1024xf32, #tpu.memory_space<vmem>>, vector<1x16xf32>,
        %swap3A_164 = vector.shape_cast %swap3A_163 : vector<1x16xf32> to vector<16xf32>
        %swap3A_165 = vector.shape_cast %add3A_160 : vector<16xf32> to vector<1x16xf32>
        tpu.vector_store %arg10[%swap3A_161, %swap3A_162], %swap3A_165 {strides = array<i32>} : memref<16x1024xf32, #tpu.memory_space<vmem>>, vector<1x16xf32>,
        %scan3A_166 = arith.constant 2 : i32
        %scan3A_167 = arith.addi %scan3A_128, %scan3A_166 : i32
        %mul3A_168 = arith.constant 16 : i32
        %mul3A_169 = arith.muli %scan3A_167, %mul3A_168 : i32
        %get3A_170 = arith.index_cast %scan3A_111 : i32 to index
        %get3A_171 = arith.index_cast %mul3A_169 : i32 to index
        %get3A_172 = tpu.vector_load %arg10[%get3A_170, %get3A_171] {strides = array<i32>} : memref<16x1024xf32, #tpu.memory_space<vmem>>, vector<1x16xf32>,
        %get3A_173 = vector.shape_cast %get3A_172 : vector<1x16xf32> to vector<16xf32>
        %mul3A_174 = arith.mulf %get3A_116, %get3A_173 : vector<16xf32>
        %get3A_175 = arith.index_cast %scan3A_111 : i32 to index
        %get3A_176 = arith.index_cast %mul3A_169 : i32 to index
        %get3A_177 = tpu.vector_load %arg11[%get3A_175, %get3A_176] {strides = array<i32>} : memref<16x1024xf32, #tpu.memory_space<vmem>>, vector<1x16xf32>,
        %get3A_178 = vector.shape_cast %get3A_177 : vector<1x16xf32> to vector<16xf32>
        %mul3A_179 = arith.mulf %get3A_122, %get3A_178 : vector<16xf32>
        %add3A_180 = arith.addf %mul3A_174, %mul3A_179 : vector<16xf32>
        %swap3A_181 = arith.index_cast %scan3A_111 : i32 to index
        %swap3A_182 = arith.index_cast %mul3A_169 : i32 to index
        %swap3A_183 = tpu.vector_load %arg10[%swap3A_181, %swap3A_182] {strides = array<i32>} : memref<16x1024xf32, #tpu.memory_space<vmem>>, vector<1x16xf32>,
        %swap3A_184 = vector.shape_cast %swap3A_183 : vector<1x16xf32> to vector<16xf32>
        %swap3A_185 = vector.shape_cast %add3A_180 : vector<16xf32> to vector<1x16xf32>
        tpu.vector_store %arg10[%swap3A_181, %swap3A_182], %swap3A_185 {strides = array<i32>} : memref<16x1024xf32, #tpu.memory_space<vmem>>, vector<1x16xf32>,
        %scan3A_186 = arith.constant 3 : i32
        %scan3A_187 = arith.addi %scan3A_128, %scan3A_186 : i32
        %mul3A_188 = arith.constant 16 : i32
        %mul3A_189 = arith.muli %scan3A_187, %mul3A_188 : i32
        %get3A_190 = arith.index_cast %scan3A_111 : i32 to index
        %get3A_191 = arith.index_cast %mul3A_189 : i32 to index
        %get3A_192 = tpu.vector_load %arg10[%get3A_190, %get3A_191] {strides = array<i32>} : memref<16x1024xf32, #tpu.memory_space<vmem>>, vector<1x16xf32>,
        %get3A_193 = vector.shape_cast %get3A_192 : vector<1x16xf32> to vector<16xf32>
        %mul3A_194 = arith.mulf %get3A_116, %get3A_193 : vector<16xf32>
        %get3A_195 = arith.index_cast %scan3A_111 : i32 to index
        %get3A_196 = arith.index_cast %mul3A_189 : i32 to index
        %get3A_197 = tpu.vector_load %arg11[%get3A_195, %get3A_196] {strides = array<i32>} : memref<16x1024xf32, #tpu.memory_space<vmem>>, vector<1x16xf32>,
        %get3A_198 = vector.shape_cast %get3A_197 : vector<1x16xf32> to vector<16xf32>
        %mul3A_199 = arith.mulf %get3A_122, %get3A_198 : vector<16xf32>
        %add3A_200 = arith.addf %mul3A_194, %mul3A_199 : vector<16xf32>
        %swap3A_201 = arith.index_cast %scan3A_111 : i32 to index
        %swap3A_202 = arith.index_cast %mul3A_189 : i32 to index
        %swap3A_203 = tpu.vector_load %arg10[%swap3A_201, %swap3A_202] {strides = array<i32>} : memref<16x1024xf32, #tpu.memory_space<vmem>>, vector<1x16xf32>,
        %swap3A_204 = vector.shape_cast %swap3A_203 : vector<1x16xf32> to vector<16xf32>
        %swap3A_205 = vector.shape_cast %add3A_200 : vector<16xf32> to vector<1x16xf32>
        tpu.vector_store %arg10[%swap3A_201, %swap3A_202], %swap3A_205 {strides = array<i32>} : memref<16x1024xf32, #tpu.memory_space<vmem>>, vector<1x16xf32>,
      }
      %scan3A_127 = arith.constant 64 : i32
    }
    %scan3A_37 = arith.constant 16 : i32
    %add3A_38 = arith.constant 0 : i32
    %add3A_39 = arith.addi %mul3A_2, %add3A_38 : i32
    "tpu.region"() ({
      %run_scoped3A_111 = tpu.sem_alloc : memref<!tpu.dma_semaphore, #tpu.memory_space<semaphore_mem>>
      %dma_start3A_112 = arith.constant 0 : i32
      %dma_start3A_113 = tpu.memref_slice %arg5[%add3A_39, %dma_start3A_112] : memref<2048x1024xf32, #tpu.memory_space<hbm>> -> memref<16x1024xf32, #tpu.memory_space<hbm>>
      %dma_start3A_114 = arith.constant 0 : i32
      %dma_start3A_115 = tpu.memref_slice %arg5[%add3A_39, %dma_start3A_114] : memref<2048x1024xf32, #tpu.memory_space<hbm>> -> memref<16x1024xf32, #tpu.memory_space<hbm>>
      tpu.enqueue_dma source(%arg10 : memref<16x1024xf32, #tpu.memory_space<vmem>>) target(%dma_start3A_115 : memref<16x1024xf32, #tpu.memory_space<hbm>>) target_semaphore(%run_scoped3A_111 : memref<!tpu.dma_semaphore, #tpu.memory_space<semaphore_mem>>)
      %dma_wait3A_116 = arith.constant 0 : i32
      %dma_wait3A_117 = tpu.memref_slice %arg5[%add3A_39, %dma_wait3A_116] : memref<2048x1024xf32, #tpu.memory_space<hbm>> -> memref<16x1024xf32, #tpu.memory_space<hbm>>
      %dma_wait3A_118 = arith.constant 0 : i32
      %dma_wait3A_119 = tpu.memref_slice %arg5[%add3A_39, %dma_wait3A_118] : memref<2048x1024xf32, #tpu.memory_space<hbm>> -> memref<16x1024xf32, #tpu.memory_space<hbm>>
      tpu.wait_dma2 semaphore(%run_scoped3A_111 : memref<!tpu.dma_semaphore, #tpu.memory_space<semaphore_mem>>) src(%arg10 : memref<16x1024xf32, #tpu.memory_space<vmem>>) dst(%dma_wait3A_119 : memref<16x1024xf32, #tpu.memory_space<hbm>>)
      tpu.yield
    }) : () -> ()
    %dma_wait3A_40 = arith.constant 16 : i32
    %dma_wait3A_41 = tpu.memref_slice %arg6[%dma_wait3A_40] : memref<64xi32, #tpu.memory_space<vmem>> -> memref<16xi32, #tpu.memory_space<vmem>>
    %dma_wait3A_42 = arith.constant 0 : i32
    %dma_wait3A_43 = arith.constant 0 : i32
    %dma_wait3A_44 = tpu.memref_slice %arg2[%dma_wait3A_42, %dma_wait3A_43] : memref<8192x1024xf32, #tpu.memory_space<hbm>> -> memref<8192x1024xf32, #tpu.memory_space<hbm>>
    tpu.wait_indirect_dma semaphore(%arg14 : memref<!tpu.dma_semaphore, #tpu.memory_space<semaphore_mem>>) src(%dma_wait3A_44 : memref<8192x1024xf32, #tpu.memory_space<hbm>>) dst(%arg12 : memref<16x1024xf32, #tpu.memory_space<vmem>>)
    %dma_wait3A_45 = arith.constant 16 : i32
    %dma_wait3A_46 = tpu.memref_slice %arg7[%dma_wait3A_45] : memref<64xi32, #tpu.memory_space<vmem>> -> memref<16xi32, #tpu.memory_space<vmem>>
    %dma_wait3A_47 = arith.constant 0 : i32
    %dma_wait3A_48 = arith.constant 0 : i32
    %dma_wait3A_49 = tpu.memref_slice %arg2[%dma_wait3A_47, %dma_wait3A_48] : memref<8192x1024xf32, #tpu.memory_space<hbm>> -> memref<8192x1024xf32, #tpu.memory_space<hbm>>
    tpu.wait_indirect_dma semaphore(%arg14 : memref<!tpu.dma_semaphore, #tpu.memory_space<semaphore_mem>>) src(%dma_wait3A_49 : memref<8192x1024xf32, #tpu.memory_space<hbm>>) dst(%arg13 : memref<16x1024xf32, #tpu.memory_space<vmem>>)
    %dma_start3A_50 = arith.constant 32 : i32
    %dma_start3A_51 = tpu.memref_slice %arg6[%dma_start3A_50] : memref<64xi32, #tpu.memory_space<vmem>> -> memref<16xi32, #tpu.memory_space<vmem>>
    %dma_start3A_52 = arith.constant 0 : i32
    %dma_start3A_53 = arith.constant 0 : i32
    %dma_start3A_54 = tpu.memref_slice %arg2[%dma_start3A_52, %dma_start3A_53] : memref<8192x1024xf32, #tpu.memory_space<hbm>> -> memref<8192x1024xf32, #tpu.memory_space<hbm>>
    tpu.enqueue_indirect_dma source(%dma_start3A_54 : memref<8192x1024xf32, #tpu.memory_space<hbm>>) target(%arg10 : memref<16x1024xf32, #tpu.memory_space<vmem>>) offsets(%dma_start3A_51 : memref<16xi32, #tpu.memory_space<vmem>>) semaphore(%arg14 : memref<!tpu.dma_semaphore, #tpu.memory_space<semaphore_mem>>)
    %dma_start3A_55 = arith.constant 32 : i32
    %dma_start3A_56 = tpu.memref_slice %arg7[%dma_start3A_55] : memref<64xi32, #tpu.memory_space<vmem>> -> memref<16xi32, #tpu.memory_space<vmem>>
    %dma_start3A_57 = arith.constant 0 : i32
    %dma_start3A_58 = arith.constant 0 : i32
    %dma_start3A_59 = tpu.memref_slice %arg2[%dma_start3A_57, %dma_start3A_58] : memref<8192x1024xf32, #tpu.memory_space<hbm>> -> memref<8192x1024xf32, #tpu.memory_space<hbm>>
    tpu.enqueue_indirect_dma source(%dma_start3A_59 : memref<8192x1024xf32, #tpu.memory_space<hbm>>) target(%arg11 : memref<16x1024xf32, #tpu.memory_space<vmem>>) offsets(%dma_start3A_56 : memref<16xi32, #tpu.memory_space<vmem>>) semaphore(%arg14 : memref<!tpu.dma_semaphore, #tpu.memory_space<semaphore_mem>>)
    %scan3A_60 = arith.constant 0 : i32
    %scan3A_61 = arith.constant 16 : i32
    %scan3A_62 = arith.addi %scan3A_60, %scan3A_61 : i32
    %scan3A_63 = arith.constant 1 : i32
    scf.for %scan3A_111 = %scan3A_60 to %scan3A_62 step %scan3A_63  : i32 {
      %add3A_112 = arith.constant 16 : i32
      %add3A_113 = arith.addi %add3A_112, %scan3A_111 : i32
      %get3A = arith.index_cast %add3A_113 : i32 to index
      %get3A_114 = arith.constant 0 : index
      %get3A_115 = tpu.vector_load %arg8[%get3A, %get3A_114] {strides = array<i32>} : memref<64x16xf32, #tpu.memory_space<vmem>>, vector<1x16xf32>,
      %get3A_116 = vector.shape_cast %get3A_115 : vector<1x16xf32> to vector<16xf32>
      %add3A_117 = arith.constant 16 : i32
      %add3A_118 = arith.addi %add3A_117, %scan3A_111 : i32
      %get3A_119 = arith.index_cast %add3A_118 : i32 to index
      %get3A_120 = arith.constant 0 : index
      %get3A_121 = tpu.vector_load %arg9[%get3A_119, %get3A_120] {strides = array<i32>} : memref<64x16xf32, #tpu.memory_space<vmem>>, vector<1x16xf32>,
      %get3A_122 = vector.shape_cast %get3A_121 : vector<1x16xf32> to vector<16xf32>
      %scan3A_123 = arith.constant 0 : i32
      %scan3A_124 = arith.constant 64 : i32
      %scan3A_125 = arith.addi %scan3A_123, %scan3A_124 : i32
      %scan3A_126 = arith.constant 4 : i32
      scf.for %scan3A_128 = %scan3A_123 to %scan3A_125 step %scan3A_126  : i32 {
        %mul3A_129 = arith.constant 16 : i32
        %mul3A_130 = arith.muli %scan3A_128, %mul3A_129 : i32
        %get3A_131 = arith.index_cast %scan3A_111 : i32 to index
        %get3A_132 = arith.index_cast %mul3A_130 : i32 to index
        %get3A_133 = tpu.vector_load %arg12[%get3A_131, %get3A_132] {strides = array<i32>} : memref<16x1024xf32, #tpu.memory_space<vmem>>, vector<1x16xf32>,
        %get3A_134 = vector.shape_cast %get3A_133 : vector<1x16xf32> to vector<16xf32>
        %mul3A_135 = arith.mulf %get3A_116, %get3A_134 : vector<16xf32>
        %get3A_136 = arith.index_cast %scan3A_111 : i32 to index
        %get3A_137 = arith.index_cast %mul3A_130 : i32 to index
        %get3A_138 = tpu.vector_load %arg13[%get3A_136, %get3A_137] {strides = array<i32>} : memref<16x1024xf32, #tpu.memory_space<vmem>>, vector<1x16xf32>,
        %get3A_139 = vector.shape_cast %get3A_138 : vector<1x16xf32> to vector<16xf32>
        %mul3A_140 = arith.mulf %get3A_122, %get3A_139 : vector<16xf32>
        %add3A_141 = arith.addf %mul3A_135, %mul3A_140 : vector<16xf32>
        %swap3A = arith.index_cast %scan3A_111 : i32 to index
        %swap3A_142 = arith.index_cast %mul3A_130 : i32 to index
        %swap3A_143 = tpu.vector_load %arg12[%swap3A, %swap3A_142] {strides = array<i32>} : memref<16x1024xf32, #tpu.memory_space<vmem>>, vector<1x16xf32>,
        %swap3A_144 = vector.shape_cast %swap3A_143 : vector<1x16xf32> to vector<16xf32>
        %swap3A_145 = vector.shape_cast %add3A_141 : vector<16xf32> to vector<1x16xf32>
        tpu.vector_store %arg12[%swap3A, %swap3A_142], %swap3A_145 {strides = array<i32>} : memref<16x1024xf32, #tpu.memory_space<vmem>>, vector<1x16xf32>,
        %scan3A_146 = arith.constant 1 : i32
        %scan3A_147 = arith.addi %scan3A_128, %scan3A_146 : i32
        %mul3A_148 = arith.constant 16 : i32
        %mul3A_149 = arith.muli %scan3A_147, %mul3A_148 : i32
        %get3A_150 = arith.index_cast %scan3A_111 : i32 to index
        %get3A_151 = arith.index_cast %mul3A_149 : i32 to index
        %get3A_152 = tpu.vector_load %arg12[%get3A_150, %get3A_151] {strides = array<i32>} : memref<16x1024xf32, #tpu.memory_space<vmem>>, vector<1x16xf32>,
        %get3A_153 = vector.shape_cast %get3A_152 : vector<1x16xf32> to vector<16xf32>
        %mul3A_154 = arith.mulf %get3A_116, %get3A_153 : vector<16xf32>
        %get3A_155 = arith.index_cast %scan3A_111 : i32 to index
        %get3A_156 = arith.index_cast %mul3A_149 : i32 to index
        %get3A_157 = tpu.vector_load %arg13[%get3A_155, %get3A_156] {strides = array<i32>} : memref<16x1024xf32, #tpu.memory_space<vmem>>, vector<1x16xf32>,
        %get3A_158 = vector.shape_cast %get3A_157 : vector<1x16xf32> to vector<16xf32>
        %mul3A_159 = arith.mulf %get3A_122, %get3A_158 : vector<16xf32>
        %add3A_160 = arith.addf %mul3A_154, %mul3A_159 : vector<16xf32>
        %swap3A_161 = arith.index_cast %scan3A_111 : i32 to index
        %swap3A_162 = arith.index_cast %mul3A_149 : i32 to index
        %swap3A_163 = tpu.vector_load %arg12[%swap3A_161, %swap3A_162] {strides = array<i32>} : memref<16x1024xf32, #tpu.memory_space<vmem>>, vector<1x16xf32>,
        %swap3A_164 = vector.shape_cast %swap3A_163 : vector<1x16xf32> to vector<16xf32>
        %swap3A_165 = vector.shape_cast %add3A_160 : vector<16xf32> to vector<1x16xf32>
        tpu.vector_store %arg12[%swap3A_161, %swap3A_162], %swap3A_165 {strides = array<i32>} : memref<16x1024xf32, #tpu.memory_space<vmem>>, vector<1x16xf32>,
        %scan3A_166 = arith.constant 2 : i32
        %scan3A_167 = arith.addi %scan3A_128, %scan3A_166 : i32
        %mul3A_168 = arith.constant 16 : i32
        %mul3A_169 = arith.muli %scan3A_167, %mul3A_168 : i32
        %get3A_170 = arith.index_cast %scan3A_111 : i32 to index
        %get3A_171 = arith.index_cast %mul3A_169 : i32 to index
        %get3A_172 = tpu.vector_load %arg12[%get3A_170, %get3A_171] {strides = array<i32>} : memref<16x1024xf32, #tpu.memory_space<vmem>>, vector<1x16xf32>,
        %get3A_173 = vector.shape_cast %get3A_172 : vector<1x16xf32> to vector<16xf32>
        %mul3A_174 = arith.mulf %get3A_116, %get3A_173 : vector<16xf32>
        %get3A_175 = arith.index_cast %scan3A_111 : i32 to index
        %get3A_176 = arith.index_cast %mul3A_169 : i32 to index
        %get3A_177 = tpu.vector_load %arg13[%get3A_175, %get3A_176] {strides = array<i32>} : memref<16x1024xf32, #tpu.memory_space<vmem>>, vector<1x16xf32>,
        %get3A_178 = vector.shape_cast %get3A_177 : vector<1x16xf32> to vector<16xf32>
        %mul3A_179 = arith.mulf %get3A_122, %get3A_178 : vector<16xf32>
        %add3A_180 = arith.addf %mul3A_174, %mul3A_179 : vector<16xf32>
        %swap3A_181 = arith.index_cast %scan3A_111 : i32 to index
        %swap3A_182 = arith.index_cast %mul3A_169 : i32 to index
        %swap3A_183 = tpu.vector_load %arg12[%swap3A_181, %swap3A_182] {strides = array<i32>} : memref<16x1024xf32, #tpu.memory_space<vmem>>, vector<1x16xf32>,
        %swap3A_184 = vector.shape_cast %swap3A_183 : vector<1x16xf32> to vector<16xf32>
        %swap3A_185 = vector.shape_cast %add3A_180 : vector<16xf32> to vector<1x16xf32>
        tpu.vector_store %arg12[%swap3A_181, %swap3A_182], %swap3A_185 {strides = array<i32>} : memref<16x1024xf32, #tpu.memory_space<vmem>>, vector<1x16xf32>,
        %scan3A_186 = arith.constant 3 : i32
        %scan3A_187 = arith.addi %scan3A_128, %scan3A_186 : i32
        %mul3A_188 = arith.constant 16 : i32
        %mul3A_189 = arith.muli %scan3A_187, %mul3A_188 : i32
        %get3A_190 = arith.index_cast %scan3A_111 : i32 to index
        %get3A_191 = arith.index_cast %mul3A_189 : i32 to index
        %get3A_192 = tpu.vector_load %arg12[%get3A_190, %get3A_191] {strides = array<i32>} : memref<16x1024xf32, #tpu.memory_space<vmem>>, vector<1x16xf32>,
        %get3A_193 = vector.shape_cast %get3A_192 : vector<1x16xf32> to vector<16xf32>
        %mul3A_194 = arith.mulf %get3A_116, %get3A_193 : vector<16xf32>
        %get3A_195 = arith.index_cast %scan3A_111 : i32 to index
        %get3A_196 = arith.index_cast %mul3A_189 : i32 to index
        %get3A_197 = tpu.vector_load %arg13[%get3A_195, %get3A_196] {strides = array<i32>} : memref<16x1024xf32, #tpu.memory_space<vmem>>, vector<1x16xf32>,
        %get3A_198 = vector.shape_cast %get3A_197 : vector<1x16xf32> to vector<16xf32>
        %mul3A_199 = arith.mulf %get3A_122, %get3A_198 : vector<16xf32>
        %add3A_200 = arith.addf %mul3A_194, %mul3A_199 : vector<16xf32>
        %swap3A_201 = arith.index_cast %scan3A_111 : i32 to index
        %swap3A_202 = arith.index_cast %mul3A_189 : i32 to index
        %swap3A_203 = tpu.vector_load %arg12[%swap3A_201, %swap3A_202] {strides = array<i32>} : memref<16x1024xf32, #tpu.memory_space<vmem>>, vector<1x16xf32>,
        %swap3A_204 = vector.shape_cast %swap3A_203 : vector<1x16xf32> to vector<16xf32>
        %swap3A_205 = vector.shape_cast %add3A_200 : vector<16xf32> to vector<1x16xf32>
        tpu.vector_store %arg12[%swap3A_201, %swap3A_202], %swap3A_205 {strides = array<i32>} : memref<16x1024xf32, #tpu.memory_space<vmem>>, vector<1x16xf32>,
      }
      %scan3A_127 = arith.constant 64 : i32
    }
    %scan3A_64 = arith.constant 16 : i32
    %add3A_65 = arith.constant 16 : i32
    %add3A_66 = arith.addi %mul3A_2, %add3A_65 : i32
    "tpu.region"() ({
      %run_scoped3A_111 = tpu.sem_alloc : memref<!tpu.dma_semaphore, #tpu.memory_space<semaphore_mem>>
      %dma_start3A_112 = arith.constant 0 : i32
      %dma_start3A_113 = tpu.memref_slice %arg5[%add3A_66, %dma_start3A_112] : memref<2048x1024xf32, #tpu.memory_space<hbm>> -> memref<16x1024xf32, #tpu.memory_space<hbm>>
      %dma_start3A_114 = arith.constant 0 : i32
      %dma_start3A_115 = tpu.memref_slice %arg5[%add3A_66, %dma_start3A_114] : memref<2048x1024xf32, #tpu.memory_space<hbm>> -> memref<16x1024xf32, #tpu.memory_space<hbm>>
      tpu.enqueue_dma source(%arg12 : memref<16x1024xf32, #tpu.memory_space<vmem>>) target(%dma_start3A_115 : memref<16x1024xf32, #tpu.memory_space<hbm>>) target_semaphore(%run_scoped3A_111 : memref<!tpu.dma_semaphore, #tpu.memory_space<semaphore_mem>>)
      %dma_wait3A_116 = arith.constant 0 : i32
      %dma_wait3A_117 = tpu.memref_slice %arg5[%add3A_66, %dma_wait3A_116] : memref<2048x1024xf32, #tpu.memory_space<hbm>> -> memref<16x1024xf32, #tpu.memory_space<hbm>>
      %dma_wait3A_118 = arith.constant 0 : i32
      %dma_wait3A_119 = tpu.memref_slice %arg5[%add3A_66, %dma_wait3A_118] : memref<2048x1024xf32, #tpu.memory_space<hbm>> -> memref<16x1024xf32, #tpu.memory_space<hbm>>
      tpu.wait_dma2 semaphore(%run_scoped3A_111 : memref<!tpu.dma_semaphore, #tpu.memory_space<semaphore_mem>>) src(%arg12 : memref<16x1024xf32, #tpu.memory_space<vmem>>) dst(%dma_wait3A_119 : memref<16x1024xf32, #tpu.memory_space<hbm>>)
      tpu.yield
    }) : () -> ()
    %dma_wait3A_67 = arith.constant 32 : i32
    %dma_wait3A_68 = tpu.memref_slice %arg6[%dma_wait3A_67] : memref<64xi32, #tpu.memory_space<vmem>> -> memref<16xi32, #tpu.memory_space<vmem>>
    %dma_wait3A_69 = arith.constant 0 : i32
    %dma_wait3A_70 = arith.constant 0 : i32
    %dma_wait3A_71 = tpu.memref_slice %arg2[%dma_wait3A_69, %dma_wait3A_70] : memref<8192x1024xf32, #tpu.memory_space<hbm>> -> memref<8192x1024xf32, #tpu.memory_space<hbm>>
    tpu.wait_indirect_dma semaphore(%arg14 : memref<!tpu.dma_semaphore, #tpu.memory_space<semaphore_mem>>) src(%dma_wait3A_71 : memref<8192x1024xf32, #tpu.memory_space<hbm>>) dst(%arg10 : memref<16x1024xf32, #tpu.memory_space<vmem>>)
    %dma_wait3A_72 = arith.constant 32 : i32
    %dma_wait3A_73 = tpu.memref_slice %arg7[%dma_wait3A_72] : memref<64xi32, #tpu.memory_space<vmem>> -> memref<16xi32, #tpu.memory_space<vmem>>
    %dma_wait3A_74 = arith.constant 0 : i32
    %dma_wait3A_75 = arith.constant 0 : i32
    %dma_wait3A_76 = tpu.memref_slice %arg2[%dma_wait3A_74, %dma_wait3A_75] : memref<8192x1024xf32, #tpu.memory_space<hbm>> -> memref<8192x1024xf32, #tpu.memory_space<hbm>>
    tpu.wait_indirect_dma semaphore(%arg14 : memref<!tpu.dma_semaphore, #tpu.memory_space<semaphore_mem>>) src(%dma_wait3A_76 : memref<8192x1024xf32, #tpu.memory_space<hbm>>) dst(%arg11 : memref<16x1024xf32, #tpu.memory_space<vmem>>)
    %dma_start3A_77 = arith.constant 48 : i32
    %dma_start3A_78 = tpu.memref_slice %arg6[%dma_start3A_77] : memref<64xi32, #tpu.memory_space<vmem>> -> memref<16xi32, #tpu.memory_space<vmem>>
    %dma_start3A_79 = arith.constant 0 : i32
    %dma_start3A_80 = arith.constant 0 : i32
    %dma_start3A_81 = tpu.memref_slice %arg2[%dma_start3A_79, %dma_start3A_80] : memref<8192x1024xf32, #tpu.memory_space<hbm>> -> memref<8192x1024xf32, #tpu.memory_space<hbm>>
    tpu.enqueue_indirect_dma source(%dma_start3A_81 : memref<8192x1024xf32, #tpu.memory_space<hbm>>) target(%arg12 : memref<16x1024xf32, #tpu.memory_space<vmem>>) offsets(%dma_start3A_78 : memref<16xi32, #tpu.memory_space<vmem>>) semaphore(%arg14 : memref<!tpu.dma_semaphore, #tpu.memory_space<semaphore_mem>>)
    %dma_start3A_82 = arith.constant 48 : i32
    %dma_start3A_83 = tpu.memref_slice %arg7[%dma_start3A_82] : memref<64xi32, #tpu.memory_space<vmem>> -> memref<16xi32, #tpu.memory_space<vmem>>
    %dma_start3A_84 = arith.constant 0 : i32
    %dma_start3A_85 = arith.constant 0 : i32
    %dma_start3A_86 = tpu.memref_slice %arg2[%dma_start3A_84, %dma_start3A_85] : memref<8192x1024xf32, #tpu.memory_space<hbm>> -> memref<8192x1024xf32, #tpu.memory_space<hbm>>
    tpu.enqueue_indirect_dma source(%dma_start3A_86 : memref<8192x1024xf32, #tpu.memory_space<hbm>>) target(%arg13 : memref<16x1024xf32, #tpu.memory_space<vmem>>) offsets(%dma_start3A_83 : memref<16xi32, #tpu.memory_space<vmem>>) semaphore(%arg14 : memref<!tpu.dma_semaphore, #tpu.memory_space<semaphore_mem>>)
    %scan3A_87 = arith.constant 0 : i32
    %scan3A_88 = arith.constant 16 : i32
    %scan3A_89 = arith.addi %scan3A_87, %scan3A_88 : i32
    %scan3A_90 = arith.constant 1 : i32
    scf.for %scan3A_111 = %scan3A_87 to %scan3A_89 step %scan3A_90  : i32 {
      %add3A_112 = arith.constant 32 : i32
      %add3A_113 = arith.addi %add3A_112, %scan3A_111 : i32
      %get3A = arith.index_cast %add3A_113 : i32 to index
      %get3A_114 = arith.constant 0 : index
      %get3A_115 = tpu.vector_load %arg8[%get3A, %get3A_114] {strides = array<i32>} : memref<64x16xf32, #tpu.memory_space<vmem>>, vector<1x16xf32>,
      %get3A_116 = vector.shape_cast %get3A_115 : vector<1x16xf32> to vector<16xf32>
      %add3A_117 = arith.constant 32 : i32
      %add3A_118 = arith.addi %add3A_117, %scan3A_111 : i32
      %get3A_119 = arith.index_cast %add3A_118 : i32 to index
      %get3A_120 = arith.constant 0 : index
      %get3A_121 = tpu.vector_load %arg9[%get3A_119, %get3A_120] {strides = array<i32>} : memref<64x16xf32, #tpu.memory_space<vmem>>, vector<1x16xf32>,
      %get3A_122 = vector.shape_cast %get3A_121 : vector<1x16xf32> to vector<16xf32>
      %scan3A_123 = arith.constant 0 : i32
      %scan3A_124 = arith.constant 64 : i32
      %scan3A_125 = arith.addi %scan3A_123, %scan3A_124 : i32
      %scan3A_126 = arith.constant 4 : i32
      scf.for %scan3A_128 = %scan3A_123 to %scan3A_125 step %scan3A_126  : i32 {
        %mul3A_129 = arith.constant 16 : i32
        %mul3A_130 = arith.muli %scan3A_128, %mul3A_129 : i32
        %get3A_131 = arith.index_cast %scan3A_111 : i32 to index
        %get3A_132 = arith.index_cast %mul3A_130 : i32 to index
        %get3A_133 = tpu.vector_load %arg10[%get3A_131, %get3A_132] {strides = array<i32>} : memref<16x1024xf32, #tpu.memory_space<vmem>>, vector<1x16xf32>,
        %get3A_134 = vector.shape_cast %get3A_133 : vector<1x16xf32> to vector<16xf32>
        %mul3A_135 = arith.mulf %get3A_116, %get3A_134 : vector<16xf32>
        %get3A_136 = arith.index_cast %scan3A_111 : i32 to index
        %get3A_137 = arith.index_cast %mul3A_130 : i32 to index
        %get3A_138 = tpu.vector_load %arg11[%get3A_136, %get3A_137] {strides = array<i32>} : memref<16x1024xf32, #tpu.memory_space<vmem>>, vector<1x16xf32>,
        %get3A_139 = vector.shape_cast %get3A_138 : vector<1x16xf32> to vector<16xf32>
        %mul3A_140 = arith.mulf %get3A_122, %get3A_139 : vector<16xf32>
        %add3A_141 = arith.addf %mul3A_135, %mul3A_140 : vector<16xf32>
        %swap3A = arith.index_cast %scan3A_111 : i32 to index
        %swap3A_142 = arith.index_cast %mul3A_130 : i32 to index
        %swap3A_143 = tpu.vector_load %arg10[%swap3A, %swap3A_142] {strides = array<i32>} : memref<16x1024xf32, #tpu.memory_space<vmem>>, vector<1x16xf32>,
        %swap3A_144 = vector.shape_cast %swap3A_143 : vector<1x16xf32> to vector<16xf32>
        %swap3A_145 = vector.shape_cast %add3A_141 : vector<16xf32> to vector<1x16xf32>
        tpu.vector_store %arg10[%swap3A, %swap3A_142], %swap3A_145 {strides = array<i32>} : memref<16x1024xf32, #tpu.memory_space<vmem>>, vector<1x16xf32>,
        %scan3A_146 = arith.constant 1 : i32
        %scan3A_147 = arith.addi %scan3A_128, %scan3A_146 : i32
        %mul3A_148 = arith.constant 16 : i32
        %mul3A_149 = arith.muli %scan3A_147, %mul3A_148 : i32
        %get3A_150 = arith.index_cast %scan3A_111 : i32 to index
        %get3A_151 = arith.index_cast %mul3A_149 : i32 to index
        %get3A_152 = tpu.vector_load %arg10[%get3A_150, %get3A_151] {strides = array<i32>} : memref<16x1024xf32, #tpu.memory_space<vmem>>, vector<1x16xf32>,
        %get3A_153 = vector.shape_cast %get3A_152 : vector<1x16xf32> to vector<16xf32>
        %mul3A_154 = arith.mulf %get3A_116, %get3A_153 : vector<16xf32>
        %get3A_155 = arith.index_cast %scan3A_111 : i32 to index
        %get3A_156 = arith.index_cast %mul3A_149 : i32 to index
        %get3A_157 = tpu.vector_load %arg11[%get3A_155, %get3A_156] {strides = array<i32>} : memref<16x1024xf32, #tpu.memory_space<vmem>>, vector<1x16xf32>,
        %get3A_158 = vector.shape_cast %get3A_157 : vector<1x16xf32> to vector<16xf32>
        %mul3A_159 = arith.mulf %get3A_122, %get3A_158 : vector<16xf32>
        %add3A_160 = arith.addf %mul3A_154, %mul3A_159 : vector<16xf32>
        %swap3A_161 = arith.index_cast %scan3A_111 : i32 to index
        %swap3A_162 = arith.index_cast %mul3A_149 : i32 to index
        %swap3A_163 = tpu.vector_load %arg10[%swap3A_161, %swap3A_162] {strides = array<i32>} : memref<16x1024xf32, #tpu.memory_space<vmem>>, vector<1x16xf32>,
        %swap3A_164 = vector.shape_cast %swap3A_163 : vector<1x16xf32> to vector<16xf32>
        %swap3A_165 = vector.shape_cast %add3A_160 : vector<16xf32> to vector<1x16xf32>
        tpu.vector_store %arg10[%swap3A_161, %swap3A_162], %swap3A_165 {strides = array<i32>} : memref<16x1024xf32, #tpu.memory_space<vmem>>, vector<1x16xf32>,
        %scan3A_166 = arith.constant 2 : i32
        %scan3A_167 = arith.addi %scan3A_128, %scan3A_166 : i32
        %mul3A_168 = arith.constant 16 : i32
        %mul3A_169 = arith.muli %scan3A_167, %mul3A_168 : i32
        %get3A_170 = arith.index_cast %scan3A_111 : i32 to index
        %get3A_171 = arith.index_cast %mul3A_169 : i32 to index
        %get3A_172 = tpu.vector_load %arg10[%get3A_170, %get3A_171] {strides = array<i32>} : memref<16x1024xf32, #tpu.memory_space<vmem>>, vector<1x16xf32>,
        %get3A_173 = vector.shape_cast %get3A_172 : vector<1x16xf32> to vector<16xf32>
        %mul3A_174 = arith.mulf %get3A_116, %get3A_173 : vector<16xf32>
        %get3A_175 = arith.index_cast %scan3A_111 : i32 to index
        %get3A_176 = arith.index_cast %mul3A_169 : i32 to index
        %get3A_177 = tpu.vector_load %arg11[%get3A_175, %get3A_176] {strides = array<i32>} : memref<16x1024xf32, #tpu.memory_space<vmem>>, vector<1x16xf32>,
        %get3A_178 = vector.shape_cast %get3A_177 : vector<1x16xf32> to vector<16xf32>
        %mul3A_179 = arith.mulf %get3A_122, %get3A_178 : vector<16xf32>
        %add3A_180 = arith.addf %mul3A_174, %mul3A_179 : vector<16xf32>
        %swap3A_181 = arith.index_cast %scan3A_111 : i32 to index
        %swap3A_182 = arith.index_cast %mul3A_169 : i32 to index
        %swap3A_183 = tpu.vector_load %arg10[%swap3A_181, %swap3A_182] {strides = array<i32>} : memref<16x1024xf32, #tpu.memory_space<vmem>>, vector<1x16xf32>,
        %swap3A_184 = vector.shape_cast %swap3A_183 : vector<1x16xf32> to vector<16xf32>
        %swap3A_185 = vector.shape_cast %add3A_180 : vector<16xf32> to vector<1x16xf32>
        tpu.vector_store %arg10[%swap3A_181, %swap3A_182], %swap3A_185 {strides = array<i32>} : memref<16x1024xf32, #tpu.memory_space<vmem>>, vector<1x16xf32>,
        %scan3A_186 = arith.constant 3 : i32
        %scan3A_187 = arith.addi %scan3A_128, %scan3A_186 : i32
        %mul3A_188 = arith.constant 16 : i32
        %mul3A_189 = arith.muli %scan3A_187, %mul3A_188 : i32
        %get3A_190 = arith.index_cast %scan3A_111 : i32 to index
        %get3A_191 = arith.index_cast %mul3A_189 : i32 to index
        %get3A_192 = tpu.vector_load %arg10[%get3A_190, %get3A_191] {strides = array<i32>} : memref<16x1024xf32, #tpu.memory_space<vmem>>, vector<1x16xf32>,
        %get3A_193 = vector.shape_cast %get3A_192 : vector<1x16xf32> to vector<16xf32>
        %mul3A_194 = arith.mulf %get3A_116, %get3A_193 : vector<16xf32>
        %get3A_195 = arith.index_cast %scan3A_111 : i32 to index
        %get3A_196 = arith.index_cast %mul3A_189 : i32 to index
        %get3A_197 = tpu.vector_load %arg11[%get3A_195, %get3A_196] {strides = array<i32>} : memref<16x1024xf32, #tpu.memory_space<vmem>>, vector<1x16xf32>,
        %get3A_198 = vector.shape_cast %get3A_197 : vector<1x16xf32> to vector<16xf32>
        %mul3A_199 = arith.mulf %get3A_122, %get3A_198 : vector<16xf32>
        %add3A_200 = arith.addf %mul3A_194, %mul3A_199 : vector<16xf32>
        %swap3A_201 = arith.index_cast %scan3A_111 : i32 to index
        %swap3A_202 = arith.index_cast %mul3A_189 : i32 to index
        %swap3A_203 = tpu.vector_load %arg10[%swap3A_201, %swap3A_202] {strides = array<i32>} : memref<16x1024xf32, #tpu.memory_space<vmem>>, vector<1x16xf32>,
        %swap3A_204 = vector.shape_cast %swap3A_203 : vector<1x16xf32> to vector<16xf32>
        %swap3A_205 = vector.shape_cast %add3A_200 : vector<16xf32> to vector<1x16xf32>
        tpu.vector_store %arg10[%swap3A_201, %swap3A_202], %swap3A_205 {strides = array<i32>} : memref<16x1024xf32, #tpu.memory_space<vmem>>, vector<1x16xf32>,
      }
      %scan3A_127 = arith.constant 64 : i32
    }
    %scan3A_91 = arith.constant 16 : i32
    %add3A_92 = arith.constant 32 : i32
    %add3A_93 = arith.addi %mul3A_2, %add3A_92 : i32
    "tpu.region"() ({
      %run_scoped3A_111 = tpu.sem_alloc : memref<!tpu.dma_semaphore, #tpu.memory_space<semaphore_mem>>
      %dma_start3A_112 = arith.constant 0 : i32
      %dma_start3A_113 = tpu.memref_slice %arg5[%add3A_93, %dma_start3A_112] : memref<2048x1024xf32, #tpu.memory_space<hbm>> -> memref<16x1024xf32, #tpu.memory_space<hbm>>
      %dma_start3A_114 = arith.constant 0 : i32
      %dma_start3A_115 = tpu.memref_slice %arg5[%add3A_93, %dma_start3A_114] : memref<2048x1024xf32, #tpu.memory_space<hbm>> -> memref<16x1024xf32, #tpu.memory_space<hbm>>
      tpu.enqueue_dma source(%arg10 : memref<16x1024xf32, #tpu.memory_space<vmem>>) target(%dma_start3A_115 : memref<16x1024xf32, #tpu.memory_space<hbm>>) target_semaphore(%run_scoped3A_111 : memref<!tpu.dma_semaphore, #tpu.memory_space<semaphore_mem>>)
      %dma_wait3A_116 = arith.constant 0 : i32
      %dma_wait3A_117 = tpu.memref_slice %arg5[%add3A_93, %dma_wait3A_116] : memref<2048x1024xf32, #tpu.memory_space<hbm>> -> memref<16x1024xf32, #tpu.memory_space<hbm>>
      %dma_wait3A_118 = arith.constant 0 : i32
      %dma_wait3A_119 = tpu.memref_slice %arg5[%add3A_93, %dma_wait3A_118] : memref<2048x1024xf32, #tpu.memory_space<hbm>> -> memref<16x1024xf32, #tpu.memory_space<hbm>>
      tpu.wait_dma2 semaphore(%run_scoped3A_111 : memref<!tpu.dma_semaphore, #tpu.memory_space<semaphore_mem>>) src(%arg10 : memref<16x1024xf32, #tpu.memory_space<vmem>>) dst(%dma_wait3A_119 : memref<16x1024xf32, #tpu.memory_space<hbm>>)
      tpu.yield
    }) : () -> ()
    %dma_wait3A_94 = arith.constant 48 : i32
    %dma_wait3A_95 = tpu.memref_slice %arg6[%dma_wait3A_94] : memref<64xi32, #tpu.memory_space<vmem>> -> memref<16xi32, #tpu.memory_space<vmem>>
    %dma_wait3A_96 = arith.constant 0 : i32
    %dma_wait3A_97 = arith.constant 0 : i32
    %dma_wait3A_98 = tpu.memref_slice %arg2[%dma_wait3A_96, %dma_wait3A_97] : memref<8192x1024xf32, #tpu.memory_space<hbm>> -> memref<8192x1024xf32, #tpu.memory_space<hbm>>
    tpu.wait_indirect_dma semaphore(%arg14 : memref<!tpu.dma_semaphore, #tpu.memory_space<semaphore_mem>>) src(%dma_wait3A_98 : memref<8192x1024xf32, #tpu.memory_space<hbm>>) dst(%arg12 : memref<16x1024xf32, #tpu.memory_space<vmem>>)
    %dma_wait3A_99 = arith.constant 48 : i32
    %dma_wait3A_100 = tpu.memref_slice %arg7[%dma_wait3A_99] : memref<64xi32, #tpu.memory_space<vmem>> -> memref<16xi32, #tpu.memory_space<vmem>>
    %dma_wait3A_101 = arith.constant 0 : i32
    %dma_wait3A_102 = arith.constant 0 : i32
    %dma_wait3A_103 = tpu.memref_slice %arg2[%dma_wait3A_101, %dma_wait3A_102] : memref<8192x1024xf32, #tpu.memory_space<hbm>> -> memref<8192x1024xf32, #tpu.memory_space<hbm>>
    tpu.wait_indirect_dma semaphore(%arg14 : memref<!tpu.dma_semaphore, #tpu.memory_space<semaphore_mem>>) src(%dma_wait3A_103 : memref<8192x1024xf32, #tpu.memory_space<hbm>>) dst(%arg13 : memref<16x1024xf32, #tpu.memory_space<vmem>>)
    %scan3A_104 = arith.constant 0 : i32
    %scan3A_105 = arith.constant 16 : i32
    %scan3A_106 = arith.addi %scan3A_104, %scan3A_105 : i32
    %scan3A_107 = arith.constant 1 : i32
    scf.for %scan3A_111 = %scan3A_104 to %scan3A_106 step %scan3A_107  : i32 {
      %add3A_112 = arith.constant 48 : i32
      %add3A_113 = arith.addi %add3A_112, %scan3A_111 : i32
      %get3A = arith.index_cast %add3A_113 : i32 to index
      %get3A_114 = arith.constant 0 : index
      %get3A_115 = tpu.vector_load %arg8[%get3A, %get3A_114] {strides = array<i32>} : memref<64x16xf32, #tpu.memory_space<vmem>>, vector<1x16xf32>,
      %get3A_116 = vector.shape_cast %get3A_115 : vector<1x16xf32> to vector<16xf32>
      %add3A_117 = arith.constant 48 : i32
      %add3A_118 = arith.addi %add3A_117, %scan3A_111 : i32
      %get3A_119 = arith.index_cast %add3A_118 : i32 to index
      %get3A_120 = arith.constant 0 : index
      %get3A_121 = tpu.vector_load %arg9[%get3A_119, %get3A_120] {strides = array<i32>} : memref<64x16xf32, #tpu.memory_space<vmem>>, vector<1x16xf32>,
      %get3A_122 = vector.shape_cast %get3A_121 : vector<1x16xf32> to vector<16xf32>
      %scan3A_123 = arith.constant 0 : i32
      %scan3A_124 = arith.constant 64 : i32
      %scan3A_125 = arith.addi %scan3A_123, %scan3A_124 : i32
      %scan3A_126 = arith.constant 4 : i32
      scf.for %scan3A_128 = %scan3A_123 to %scan3A_125 step %scan3A_126  : i32 {
        %mul3A_129 = arith.constant 16 : i32
        %mul3A_130 = arith.muli %scan3A_128, %mul3A_129 : i32
        %get3A_131 = arith.index_cast %scan3A_111 : i32 to index
        %get3A_132 = arith.index_cast %mul3A_130 : i32 to index
        %get3A_133 = tpu.vector_load %arg12[%get3A_131, %get3A_132] {strides = array<i32>} : memref<16x1024xf32, #tpu.memory_space<vmem>>, vector<1x16xf32>,
        %get3A_134 = vector.shape_cast %get3A_133 : vector<1x16xf32> to vector<16xf32>
        %mul3A_135 = arith.mulf %get3A_116, %get3A_134 : vector<16xf32>
        %get3A_136 = arith.index_cast %scan3A_111 : i32 to index
        %get3A_137 = arith.index_cast %mul3A_130 : i32 to index
        %get3A_138 = tpu.vector_load %arg13[%get3A_136, %get3A_137] {strides = array<i32>} : memref<16x1024xf32, #tpu.memory_space<vmem>>, vector<1x16xf32>,
        %get3A_139 = vector.shape_cast %get3A_138 : vector<1x16xf32> to vector<16xf32>
        %mul3A_140 = arith.mulf %get3A_122, %get3A_139 : vector<16xf32>
        %add3A_141 = arith.addf %mul3A_135, %mul3A_140 : vector<16xf32>
        %swap3A = arith.index_cast %scan3A_111 : i32 to index
        %swap3A_142 = arith.index_cast %mul3A_130 : i32 to index
        %swap3A_143 = tpu.vector_load %arg12[%swap3A, %swap3A_142] {strides = array<i32>} : memref<16x1024xf32, #tpu.memory_space<vmem>>, vector<1x16xf32>,
        %swap3A_144 = vector.shape_cast %swap3A_143 : vector<1x16xf32> to vector<16xf32>
        %swap3A_145 = vector.shape_cast %add3A_141 : vector<16xf32> to vector<1x16xf32>
        tpu.vector_store %arg12[%swap3A, %swap3A_142], %swap3A_145 {strides = array<i32>} : memref<16x1024xf32, #tpu.memory_space<vmem>>, vector<1x16xf32>,
        %scan3A_146 = arith.constant 1 : i32
        %scan3A_147 = arith.addi %scan3A_128, %scan3A_146 : i32
        %mul3A_148 = arith.constant 16 : i32
        %mul3A_149 = arith.muli %scan3A_147, %mul3A_148 : i32
        %get3A_150 = arith.index_cast %scan3A_111 : i32 to index
        %get3A_151 = arith.index_cast %mul3A_149 : i32 to index
        %get3A_152 = tpu.vector_load %arg12[%get3A_150, %get3A_151] {strides = array<i32>} : memref<16x1024xf32, #tpu.memory_space<vmem>>, vector<1x16xf32>,
        %get3A_153 = vector.shape_cast %get3A_152 : vector<1x16xf32> to vector<16xf32>
        %mul3A_154 = arith.mulf %get3A_116, %get3A_153 : vector<16xf32>
        %get3A_155 = arith.index_cast %scan3A_111 : i32 to index
        %get3A_156 = arith.index_cast %mul3A_149 : i32 to index
        %get3A_157 = tpu.vector_load %arg13[%get3A_155, %get3A_156] {strides = array<i32>} : memref<16x1024xf32, #tpu.memory_space<vmem>>, vector<1x16xf32>,
        %get3A_158 = vector.shape_cast %get3A_157 : vector<1x16xf32> to vector<16xf32>
        %mul3A_159 = arith.mulf %get3A_122, %get3A_158 : vector<16xf32>
        %add3A_160 = arith.addf %mul3A_154, %mul3A_159 : vector<16xf32>
        %swap3A_161 = arith.index_cast %scan3A_111 : i32 to index
        %swap3A_162 = arith.index_cast %mul3A_149 : i32 to index
        %swap3A_163 = tpu.vector_load %arg12[%swap3A_161, %swap3A_162] {strides = array<i32>} : memref<16x1024xf32, #tpu.memory_space<vmem>>, vector<1x16xf32>,
        %swap3A_164 = vector.shape_cast %swap3A_163 : vector<1x16xf32> to vector<16xf32>
        %swap3A_165 = vector.shape_cast %add3A_160 : vector<16xf32> to vector<1x16xf32>
        tpu.vector_store %arg12[%swap3A_161, %swap3A_162], %swap3A_165 {strides = array<i32>} : memref<16x1024xf32, #tpu.memory_space<vmem>>, vector<1x16xf32>,
        %scan3A_166 = arith.constant 2 : i32
        %scan3A_167 = arith.addi %scan3A_128, %scan3A_166 : i32
        %mul3A_168 = arith.constant 16 : i32
        %mul3A_169 = arith.muli %scan3A_167, %mul3A_168 : i32
        %get3A_170 = arith.index_cast %scan3A_111 : i32 to index
        %get3A_171 = arith.index_cast %mul3A_169 : i32 to index
        %get3A_172 = tpu.vector_load %arg12[%get3A_170, %get3A_171] {strides = array<i32>} : memref<16x1024xf32, #tpu.memory_space<vmem>>, vector<1x16xf32>,
        %get3A_173 = vector.shape_cast %get3A_172 : vector<1x16xf32> to vector<16xf32>
        %mul3A_174 = arith.mulf %get3A_116, %get3A_173 : vector<16xf32>
        %get3A_175 = arith.index_cast %scan3A_111 : i32 to index
        %get3A_176 = arith.index_cast %mul3A_169 : i32 to index
        %get3A_177 = tpu.vector_load %arg13[%get3A_175, %get3A_176] {strides = array<i32>} : memref<16x1024xf32, #tpu.memory_space<vmem>>, vector<1x16xf32>,
        %get3A_178 = vector.shape_cast %get3A_177 : vector<1x16xf32> to vector<16xf32>
        %mul3A_179 = arith.mulf %get3A_122, %get3A_178 : vector<16xf32>
        %add3A_180 = arith.addf %mul3A_174, %mul3A_179 : vector<16xf32>
        %swap3A_181 = arith.index_cast %scan3A_111 : i32 to index
        %swap3A_182 = arith.index_cast %mul3A_169 : i32 to index
        %swap3A_183 = tpu.vector_load %arg12[%swap3A_181, %swap3A_182] {strides = array<i32>} : memref<16x1024xf32, #tpu.memory_space<vmem>>, vector<1x16xf32>,
        %swap3A_184 = vector.shape_cast %swap3A_183 : vector<1x16xf32> to vector<16xf32>
        %swap3A_185 = vector.shape_cast %add3A_180 : vector<16xf32> to vector<1x16xf32>
        tpu.vector_store %arg12[%swap3A_181, %swap3A_182], %swap3A_185 {strides = array<i32>} : memref<16x1024xf32, #tpu.memory_space<vmem>>, vector<1x16xf32>,
        %scan3A_186 = arith.constant 3 : i32
        %scan3A_187 = arith.addi %scan3A_128, %scan3A_186 : i32
        %mul3A_188 = arith.constant 16 : i32
        %mul3A_189 = arith.muli %scan3A_187, %mul3A_188 : i32
        %get3A_190 = arith.index_cast %scan3A_111 : i32 to index
        %get3A_191 = arith.index_cast %mul3A_189 : i32 to index
        %get3A_192 = tpu.vector_load %arg12[%get3A_190, %get3A_191] {strides = array<i32>} : memref<16x1024xf32, #tpu.memory_space<vmem>>, vector<1x16xf32>,
        %get3A_193 = vector.shape_cast %get3A_192 : vector<1x16xf32> to vector<16xf32>
        %mul3A_194 = arith.mulf %get3A_116, %get3A_193 : vector<16xf32>
        %get3A_195 = arith.index_cast %scan3A_111 : i32 to index
        %get3A_196 = arith.index_cast %mul3A_189 : i32 to index
        %get3A_197 = tpu.vector_load %arg13[%get3A_195, %get3A_196] {strides = array<i32>} : memref<16x1024xf32, #tpu.memory_space<vmem>>, vector<1x16xf32>,
        %get3A_198 = vector.shape_cast %get3A_197 : vector<1x16xf32> to vector<16xf32>
        %mul3A_199 = arith.mulf %get3A_122, %get3A_198 : vector<16xf32>
        %add3A_200 = arith.addf %mul3A_194, %mul3A_199 : vector<16xf32>
        %swap3A_201 = arith.index_cast %scan3A_111 : i32 to index
        %swap3A_202 = arith.index_cast %mul3A_189 : i32 to index
        %swap3A_203 = tpu.vector_load %arg12[%swap3A_201, %swap3A_202] {strides = array<i32>} : memref<16x1024xf32, #tpu.memory_space<vmem>>, vector<1x16xf32>,
        %swap3A_204 = vector.shape_cast %swap3A_203 : vector<1x16xf32> to vector<16xf32>
        %swap3A_205 = vector.shape_cast %add3A_200 : vector<16xf32> to vector<1x16xf32>
        tpu.vector_store %arg12[%swap3A_201, %swap3A_202], %swap3A_205 {strides = array<i32>} : memref<16x1024xf32, #tpu.memory_space<vmem>>, vector<1x16xf32>,
      }
      %scan3A_127 = arith.constant 64 : i32
    }
    %scan3A_108 = arith.constant 16 : i32
    %add3A_109 = arith.constant 48 : i32
    %add3A_110 = arith.addi %mul3A_2, %add3A_109 : i32
    "tpu.region"() ({
      %run_scoped3A_111 = tpu.sem_alloc : memref<!tpu.dma_semaphore, #tpu.memory_space<semaphore_mem>>
      %dma_start3A_112 = arith.constant 0 : i32
      %dma_start3A_113 = tpu.memref_slice %arg5[%add3A_110, %dma_start3A_112] : memref<2048x1024xf32, #tpu.memory_space<hbm>> -> memref<16x1024xf32, #tpu.memory_space<hbm>>
      %dma_start3A_114 = arith.constant 0 : i32
      %dma_start3A_115 = tpu.memref_slice %arg5[%add3A_110, %dma_start3A_114] : memref<2048x1024xf32, #tpu.memory_space<hbm>> -> memref<16x1024xf32, #tpu.memory_space<hbm>>
      tpu.enqueue_dma source(%arg12 : memref<16x1024xf32, #tpu.memory_space<vmem>>) target(%dma_start3A_115 : memref<16x1024xf32, #tpu.memory_space<hbm>>) target_semaphore(%run_scoped3A_111 : memref<!tpu.dma_semaphore, #tpu.memory_space<semaphore_mem>>)
      %dma_wait3A_116 = arith.constant 0 : i32
      %dma_wait3A_117 = tpu.memref_slice %arg5[%add3A_110, %dma_wait3A_116] : memref<2048x1024xf32, #tpu.memory_space<hbm>> -> memref<16x1024xf32, #tpu.memory_space<hbm>>
      %dma_wait3A_118 = arith.constant 0 : i32
      %dma_wait3A_119 = tpu.memref_slice %arg5[%add3A_110, %dma_wait3A_118] : memref<2048x1024xf32, #tpu.memory_space<hbm>> -> memref<16x1024xf32, #tpu.memory_space<hbm>>
      tpu.wait_dma2 semaphore(%run_scoped3A_111 : memref<!tpu.dma_semaphore, #tpu.memory_space<semaphore_mem>>) src(%arg12 : memref<16x1024xf32, #tpu.memory_space<vmem>>) dst(%dma_wait3A_119 : memref<16x1024xf32, #tpu.memory_space<hbm>>)
      tpu.yield
    }) : () -> ()
    return
  }
}

module attributes {stable_mosaic.version = 14 : i64} {
  func.func @_gate_route_body(%arg0: memref<2048x1024xf32, #tpu.memory_space<vmem>>, %arg1: memref<16x1024xf32, #tpu.memory_space<vmem>>, %arg2: memref<2x2048xi32, #tpu.memory_space<vmem>>, %arg3: memref<2x2048x16xf32, #tpu.memory_space<vmem>>, %arg4: memref<1x128xi32, #tpu.memory_space<vmem>>) attributes {dimension_semantics = [], scalar_prefetch = 0 : i64, scratch_operands = 0 : i64, tpu.core_type = #tpu.core_type<tc>} {
    %get3A = arith.constant 0 : index
    %get3A_0 = arith.constant 0 : index
    %get3A_1 = vector.load %arg0[%get3A, %get3A_0] : memref<2048x1024xf32, #tpu.memory_space<vmem>>, vector<2048x1024xf32>
    %get3A_2 = arith.constant 0 : index
    %get3A_3 = arith.constant 0 : index
    %get3A_4 = vector.load %arg1[%get3A_2, %get3A_3] : memref<16x1024xf32, #tpu.memory_space<vmem>>, vector<16x1024xf32>
    %dot_general3A = arith.constant dense<0.000000e+00> : vector<2048x16xf32>
    %dot_general3A_5 = tpu.matmul %get3A_1, %get3A_4, %dot_general3A {dimension_numbers = #tpu.dot_dimension_numbers<[1], [1], [0], [0], [0, 0, 1, 0], [], []>, transpose_lhs_hint = false} : vector<2048x1024xf32>, vector<16x1024xf32>, vector<2048x16xf32> -> vector<2048x16xf32>
    %reduce_max3A = arith.constant dense<0xFF800000> : vector<2048xf32>
    %reduce_max3A_6 = vector.multi_reduction <maximumf>, %dot_general3A_5, %reduce_max3A [1] : vector<2048x16xf32> to vector<2048xf32>
    %max3A = arith.constant 0xFF800000 : f32
    %max3A_7 = vector.broadcast %max3A : f32 to vector<2048xf32>
    %max3A_8 = arith.maximumf %max3A_7, %reduce_max3A_6 : vector<2048xf32>
    %broadcast_in_dim3A = vector.shape_cast %max3A_8 : vector<2048xf32> to vector<2048x1xf32>
    %sub3A = vector.broadcast %broadcast_in_dim3A : vector<2048x1xf32> to vector<2048x16xf32>
    %sub3A_9 = arith.subf %dot_general3A_5, %sub3A : vector<2048x16xf32>
    %exp3A = math.exp %sub3A_9 : vector<2048x16xf32>
    %reduce_sum3A = arith.constant dense<0.000000e+00> : vector<2048xf32>
    %reduce_sum3A_10 = vector.multi_reduction <add>, %exp3A, %reduce_sum3A [1] : vector<2048x16xf32> to vector<2048xf32>
    %broadcast_in_dim3A_11 = vector.shape_cast %reduce_sum3A_10 : vector<2048xf32> to vector<2048x1xf32>
    %div3A = vector.broadcast %broadcast_in_dim3A_11 : vector<2048x1xf32> to vector<2048x16xf32>
    %div3A_12 = arith.divf %exp3A, %div3A : vector<2048x16xf32>
    %iota3A = tpu.iota {dimensions = array<i32: 1>} : vector<2048x16xi32>
    %reduce_max3A_13 = arith.constant dense<0xFF800000> : vector<2048xf32>
    %reduce_max3A_14 = vector.multi_reduction <maximumf>, %div3A_12, %reduce_max3A_13 [1] : vector<2048x16xf32> to vector<2048xf32>
    %broadcast_in_dim3A_15 = vector.shape_cast %reduce_max3A_14 : vector<2048xf32> to vector<2048x1xf32>
    %eq3A = vector.broadcast %broadcast_in_dim3A_15 : vector<2048x1xf32> to vector<2048x16xf32>
    %eq3A_16 = arith.cmpf oeq, %div3A_12, %eq3A : vector<2048x16xf32>
    %jit3A = arith.constant 16 : i32
    %broadcast_in_dim3A_17 = vector.broadcast %jit3A : i32 to vector<2048x16xi32>
    %select_n3A = arith.select %eq3A_16, %iota3A, %broadcast_in_dim3A_17 : vector<2048x16xi1>, vector<2048x16xi32>
    %reduce_min3A = arith.constant dense<2147483647> : vector<2048xi32>
    %reduce_min3A_18 = vector.multi_reduction <minsi>, %select_n3A, %reduce_min3A [1] : vector<2048x16xi32> to vector<2048xi32>
    %broadcast_in_dim3A_19 = vector.shape_cast %reduce_min3A_18 : vector<2048xi32> to vector<2048x1xi32>
    %eq3A_20 = vector.broadcast %broadcast_in_dim3A_19 : vector<2048x1xi32> to vector<2048x16xi32>
    %eq3A_21 = arith.cmpi eq, %iota3A, %eq3A_20 : vector<2048x16xi32>
    %jit3A_22 = arith.constant -1.000000e+00 : f32
    %broadcast_in_dim3A_23 = vector.broadcast %jit3A_22 : f32 to vector<2048x16xf32>
    %select_n3A_24 = arith.select %eq3A_21, %broadcast_in_dim3A_23, %div3A_12 : vector<2048x16xi1>, vector<2048x16xf32>
    %reduce_max3A_25 = arith.constant dense<0xFF800000> : vector<2048xf32>
    %reduce_max3A_26 = vector.multi_reduction <maximumf>, %select_n3A_24, %reduce_max3A_25 [1] : vector<2048x16xf32> to vector<2048xf32>
    %broadcast_in_dim3A_27 = vector.shape_cast %reduce_max3A_26 : vector<2048xf32> to vector<2048x1xf32>
    %eq3A_28 = vector.broadcast %broadcast_in_dim3A_27 : vector<2048x1xf32> to vector<2048x16xf32>
    %eq3A_29 = arith.cmpf oeq, %select_n3A_24, %eq3A_28 : vector<2048x16xf32>
    %jit3A_30 = arith.constant 16 : i32
    %broadcast_in_dim3A_31 = vector.broadcast %jit3A_30 : i32 to vector<2048x16xi32>
    %select_n3A_32 = arith.select %eq3A_29, %iota3A, %broadcast_in_dim3A_31 : vector<2048x16xi1>, vector<2048x16xi32>
    %reduce_min3A_33 = arith.constant dense<2147483647> : vector<2048xi32>
    %reduce_min3A_34 = vector.multi_reduction <minsi>, %select_n3A_32, %reduce_min3A_33 [1] : vector<2048x16xi32> to vector<2048xi32>
    %broadcast_in_dim3A_35 = vector.shape_cast %reduce_min3A_34 : vector<2048xi32> to vector<2048x1xi32>
    %eq3A_36 = vector.broadcast %broadcast_in_dim3A_19 : vector<2048x1xi32> to vector<2048x16xi32>
    %eq3A_37 = arith.cmpi eq, %iota3A, %eq3A_36 : vector<2048x16xi32>
    %convert_element_type3A = arith.extui %eq3A_37 : vector<2048x16xi1> to vector<2048x16xi32>
    %convert_element_type3A_38 = arith.sitofp %convert_element_type3A : vector<2048x16xi32> to vector<2048x16xf32>
    %eq3A_39 = vector.broadcast %broadcast_in_dim3A_35 : vector<2048x1xi32> to vector<2048x16xi32>
    %eq3A_40 = arith.cmpi eq, %iota3A, %eq3A_39 : vector<2048x16xi32>
    %convert_element_type3A_41 = arith.extui %eq3A_40 : vector<2048x16xi1> to vector<2048x16xi32>
    %convert_element_type3A_42 = arith.sitofp %convert_element_type3A_41 : vector<2048x16xi32> to vector<2048x16xf32>
    %iota3A_43 = tpu.iota {dimensions = array<i32: 0>} : vector<512x512xi32>
    %iota3A_44 = tpu.iota {dimensions = array<i32: 1>} : vector<512x512xi32>
    %eq3A_45 = arith.cmpi eq, %iota3A_43, %iota3A_44 : vector<512x512xi32>
    %convert_element_type3A_46 = arith.extui %eq3A_45 : vector<512x512xi1> to vector<512x512xi32>
    %convert_element_type3A_47 = arith.sitofp %convert_element_type3A_46 : vector<512x512xi32> to vector<512x512xf32>
    %lt3A = arith.cmpi slt, %iota3A_43, %iota3A_44 : vector<512x512xi32>
    %convert_element_type3A_48 = arith.extui %lt3A : vector<512x512xi1> to vector<512x512xi32>
    %convert_element_type3A_49 = arith.sitofp %convert_element_type3A_48 : vector<512x512xi32> to vector<512x512xf32>
    %iota3A_50 = tpu.iota {dimensions = array<i32: 0>} : vector<16x16xi32>
    %iota3A_51 = tpu.iota {dimensions = array<i32: 1>} : vector<16x16xi32>
    %lt3A_52 = arith.cmpi slt, %iota3A_51, %iota3A_50 : vector<16x16xi32>
    %convert_element_type3A_53 = arith.extui %lt3A_52 : vector<16x16xi1> to vector<16x16xi32>
    %convert_element_type3A_54 = arith.sitofp %convert_element_type3A_53 : vector<16x16xi32> to vector<16x16xf32>
    %concatenate3A = tpu.concatenate %convert_element_type3A_38, %convert_element_type3A_42 in 0 : vector<2048x16xf32>, vector<2048x16xf32> -> vector<4096x16xf32>
    %broadcast_in_dim3A_55 = arith.constant 0.000000e+00 : f32
    %broadcast_in_dim3A_56 = vector.broadcast %broadcast_in_dim3A_55 : f32 to vector<16x1xf32>
    %slice3A = vector.extract_strided_slice %concatenate3A {offsets = [0, 0], sizes = [512, 16], strides = [1, 1]} : vector<4096x16xf32> to vector<512x16xf32>
    %dot_general3A_57 = arith.constant dense<0.000000e+00> : vector<16x512xf32>
    %dot_general3A_58 = tpu.matmul %slice3A, %convert_element_type3A_47, %dot_general3A_57 {dimension_numbers = #tpu.dot_dimension_numbers<[0], [0], [1], [1], [0, 1, 1, 1], [], []>, transpose_lhs_hint = false} : vector<512x16xf32>, vector<512x512xf32>, vector<16x512xf32> -> vector<16x512xf32>
    %dot_general3A_59 = arith.constant dense<0.000000e+00> : vector<16x512xf32>
    %dot_general3A_60 = tpu.matmul %dot_general3A_58, %convert_element_type3A_49, %dot_general3A_59 {dimension_numbers = #tpu.dot_dimension_numbers<[1], [0], [0], [1], [0, 0, 1, 1], [], []>, transpose_lhs_hint = false} : vector<16x512xf32>, vector<512x512xf32>, vector<16x512xf32> -> vector<16x512xf32>
    %reduce_sum3A_61 = arith.constant dense<0.000000e+00> : vector<16xf32>
    %reduce_sum3A_62 = vector.multi_reduction <add>, %dot_general3A_58, %reduce_sum3A_61 [1] : vector<16x512xf32> to vector<16xf32>
    %broadcast_in_dim3A_63 = vector.shape_cast %reduce_sum3A_62 : vector<16xf32> to vector<16x1xf32>
    %add3A = arith.addf %broadcast_in_dim3A_56, %broadcast_in_dim3A_63 : vector<16x1xf32>
    %slice3A_64 = vector.extract_strided_slice %concatenate3A {offsets = [512, 0], sizes = [512, 16], strides = [1, 1]} : vector<4096x16xf32> to vector<512x16xf32>
    %dot_general3A_65 = arith.constant dense<0.000000e+00> : vector<16x512xf32>
    %dot_general3A_66 = tpu.matmul %slice3A_64, %convert_element_type3A_47, %dot_general3A_65 {dimension_numbers = #tpu.dot_dimension_numbers<[0], [0], [1], [1], [0, 1, 1, 1], [], []>, transpose_lhs_hint = false} : vector<512x16xf32>, vector<512x512xf32>, vector<16x512xf32> -> vector<16x512xf32>
    %dot_general3A_67 = arith.constant dense<0.000000e+00> : vector<16x512xf32>
    %dot_general3A_68 = tpu.matmul %dot_general3A_66, %convert_element_type3A_49, %dot_general3A_67 {dimension_numbers = #tpu.dot_dimension_numbers<[1], [0], [0], [1], [0, 0, 1, 1], [], []>, transpose_lhs_hint = false} : vector<16x512xf32>, vector<512x512xf32>, vector<16x512xf32> -> vector<16x512xf32>
    %reduce_sum3A_69 = arith.constant dense<0.000000e+00> : vector<16xf32>
    %reduce_sum3A_70 = vector.multi_reduction <add>, %dot_general3A_66, %reduce_sum3A_69 [1] : vector<16x512xf32> to vector<16xf32>
    %broadcast_in_dim3A_71 = vector.shape_cast %reduce_sum3A_70 : vector<16xf32> to vector<16x1xf32>
    %add3A_72 = arith.addf %add3A, %broadcast_in_dim3A_71 : vector<16x1xf32>
    %slice3A_73 = vector.extract_strided_slice %concatenate3A {offsets = [1024, 0], sizes = [512, 16], strides = [1, 1]} : vector<4096x16xf32> to vector<512x16xf32>
    %dot_general3A_74 = arith.constant dense<0.000000e+00> : vector<16x512xf32>
    %dot_general3A_75 = tpu.matmul %slice3A_73, %convert_element_type3A_47, %dot_general3A_74 {dimension_numbers = #tpu.dot_dimension_numbers<[0], [0], [1], [1], [0, 1, 1, 1], [], []>, transpose_lhs_hint = false} : vector<512x16xf32>, vector<512x512xf32>, vector<16x512xf32> -> vector<16x512xf32>
    %dot_general3A_76 = arith.constant dense<0.000000e+00> : vector<16x512xf32>
    %dot_general3A_77 = tpu.matmul %dot_general3A_75, %convert_element_type3A_49, %dot_general3A_76 {dimension_numbers = #tpu.dot_dimension_numbers<[1], [0], [0], [1], [0, 0, 1, 1], [], []>, transpose_lhs_hint = false} : vector<16x512xf32>, vector<512x512xf32>, vector<16x512xf32> -> vector<16x512xf32>
    %reduce_sum3A_78 = arith.constant dense<0.000000e+00> : vector<16xf32>
    %reduce_sum3A_79 = vector.multi_reduction <add>, %dot_general3A_75, %reduce_sum3A_78 [1] : vector<16x512xf32> to vector<16xf32>
    %broadcast_in_dim3A_80 = vector.shape_cast %reduce_sum3A_79 : vector<16xf32> to vector<16x1xf32>
    %add3A_81 = arith.addf %add3A_72, %broadcast_in_dim3A_80 : vector<16x1xf32>
    %slice3A_82 = vector.extract_strided_slice %concatenate3A {offsets = [1536, 0], sizes = [512, 16], strides = [1, 1]} : vector<4096x16xf32> to vector<512x16xf32>
    %dot_general3A_83 = arith.constant dense<0.000000e+00> : vector<16x512xf32>
    %dot_general3A_84 = tpu.matmul %slice3A_82, %convert_element_type3A_47, %dot_general3A_83 {dimension_numbers = #tpu.dot_dimension_numbers<[0], [0], [1], [1], [0, 1, 1, 1], [], []>, transpose_lhs_hint = false} : vector<512x16xf32>, vector<512x512xf32>, vector<16x512xf32> -> vector<16x512xf32>
    %dot_general3A_85 = arith.constant dense<0.000000e+00> : vector<16x512xf32>
    %dot_general3A_86 = tpu.matmul %dot_general3A_84, %convert_element_type3A_49, %dot_general3A_85 {dimension_numbers = #tpu.dot_dimension_numbers<[1], [0], [0], [1], [0, 0, 1, 1], [], []>, transpose_lhs_hint = false} : vector<16x512xf32>, vector<512x512xf32>, vector<16x512xf32> -> vector<16x512xf32>
    %reduce_sum3A_87 = arith.constant dense<0.000000e+00> : vector<16xf32>
    %reduce_sum3A_88 = vector.multi_reduction <add>, %dot_general3A_84, %reduce_sum3A_87 [1] : vector<16x512xf32> to vector<16xf32>
    %broadcast_in_dim3A_89 = vector.shape_cast %reduce_sum3A_88 : vector<16xf32> to vector<16x1xf32>
    %add3A_90 = arith.addf %add3A_81, %broadcast_in_dim3A_89 : vector<16x1xf32>
    %slice3A_91 = vector.extract_strided_slice %concatenate3A {offsets = [2048, 0], sizes = [512, 16], strides = [1, 1]} : vector<4096x16xf32> to vector<512x16xf32>
    %dot_general3A_92 = arith.constant dense<0.000000e+00> : vector<16x512xf32>
    %dot_general3A_93 = tpu.matmul %slice3A_91, %convert_element_type3A_47, %dot_general3A_92 {dimension_numbers = #tpu.dot_dimension_numbers<[0], [0], [1], [1], [0, 1, 1, 1], [], []>, transpose_lhs_hint = false} : vector<512x16xf32>, vector<512x512xf32>, vector<16x512xf32> -> vector<16x512xf32>
    %dot_general3A_94 = arith.constant dense<0.000000e+00> : vector<16x512xf32>
    %dot_general3A_95 = tpu.matmul %dot_general3A_93, %convert_element_type3A_49, %dot_general3A_94 {dimension_numbers = #tpu.dot_dimension_numbers<[1], [0], [0], [1], [0, 0, 1, 1], [], []>, transpose_lhs_hint = false} : vector<16x512xf32>, vector<512x512xf32>, vector<16x512xf32> -> vector<16x512xf32>
    %reduce_sum3A_96 = arith.constant dense<0.000000e+00> : vector<16xf32>
    %reduce_sum3A_97 = vector.multi_reduction <add>, %dot_general3A_93, %reduce_sum3A_96 [1] : vector<16x512xf32> to vector<16xf32>
    %broadcast_in_dim3A_98 = vector.shape_cast %reduce_sum3A_97 : vector<16xf32> to vector<16x1xf32>
    %add3A_99 = arith.addf %add3A_90, %broadcast_in_dim3A_98 : vector<16x1xf32>
    %slice3A_100 = vector.extract_strided_slice %concatenate3A {offsets = [2560, 0], sizes = [512, 16], strides = [1, 1]} : vector<4096x16xf32> to vector<512x16xf32>
    %dot_general3A_101 = arith.constant dense<0.000000e+00> : vector<16x512xf32>
    %dot_general3A_102 = tpu.matmul %slice3A_100, %convert_element_type3A_47, %dot_general3A_101 {dimension_numbers = #tpu.dot_dimension_numbers<[0], [0], [1], [1], [0, 1, 1, 1], [], []>, transpose_lhs_hint = false} : vector<512x16xf32>, vector<512x512xf32>, vector<16x512xf32> -> vector<16x512xf32>
    %dot_general3A_103 = arith.constant dense<0.000000e+00> : vector<16x512xf32>
    %dot_general3A_104 = tpu.matmul %dot_general3A_102, %convert_element_type3A_49, %dot_general3A_103 {dimension_numbers = #tpu.dot_dimension_numbers<[1], [0], [0], [1], [0, 0, 1, 1], [], []>, transpose_lhs_hint = false} : vector<16x512xf32>, vector<512x512xf32>, vector<16x512xf32> -> vector<16x512xf32>
    %reduce_sum3A_105 = arith.constant dense<0.000000e+00> : vector<16xf32>
    %reduce_sum3A_106 = vector.multi_reduction <add>, %dot_general3A_102, %reduce_sum3A_105 [1] : vector<16x512xf32> to vector<16xf32>
    %broadcast_in_dim3A_107 = vector.shape_cast %reduce_sum3A_106 : vector<16xf32> to vector<16x1xf32>
    %add3A_108 = arith.addf %add3A_99, %broadcast_in_dim3A_107 : vector<16x1xf32>
    %slice3A_109 = vector.extract_strided_slice %concatenate3A {offsets = [3072, 0], sizes = [512, 16], strides = [1, 1]} : vector<4096x16xf32> to vector<512x16xf32>
    %dot_general3A_110 = arith.constant dense<0.000000e+00> : vector<16x512xf32>
    %dot_general3A_111 = tpu.matmul %slice3A_109, %convert_element_type3A_47, %dot_general3A_110 {dimension_numbers = #tpu.dot_dimension_numbers<[0], [0], [1], [1], [0, 1, 1, 1], [], []>, transpose_lhs_hint = false} : vector<512x16xf32>, vector<512x512xf32>, vector<16x512xf32> -> vector<16x512xf32>
    %dot_general3A_112 = arith.constant dense<0.000000e+00> : vector<16x512xf32>
    %dot_general3A_113 = tpu.matmul %dot_general3A_111, %convert_element_type3A_49, %dot_general3A_112 {dimension_numbers = #tpu.dot_dimension_numbers<[1], [0], [0], [1], [0, 0, 1, 1], [], []>, transpose_lhs_hint = false} : vector<16x512xf32>, vector<512x512xf32>, vector<16x512xf32> -> vector<16x512xf32>
    %reduce_sum3A_114 = arith.constant dense<0.000000e+00> : vector<16xf32>
    %reduce_sum3A_115 = vector.multi_reduction <add>, %dot_general3A_111, %reduce_sum3A_114 [1] : vector<16x512xf32> to vector<16xf32>
    %broadcast_in_dim3A_116 = vector.shape_cast %reduce_sum3A_115 : vector<16xf32> to vector<16x1xf32>
    %add3A_117 = arith.addf %add3A_108, %broadcast_in_dim3A_116 : vector<16x1xf32>
    %slice3A_118 = vector.extract_strided_slice %concatenate3A {offsets = [3584, 0], sizes = [512, 16], strides = [1, 1]} : vector<4096x16xf32> to vector<512x16xf32>
    %dot_general3A_119 = arith.constant dense<0.000000e+00> : vector<16x512xf32>
    %dot_general3A_120 = tpu.matmul %slice3A_118, %convert_element_type3A_47, %dot_general3A_119 {dimension_numbers = #tpu.dot_dimension_numbers<[0], [0], [1], [1], [0, 1, 1, 1], [], []>, transpose_lhs_hint = false} : vector<512x16xf32>, vector<512x512xf32>, vector<16x512xf32> -> vector<16x512xf32>
    %dot_general3A_121 = arith.constant dense<0.000000e+00> : vector<16x512xf32>
    %dot_general3A_122 = tpu.matmul %dot_general3A_120, %convert_element_type3A_49, %dot_general3A_121 {dimension_numbers = #tpu.dot_dimension_numbers<[1], [0], [0], [1], [0, 0, 1, 1], [], []>, transpose_lhs_hint = false} : vector<16x512xf32>, vector<512x512xf32>, vector<16x512xf32> -> vector<16x512xf32>
    %reduce_sum3A_123 = arith.constant dense<0.000000e+00> : vector<16xf32>
    %reduce_sum3A_124 = vector.multi_reduction <add>, %dot_general3A_120, %reduce_sum3A_123 [1] : vector<16x512xf32> to vector<16xf32>
    %broadcast_in_dim3A_125 = vector.shape_cast %reduce_sum3A_124 : vector<16xf32> to vector<16x1xf32>
    %add3A_126 = arith.addf %add3A_117, %broadcast_in_dim3A_125 : vector<16x1xf32>
    %add3A_127 = arith.constant 2.550000e+02 : f32
    %add3A_128 = vector.broadcast %add3A_127 : f32 to vector<16x1xf32>
    %add3A_129 = arith.addf %add3A_126, %add3A_128 : vector<16x1xf32>
    %mul3A = arith.constant 3.906250e-03 : f32
    %mul3A_130 = vector.broadcast %mul3A : f32 to vector<16x1xf32>
    %mul3A_131 = arith.mulf %add3A_129, %mul3A_130 : vector<16x1xf32>
    %floor3A = math.floor %mul3A_131 : vector<16x1xf32>
    %mul3A_132 = arith.constant 2.560000e+02 : f32
    %mul3A_133 = vector.broadcast %mul3A_132 : f32 to vector<16x1xf32>
    %mul3A_134 = arith.mulf %floor3A, %mul3A_133 : vector<16x1xf32>
    %dot_general3A_135 = arith.constant dense<0.000000e+00> : vector<16x1xf32>
    %dot_general3A_136 = tpu.matmul %convert_element_type3A_54, %mul3A_134, %dot_general3A_135 {dimension_numbers = #tpu.dot_dimension_numbers<[1], [0], [0], [1], [0, 0, 1, 1], [], []>, transpose_lhs_hint = false} : vector<16x16xf32>, vector<16x1xf32>, vector<16x1xf32> -> vector<16x1xf32>
    %add3A_137 = vector.broadcast %broadcast_in_dim3A_56 : vector<16x1xf32> to vector<16x512xf32>
    %add3A_138 = arith.addf %dot_general3A_60, %add3A_137 : vector<16x512xf32>
    %add3A_139 = vector.broadcast %dot_general3A_136 : vector<16x1xf32> to vector<16x512xf32>
    %add3A_140 = arith.addf %add3A_138, %add3A_139 : vector<16x512xf32>
    %mul3A_141 = arith.mulf %dot_general3A_58, %add3A_140 : vector<16x512xf32>
    %reduce_sum3A_142 = arith.constant dense<0.000000e+00> : vector<512xf32>
    %reduce_sum3A_143 = vector.multi_reduction <add>, %mul3A_141, %reduce_sum3A_142 [0] : vector<16x512xf32> to vector<512xf32>
    %broadcast_in_dim3A_144 = vector.shape_cast %reduce_sum3A_143 : vector<512xf32> to vector<1x512xf32>
    %add3A_145 = vector.broadcast %add3A : vector<16x1xf32> to vector<16x512xf32>
    %add3A_146 = arith.addf %dot_general3A_68, %add3A_145 : vector<16x512xf32>
    %add3A_147 = vector.broadcast %dot_general3A_136 : vector<16x1xf32> to vector<16x512xf32>
    %add3A_148 = arith.addf %add3A_146, %add3A_147 : vector<16x512xf32>
    %mul3A_149 = arith.mulf %dot_general3A_66, %add3A_148 : vector<16x512xf32>
    %reduce_sum3A_150 = arith.constant dense<0.000000e+00> : vector<512xf32>
    %reduce_sum3A_151 = vector.multi_reduction <add>, %mul3A_149, %reduce_sum3A_150 [0] : vector<16x512xf32> to vector<512xf32>
    %broadcast_in_dim3A_152 = vector.shape_cast %reduce_sum3A_151 : vector<512xf32> to vector<1x512xf32>
    %add3A_153 = vector.broadcast %add3A_72 : vector<16x1xf32> to vector<16x512xf32>
    %add3A_154 = arith.addf %dot_general3A_77, %add3A_153 : vector<16x512xf32>
    %add3A_155 = vector.broadcast %dot_general3A_136 : vector<16x1xf32> to vector<16x512xf32>
    %add3A_156 = arith.addf %add3A_154, %add3A_155 : vector<16x512xf32>
    %mul3A_157 = arith.mulf %dot_general3A_75, %add3A_156 : vector<16x512xf32>
    %reduce_sum3A_158 = arith.constant dense<0.000000e+00> : vector<512xf32>
    %reduce_sum3A_159 = vector.multi_reduction <add>, %mul3A_157, %reduce_sum3A_158 [0] : vector<16x512xf32> to vector<512xf32>
    %broadcast_in_dim3A_160 = vector.shape_cast %reduce_sum3A_159 : vector<512xf32> to vector<1x512xf32>
    %add3A_161 = vector.broadcast %add3A_81 : vector<16x1xf32> to vector<16x512xf32>
    %add3A_162 = arith.addf %dot_general3A_86, %add3A_161 : vector<16x512xf32>
    %add3A_163 = vector.broadcast %dot_general3A_136 : vector<16x1xf32> to vector<16x512xf32>
    %add3A_164 = arith.addf %add3A_162, %add3A_163 : vector<16x512xf32>
    %mul3A_165 = arith.mulf %dot_general3A_84, %add3A_164 : vector<16x512xf32>
    %reduce_sum3A_166 = arith.constant dense<0.000000e+00> : vector<512xf32>
    %reduce_sum3A_167 = vector.multi_reduction <add>, %mul3A_165, %reduce_sum3A_166 [0] : vector<16x512xf32> to vector<512xf32>
    %broadcast_in_dim3A_168 = vector.shape_cast %reduce_sum3A_167 : vector<512xf32> to vector<1x512xf32>
    %add3A_169 = vector.broadcast %add3A_90 : vector<16x1xf32> to vector<16x512xf32>
    %add3A_170 = arith.addf %dot_general3A_95, %add3A_169 : vector<16x512xf32>
    %add3A_171 = vector.broadcast %dot_general3A_136 : vector<16x1xf32> to vector<16x512xf32>
    %add3A_172 = arith.addf %add3A_170, %add3A_171 : vector<16x512xf32>
    %mul3A_173 = arith.mulf %dot_general3A_93, %add3A_172 : vector<16x512xf32>
    %reduce_sum3A_174 = arith.constant dense<0.000000e+00> : vector<512xf32>
    %reduce_sum3A_175 = vector.multi_reduction <add>, %mul3A_173, %reduce_sum3A_174 [0] : vector<16x512xf32> to vector<512xf32>
    %broadcast_in_dim3A_176 = vector.shape_cast %reduce_sum3A_175 : vector<512xf32> to vector<1x512xf32>
    %add3A_177 = vector.broadcast %add3A_99 : vector<16x1xf32> to vector<16x512xf32>
    %add3A_178 = arith.addf %dot_general3A_104, %add3A_177 : vector<16x512xf32>
    %add3A_179 = vector.broadcast %dot_general3A_136 : vector<16x1xf32> to vector<16x512xf32>
    %add3A_180 = arith.addf %add3A_178, %add3A_179 : vector<16x512xf32>
    %mul3A_181 = arith.mulf %dot_general3A_102, %add3A_180 : vector<16x512xf32>
    %reduce_sum3A_182 = arith.constant dense<0.000000e+00> : vector<512xf32>
    %reduce_sum3A_183 = vector.multi_reduction <add>, %mul3A_181, %reduce_sum3A_182 [0] : vector<16x512xf32> to vector<512xf32>
    %broadcast_in_dim3A_184 = vector.shape_cast %reduce_sum3A_183 : vector<512xf32> to vector<1x512xf32>
    %add3A_185 = vector.broadcast %add3A_108 : vector<16x1xf32> to vector<16x512xf32>
    %add3A_186 = arith.addf %dot_general3A_113, %add3A_185 : vector<16x512xf32>
    %add3A_187 = vector.broadcast %dot_general3A_136 : vector<16x1xf32> to vector<16x512xf32>
    %add3A_188 = arith.addf %add3A_186, %add3A_187 : vector<16x512xf32>
    %mul3A_189 = arith.mulf %dot_general3A_111, %add3A_188 : vector<16x512xf32>
    %reduce_sum3A_190 = arith.constant dense<0.000000e+00> : vector<512xf32>
    %reduce_sum3A_191 = vector.multi_reduction <add>, %mul3A_189, %reduce_sum3A_190 [0] : vector<16x512xf32> to vector<512xf32>
    %broadcast_in_dim3A_192 = vector.shape_cast %reduce_sum3A_191 : vector<512xf32> to vector<1x512xf32>
    %add3A_193 = vector.broadcast %add3A_117 : vector<16x1xf32> to vector<16x512xf32>
    %add3A_194 = arith.addf %dot_general3A_122, %add3A_193 : vector<16x512xf32>
    %add3A_195 = vector.broadcast %dot_general3A_136 : vector<16x1xf32> to vector<16x512xf32>
    %add3A_196 = arith.addf %add3A_194, %add3A_195 : vector<16x512xf32>
    %mul3A_197 = arith.mulf %dot_general3A_120, %add3A_196 : vector<16x512xf32>
    %reduce_sum3A_198 = arith.constant dense<0.000000e+00> : vector<512xf32>
    %reduce_sum3A_199 = vector.multi_reduction <add>, %mul3A_197, %reduce_sum3A_198 [0] : vector<16x512xf32> to vector<512xf32>
    %broadcast_in_dim3A_200 = vector.shape_cast %reduce_sum3A_199 : vector<512xf32> to vector<1x512xf32>
    %concatenate3A_201 = tpu.concatenate %broadcast_in_dim3A_144, %broadcast_in_dim3A_152, %broadcast_in_dim3A_160, %broadcast_in_dim3A_168 in 1 : vector<1x512xf32>, vector<1x512xf32>, vector<1x512xf32>, vector<1x512xf32> -> vector<1x2048xf32>
    %concatenate3A_202 = tpu.concatenate %broadcast_in_dim3A_176, %broadcast_in_dim3A_184, %broadcast_in_dim3A_192, %broadcast_in_dim3A_200 in 1 : vector<1x512xf32>, vector<1x512xf32>, vector<1x512xf32>, vector<1x512xf32> -> vector<1x2048xf32>
    %concatenate3A_203 = tpu.concatenate %concatenate3A_201, %concatenate3A_202 in 0 : vector<1x2048xf32>, vector<1x2048xf32> -> vector<2x2048xf32>
    %convert_element_type3A_204 = arith.fptosi %concatenate3A_203 : vector<2x2048xf32> to vector<2x2048xi32>
    %swap3A = arith.constant 0 : index
    %swap3A_205 = arith.constant 0 : index
    %swap3A_206 = vector.load %arg2[%swap3A, %swap3A_205] : memref<2x2048xi32, #tpu.memory_space<vmem>>, vector<2x2048xi32>
    tpu.vector_store %arg2[%swap3A, %swap3A_205], %convert_element_type3A_204 {strides = array<i32>} : memref<2x2048xi32, #tpu.memory_space<vmem>>, vector<2x2048xi32>,
    %broadcast_in_dim3A_207 = vector.shape_cast %broadcast_in_dim3A_15 : vector<2048x1xf32> to vector<2048x1xf32>
    %broadcast_in_dim3A_208 = vector.broadcast %broadcast_in_dim3A_207 : vector<2048x1xf32> to vector<2048x16xf32>
    %swap3A_209 = arith.constant 0 : index
    %swap3A_210 = arith.constant 0 : index
    %swap3A_211 = arith.constant 0 : index
    %swap3A_212 = vector.load %arg3[%swap3A_209, %swap3A_210, %swap3A_211] : memref<2x2048x16xf32, #tpu.memory_space<vmem>>, vector<1x2048x16xf32>
    %swap3A_213 = vector.shape_cast %swap3A_212 : vector<1x2048x16xf32> to vector<2048x16xf32>
    %swap3A_214 = vector.shape_cast %broadcast_in_dim3A_208 : vector<2048x16xf32> to vector<1x2048x16xf32>
    tpu.vector_store %arg3[%swap3A_209, %swap3A_210, %swap3A_211], %swap3A_214 {strides = array<i32>} : memref<2x2048x16xf32, #tpu.memory_space<vmem>>, vector<1x2048x16xf32>,
    %broadcast_in_dim3A_215 = vector.shape_cast %broadcast_in_dim3A_27 : vector<2048x1xf32> to vector<2048x1xf32>
    %broadcast_in_dim3A_216 = vector.broadcast %broadcast_in_dim3A_215 : vector<2048x1xf32> to vector<2048x16xf32>
    %swap3A_217 = arith.constant 1 : index
    %swap3A_218 = arith.constant 0 : index
    %swap3A_219 = arith.constant 0 : index
    %swap3A_220 = vector.load %arg3[%swap3A_217, %swap3A_218, %swap3A_219] : memref<2x2048x16xf32, #tpu.memory_space<vmem>>, vector<1x2048x16xf32>
    %swap3A_221 = vector.shape_cast %swap3A_220 : vector<1x2048x16xf32> to vector<2048x16xf32>
    %swap3A_222 = vector.shape_cast %broadcast_in_dim3A_216 : vector<2048x16xf32> to vector<1x2048x16xf32>
    tpu.vector_store %arg3[%swap3A_217, %swap3A_218, %swap3A_219], %swap3A_222 {strides = array<i32>} : memref<2x2048x16xf32, #tpu.memory_space<vmem>>, vector<1x2048x16xf32>,
    %reduce_sum3A_223 = vector.shape_cast %mul3A_134 : vector<16x1xf32> to vector<1x16x1xf32>
    %reduce_sum3A_224 = arith.constant dense<0.000000e+00> : vector<1xf32>
    %reduce_sum3A_225 = vector.multi_reduction <add>, %reduce_sum3A_223, %reduce_sum3A_224 [1, 2] : vector<1x16x1xf32> to vector<1xf32>
    %reduce_sum3A_226 = vector.shape_cast %reduce_sum3A_225 : vector<1xf32> to vector<1x1x1xf32>
    %reduce_sum3A_227 = vector.extract %reduce_sum3A_226[0, 0, 0] : f32 from vector<1x1x1xf32>
    %mul3A_228 = arith.constant 3.906250e-03 : f32
    %mul3A_229 = arith.mulf %reduce_sum3A_227, %mul3A_228 : f32
    %iota3A_230 = tpu.iota {dimensions = array<i32: 1>} : vector<1x32xi32>
    %convert_element_type3A_231 = arith.sitofp %iota3A_230 : vector<1x32xi32> to vector<1x32xf32>
    %mul3A_232 = arith.constant 2.560000e+02 : f32
    %mul3A_233 = vector.broadcast %mul3A_232 : f32 to vector<1x32xf32>
    %mul3A_234 = arith.mulf %convert_element_type3A_231, %mul3A_233 : vector<1x32xf32>
    %le3A = vector.broadcast %dot_general3A_136 : vector<16x1xf32> to vector<16x32xf32>
    %le3A_235 = vector.broadcast %mul3A_234 : vector<1x32xf32> to vector<16x32xf32>
    %le3A_236 = arith.cmpf ole, %le3A, %le3A_235 : vector<16x32xf32>
    %convert_element_type3A_237 = arith.extui %le3A_236 : vector<16x32xi1> to vector<16x32xi32>
    %convert_element_type3A_238 = arith.sitofp %convert_element_type3A_237 : vector<16x32xi32> to vector<16x32xf32>
    %reduce_sum3A_239 = arith.constant dense<0.000000e+00> : vector<32xf32>
    %reduce_sum3A_240 = vector.multi_reduction <add>, %convert_element_type3A_238, %reduce_sum3A_239 [0] : vector<16x32xf32> to vector<32xf32>
    %broadcast_in_dim3A_241 = vector.shape_cast %reduce_sum3A_240 : vector<32xf32> to vector<1x32xf32>
    %sub3A_242 = arith.constant 1.000000e+00 : f32
    %sub3A_243 = vector.broadcast %sub3A_242 : f32 to vector<1x32xf32>
    %sub3A_244 = arith.subf %broadcast_in_dim3A_241, %sub3A_243 : vector<1x32xf32>
    %slice3A_245 = vector.extract_strided_slice %sub3A_244 {offsets = [0, 0], sizes = [1, 1], strides = [1, 1]} : vector<1x32xf32> to vector<1x1xf32>
    %slice3A_246 = vector.extract_strided_slice %sub3A_244 {offsets = [0, 0], sizes = [1, 31], strides = [1, 1]} : vector<1x32xf32> to vector<1x31xf32>
    %concatenate3A_247 = tpu.concatenate %slice3A_245, %slice3A_246 in 1 : vector<1x1xf32>, vector<1x31xf32> -> vector<1x32xf32>
    %ne3A = arith.cmpf one, %sub3A_244, %concatenate3A_247 : vector<1x32xf32>
    %convert_element_type3A_248 = arith.extui %ne3A : vector<1x32xi1> to vector<1x32xi32>
    %convert_element_type3A_249 = arith.sitofp %convert_element_type3A_248 : vector<1x32xi32> to vector<1x32xf32>
    %iota3A_250 = tpu.iota {dimensions = array<i32: 0>} : vector<32x32xi32>
    %iota3A_251 = tpu.iota {dimensions = array<i32: 1>} : vector<32x32xi32>
    %le3A_252 = arith.cmpi sle, %iota3A_250, %iota3A_251 : vector<32x32xi32>
    %convert_element_type3A_253 = arith.extui %le3A_252 : vector<32x32xi1> to vector<32x32xi32>
    %convert_element_type3A_254 = arith.sitofp %convert_element_type3A_253 : vector<32x32xi32> to vector<32x32xf32>
    %eq3A_255 = arith.cmpi eq, %iota3A_250, %iota3A_251 : vector<32x32xi32>
    %convert_element_type3A_256 = arith.extui %eq3A_255 : vector<32x32xi1> to vector<32x32xi32>
    %convert_element_type3A_257 = arith.sitofp %convert_element_type3A_256 : vector<32x32xi32> to vector<32x32xf32>
    %dot_general3A_258 = arith.constant dense<0.000000e+00> : vector<1x32xf32>
    %dot_general3A_259 = tpu.matmul %convert_element_type3A_249, %convert_element_type3A_254, %dot_general3A_258 {dimension_numbers = #tpu.dot_dimension_numbers<[1], [0], [0], [1], [0, 0, 1, 1], [], []>, transpose_lhs_hint = false} : vector<1x32xf32>, vector<32x32xf32>, vector<1x32xf32> -> vector<1x32xf32>
    %convert_element_type3A_260 = arith.sitofp %iota3A_230 : vector<1x32xi32> to vector<1x32xf32>
    %sub3A_261 = arith.constant 1.000000e+00 : f32
    %sub3A_262 = arith.subf %mul3A_229, %sub3A_261 : f32
    %eq3A_263 = vector.broadcast %sub3A_262 : f32 to vector<1x32xf32>
    %eq3A_264 = arith.cmpf oeq, %convert_element_type3A_260, %eq3A_263 : vector<1x32xf32>
    %convert_element_type3A_265 = arith.extui %eq3A_264 : vector<1x32xi1> to vector<1x32xi32>
    %convert_element_type3A_266 = arith.sitofp %convert_element_type3A_265 : vector<1x32xi32> to vector<1x32xf32>
    %mul3A_267 = arith.mulf %dot_general3A_259, %convert_element_type3A_266 : vector<1x32xf32>
    %reduce_sum3A_268 = vector.shape_cast %mul3A_267 : vector<1x32xf32> to vector<1x1x32xf32>
    %reduce_sum3A_269 = arith.constant dense<0.000000e+00> : vector<1xf32>
    %reduce_sum3A_270 = vector.multi_reduction <add>, %reduce_sum3A_268, %reduce_sum3A_269 [1, 2] : vector<1x1x32xf32> to vector<1xf32>
    %reduce_sum3A_271 = vector.shape_cast %reduce_sum3A_270 : vector<1xf32> to vector<1x1x1xf32>
    %reduce_sum3A_272 = vector.extract %reduce_sum3A_271[0, 0, 0] : f32 from vector<1x1x1xf32>
    %add3A_273 = arith.constant 1.000000e+00 : f32
    %add3A_274 = arith.addf %reduce_sum3A_272, %add3A_273 : f32
    %eq3A_275 = arith.constant 0 : i32
    %eq3A_276 = vector.broadcast %eq3A_275 : i32 to vector<1x32xi32>
    %eq3A_277 = arith.cmpi eq, %iota3A_230, %eq3A_276 : vector<1x32xi32>
    %convert_element_type3A_278 = arith.extui %eq3A_277 : vector<1x32xi1> to vector<1x32xi32>
    %convert_element_type3A_279 = arith.sitofp %convert_element_type3A_278 : vector<1x32xi32> to vector<1x32xf32>
    %max3A_280 = arith.maximumf %convert_element_type3A_249, %convert_element_type3A_279 : vector<1x32xf32>
    %dot_general3A_281 = arith.constant dense<0.000000e+00> : vector<32x1xf32>
    %dot_general3A_282 = tpu.matmul %convert_element_type3A_257, %dot_general3A_259, %dot_general3A_281 {dimension_numbers = #tpu.dot_dimension_numbers<[1], [1], [0], [0], [0, 0, 1, 0], [], []>, transpose_lhs_hint = false} : vector<32x32xf32>, vector<1x32xf32>, vector<32x1xf32> -> vector<32x1xf32>
    %dot_general3A_283 = arith.constant dense<0.000000e+00> : vector<32x1xf32>
    %dot_general3A_284 = tpu.matmul %convert_element_type3A_257, %max3A_280, %dot_general3A_283 {dimension_numbers = #tpu.dot_dimension_numbers<[1], [1], [0], [0], [0, 0, 1, 0], [], []>, transpose_lhs_hint = false} : vector<32x32xf32>, vector<1x32xf32>, vector<32x1xf32> -> vector<32x1xf32>
    %convert_element_type3A_285 = arith.sitofp %iota3A_230 : vector<1x32xi32> to vector<1x32xf32>
    %eq3A_286 = vector.broadcast %dot_general3A_282 : vector<32x1xf32> to vector<32x32xf32>
    %eq3A_287 = vector.broadcast %convert_element_type3A_285 : vector<1x32xf32> to vector<32x32xf32>
    %eq3A_288 = arith.cmpf oeq, %eq3A_286, %eq3A_287 : vector<32x32xf32>
    %convert_element_type3A_289 = arith.extui %eq3A_288 : vector<32x32xi1> to vector<32x32xi32>
    %convert_element_type3A_290 = arith.sitofp %convert_element_type3A_289 : vector<32x32xi32> to vector<32x32xf32>
    %mul3A_291 = vector.broadcast %dot_general3A_284 : vector<32x1xf32> to vector<32x32xf32>
    %mul3A_292 = arith.mulf %convert_element_type3A_290, %mul3A_291 : vector<32x32xf32>
    %mul3A_293 = arith.mulf %sub3A_244, %max3A_280 : vector<1x32xf32>
    %dot_general3A_294 = arith.constant dense<0.000000e+00> : vector<1x32xf32>
    %dot_general3A_295 = tpu.matmul %mul3A_293, %mul3A_292, %dot_general3A_294 {dimension_numbers = #tpu.dot_dimension_numbers<[1], [0], [0], [1], [0, 0, 1, 1], [], []>, transpose_lhs_hint = false} : vector<1x32xf32>, vector<32x32xf32>, vector<1x32xf32> -> vector<1x32xf32>
    %eq3A_296 = arith.constant 0 : i32
    %eq3A_297 = vector.broadcast %eq3A_296 : i32 to vector<1x32xi32>
    %eq3A_298 = arith.cmpi eq, %iota3A_230, %eq3A_297 : vector<1x32xi32>
    %eq3A_299 = arith.constant 1 : i32
    %eq3A_300 = vector.broadcast %eq3A_299 : i32 to vector<1x32xi32>
    %eq3A_301 = arith.cmpi eq, %iota3A_230, %eq3A_300 : vector<1x32xi32>
    %jit3A_302 = arith.constant 0.000000e+00 : f32
    %broadcast_in_dim3A_303 = vector.broadcast %add3A_274 : f32 to vector<1x32xf32>
    %broadcast_in_dim3A_304 = vector.broadcast %jit3A_302 : f32 to vector<1x32xf32>
    %select_n3A_305 = arith.select %eq3A_301, %broadcast_in_dim3A_303, %broadcast_in_dim3A_304 : vector<1x32xi1>, vector<1x32xf32>
    %broadcast_in_dim3A_306 = vector.broadcast %mul3A_229 : f32 to vector<1x32xf32>
    %select_n3A_307 = arith.select %eq3A_298, %broadcast_in_dim3A_306, %select_n3A_305 : vector<1x32xi1>, vector<1x32xf32>
    %concatenate3A_308 = tpu.concatenate %sub3A_244, %select_n3A_307, %dot_general3A_259, %dot_general3A_295 in 1 : vector<1x32xf32>, vector<1x32xf32>, vector<1x32xf32>, vector<1x32xf32> -> vector<1x128xf32>
    %convert_element_type3A_309 = arith.fptosi %concatenate3A_308 : vector<1x128xf32> to vector<1x128xi32>
    %swap3A_310 = arith.constant 0 : index
    %swap3A_311 = arith.constant 0 : index
    %swap3A_312 = vector.load %arg4[%swap3A_310, %swap3A_311] : memref<1x128xi32, #tpu.memory_space<vmem>>, vector<1x128xi32>
    tpu.vector_store %arg4[%swap3A_310, %swap3A_311], %convert_element_type3A_309 {strides = array<i32>} : memref<1x128xi32, #tpu.memory_space<vmem>>, vector<1x128xi32>,
    return
  }
}

module attributes {stable_mosaic.version = 14 : i64} {
  func.func @_expert_body(%arg0: i32, %arg1: memref<32xi32, #tpu.memory_space<smem>>, %arg2: memref<1xi32, #tpu.memory_space<smem>>, %arg3: memref<1xi32, #tpu.memory_space<smem>>, %arg4: memref<32xi32, #tpu.memory_space<smem>>, %arg5: memref<32xi32, #tpu.memory_space<smem>>, %arg6: memref<256x1024xf32, #tpu.memory_space<vmem>>, %arg7: memref<16x1024x1024xf32, #tpu.memory_space<any>>, %arg8: memref<1x1x1024xf32, #tpu.memory_space<vmem>>, %arg9: memref<256x1024xf32, #tpu.memory_space<vmem>>, %arg10: memref<3x1024x1024xf32, #tpu.memory_space<vmem>>, %arg11: memref<3x1024x1024xbf16, #tpu.memory_space<vmem>>, %arg12: memref<3x!tpu.dma_semaphore, #tpu.memory_space<semaphore_mem>>) attributes {dimension_semantics = [#tpu.dimension_semantics<arbitrary>], iteration_bounds = array<i64: 32>, scalar_prefetch = 5 : i64, scratch_operands = 3 : i64, tpu.core_type = #tpu.core_type<tc>, window_params = [{transform_indices = @transform_0, window_bounds = array<i64: 256, 1024>}, {}, {transform_indices = @transform_2, window_bounds = array<i64: 1, 1, 1024>}, {transform_indices = @transform_3, window_bounds = array<i64: 256, 1024>}]} {
    %get3A = arith.index_cast %arg0 : i32 to index
    %get3A_0 = memref.load %arg4[%get3A] : memref<32xi32, #tpu.memory_space<smem>>
    %rem3A = arith.constant 3 : i32
    %rem3A_1 = arith.remsi %get3A_0, %rem3A : i32
    %get3A_2 = arith.constant 0 : index
    %get3A_3 = memref.load %arg3[%get3A_2] : memref<1xi32, #tpu.memory_space<smem>>
    %sub3A = arith.constant 1 : i32
    %sub3A_4 = arith.subi %arg0, %sub3A : i32
    %max3A = arith.constant 0 : i32
    %max3A_5 = arith.maxsi %sub3A_4, %max3A : i32
    %eq3A = arith.constant 0 : i32
    %eq3A_6 = arith.cmpi eq, %arg0, %eq3A : i32
    %get3A_7 = arith.index_cast %arg0 : i32 to index
    %get3A_8 = memref.load %arg1[%get3A_7] : memref<32xi32, #tpu.memory_space<smem>>
    %get3A_9 = arith.index_cast %max3A_5 : i32 to index
    %get3A_10 = memref.load %arg1[%get3A_9] : memref<32xi32, #tpu.memory_space<smem>>
    %ne3A = arith.cmpi ne, %get3A_8, %get3A_10 : i32
    %or3A = arith.ori %eq3A_6, %ne3A : i1
    %get3A_11 = arith.constant 0 : index
    %get3A_12 = memref.load %arg2[%get3A_11] : memref<1xi32, #tpu.memory_space<smem>>
    %lt3A = arith.cmpi slt, %arg0, %get3A_12 : i32
    %convert_element_type3A = arith.extui %lt3A : i1 to i32
    %cond3A = arith.constant 0 : i32
    %cond3A_13 = arith.cmpi ne, %convert_element_type3A, %cond3A : i32
    scf.if %cond3A_13 {
      %eq3A_14 = arith.constant 0 : i32
      %eq3A_15 = arith.cmpi eq, %arg0, %eq3A_14 : i32
      %convert_element_type3A_16 = arith.extui %eq3A_15 : i1 to i32
      %cond3A_17 = arith.constant 0 : i32
      %cond3A_18 = arith.cmpi ne, %convert_element_type3A_16, %cond3A_17 : i32
      scf.if %cond3A_18 {
        %get3A_47 = arith.constant 0 : index
        %get3A_48 = memref.load %arg5[%get3A_47] : memref<32xi32, #tpu.memory_space<smem>>
        %dma_start3A = arith.constant 0 : i32
        %dma_start3A_49 = tpu.memref_slice %arg12[%dma_start3A] : memref<3x!tpu.dma_semaphore, #tpu.memory_space<semaphore_mem>> -> memref<1x!tpu.dma_semaphore, #tpu.memory_space<semaphore_mem>>
        %dma_start3A_50 = tpu.memref_squeeze %dma_start3A_49 : memref<1x!tpu.dma_semaphore, #tpu.memory_space<semaphore_mem>> -> memref<!tpu.dma_semaphore, #tpu.memory_space<semaphore_mem>>
        %dma_start3A_51 = arith.constant 0 : i32
        %dma_start3A_52 = arith.constant 0 : i32
        %dma_start3A_53 = arith.constant 0 : i32
        %dma_start3A_54 = tpu.memref_slice %arg10[%dma_start3A_51, %dma_start3A_52, %dma_start3A_53] : memref<3x1024x1024xf32, #tpu.memory_space<vmem>> -> memref<1x1024x1024xf32, #tpu.memory_space<vmem>>
        %dma_start3A_55 = arith.constant 0 : i32
        %dma_start3A_56 = arith.constant 0 : i32
        %dma_start3A_57 = tpu.memref_slice %arg7[%get3A_48, %dma_start3A_55, %dma_start3A_56] : memref<16x1024x1024xf32, #tpu.memory_space<any>> -> memref<1x1024x1024xf32, #tpu.memory_space<any>>
        tpu.enqueue_dma source(%dma_start3A_57 : memref<1x1024x1024xf32, #tpu.memory_space<any>>) target(%dma_start3A_54 : memref<1x1024x1024xf32, #tpu.memory_space<vmem>>) target_semaphore(%dma_start3A_50 : memref<!tpu.dma_semaphore, #tpu.memory_space<semaphore_mem>>)
        %gt3A_58 = arith.constant 1 : i32
        %gt3A_59 = arith.cmpi sgt, %get3A_3, %gt3A_58 : i32
        %convert_element_type3A_60 = arith.extui %gt3A_59 : i1 to i32
        %cond3A_61 = arith.constant 0 : i32
        %cond3A_62 = arith.cmpi ne, %convert_element_type3A_60, %cond3A_61 : i32
        scf.if %cond3A_62 {
          %get3A_68 = arith.constant 1 : index
          %get3A_69 = memref.load %arg5[%get3A_68] : memref<32xi32, #tpu.memory_space<smem>>
          %dma_start3A_70 = arith.constant 1 : i32
          %dma_start3A_71 = tpu.memref_slice %arg12[%dma_start3A_70] : memref<3x!tpu.dma_semaphore, #tpu.memory_space<semaphore_mem>> -> memref<1x!tpu.dma_semaphore, #tpu.memory_space<semaphore_mem>>
          %dma_start3A_72 = tpu.memref_squeeze %dma_start3A_71 : memref<1x!tpu.dma_semaphore, #tpu.memory_space<semaphore_mem>> -> memref<!tpu.dma_semaphore, #tpu.memory_space<semaphore_mem>>
          %dma_start3A_73 = arith.constant 1 : i32
          %dma_start3A_74 = arith.constant 0 : i32
          %dma_start3A_75 = arith.constant 0 : i32
          %dma_start3A_76 = tpu.memref_slice %arg10[%dma_start3A_73, %dma_start3A_74, %dma_start3A_75] : memref<3x1024x1024xf32, #tpu.memory_space<vmem>> -> memref<1x1024x1024xf32, #tpu.memory_space<vmem>>
          %dma_start3A_77 = arith.constant 0 : i32
          %dma_start3A_78 = arith.constant 0 : i32
          %dma_start3A_79 = tpu.memref_slice %arg7[%get3A_69, %dma_start3A_77, %dma_start3A_78] : memref<16x1024x1024xf32, #tpu.memory_space<any>> -> memref<1x1024x1024xf32, #tpu.memory_space<any>>
          tpu.enqueue_dma source(%dma_start3A_79 : memref<1x1024x1024xf32, #tpu.memory_space<any>>) target(%dma_start3A_76 : memref<1x1024x1024xf32, #tpu.memory_space<vmem>>) target_semaphore(%dma_start3A_72 : memref<!tpu.dma_semaphore, #tpu.memory_space<semaphore_mem>>)
        } else {
        }
        %gt3A_63 = arith.constant 2 : i32
        %gt3A_64 = arith.cmpi sgt, %get3A_3, %gt3A_63 : i32
        %convert_element_type3A_65 = arith.extui %gt3A_64 : i1 to i32
        %cond3A_66 = arith.constant 0 : i32
        %cond3A_67 = arith.cmpi ne, %convert_element_type3A_65, %cond3A_66 : i32
        scf.if %cond3A_67 {
          %get3A_68 = arith.constant 2 : index
          %get3A_69 = memref.load %arg5[%get3A_68] : memref<32xi32, #tpu.memory_space<smem>>
          %dma_start3A_70 = arith.constant 2 : i32
          %dma_start3A_71 = tpu.memref_slice %arg12[%dma_start3A_70] : memref<3x!tpu.dma_semaphore, #tpu.memory_space<semaphore_mem>> -> memref<1x!tpu.dma_semaphore, #tpu.memory_space<semaphore_mem>>
          %dma_start3A_72 = tpu.memref_squeeze %dma_start3A_71 : memref<1x!tpu.dma_semaphore, #tpu.memory_space<semaphore_mem>> -> memref<!tpu.dma_semaphore, #tpu.memory_space<semaphore_mem>>
          %dma_start3A_73 = arith.constant 2 : i32
          %dma_start3A_74 = arith.constant 0 : i32
          %dma_start3A_75 = arith.constant 0 : i32
          %dma_start3A_76 = tpu.memref_slice %arg10[%dma_start3A_73, %dma_start3A_74, %dma_start3A_75] : memref<3x1024x1024xf32, #tpu.memory_space<vmem>> -> memref<1x1024x1024xf32, #tpu.memory_space<vmem>>
          %dma_start3A_77 = arith.constant 0 : i32
          %dma_start3A_78 = arith.constant 0 : i32
          %dma_start3A_79 = tpu.memref_slice %arg7[%get3A_69, %dma_start3A_77, %dma_start3A_78] : memref<16x1024x1024xf32, #tpu.memory_space<any>> -> memref<1x1024x1024xf32, #tpu.memory_space<any>>
          tpu.enqueue_dma source(%dma_start3A_79 : memref<1x1024x1024xf32, #tpu.memory_space<any>>) target(%dma_start3A_76 : memref<1x1024x1024xf32, #tpu.memory_space<vmem>>) target_semaphore(%dma_start3A_72 : memref<!tpu.dma_semaphore, #tpu.memory_space<semaphore_mem>>)
        } else {
        }
      } else {
      }
      %gt3A = arith.constant 0 : i32
      %gt3A_19 = arith.cmpi sgt, %arg0, %gt3A : i32
      %and3A = arith.andi %or3A, %gt3A_19 : i1
      %convert_element_type3A_20 = arith.extui %and3A : i1 to i32
      %cond3A_21 = arith.constant 0 : i32
      %cond3A_22 = arith.cmpi ne, %convert_element_type3A_20, %cond3A_21 : i32
      scf.if %cond3A_22 {
        %add3A_47 = arith.constant 2 : i32
        %add3A_48 = arith.addi %get3A_0, %add3A_47 : i32
        %lt3A_49 = arith.cmpi slt, %add3A_48, %get3A_3 : i32
        %convert_element_type3A_50 = arith.extui %lt3A_49 : i1 to i32
        %cond3A_51 = arith.constant 0 : i32
        %cond3A_52 = arith.cmpi ne, %convert_element_type3A_50, %cond3A_51 : i32
        scf.if %cond3A_52 {
          %add3A_53 = arith.constant 2 : i32
          %add3A_54 = arith.addi %get3A_0, %add3A_53 : i32
          %add3A_55 = arith.constant 2 : i32
          %add3A_56 = arith.addi %get3A_0, %add3A_55 : i32
          %rem3A_57 = arith.constant 3 : i32
          %rem3A_58 = arith.remsi %add3A_56, %rem3A_57 : i32
          %get3A_59 = arith.index_cast %add3A_54 : i32 to index
          %get3A_60 = memref.load %arg5[%get3A_59] : memref<32xi32, #tpu.memory_space<smem>>
          %dma_start3A = tpu.memref_slice %arg12[%rem3A_58] : memref<3x!tpu.dma_semaphore, #tpu.memory_space<semaphore_mem>> -> memref<1x!tpu.dma_semaphore, #tpu.memory_space<semaphore_mem>>
          %dma_start3A_61 = tpu.memref_squeeze %dma_start3A : memref<1x!tpu.dma_semaphore, #tpu.memory_space<semaphore_mem>> -> memref<!tpu.dma_semaphore, #tpu.memory_space<semaphore_mem>>
          %dma_start3A_62 = arith.constant 0 : i32
          %dma_start3A_63 = arith.constant 0 : i32
          %dma_start3A_64 = tpu.memref_slice %arg10[%rem3A_58, %dma_start3A_62, %dma_start3A_63] : memref<3x1024x1024xf32, #tpu.memory_space<vmem>> -> memref<1x1024x1024xf32, #tpu.memory_space<vmem>>
          %dma_start3A_65 = arith.constant 0 : i32
          %dma_start3A_66 = arith.constant 0 : i32
          %dma_start3A_67 = tpu.memref_slice %arg7[%get3A_60, %dma_start3A_65, %dma_start3A_66] : memref<16x1024x1024xf32, #tpu.memory_space<any>> -> memref<1x1024x1024xf32, #tpu.memory_space<any>>
          tpu.enqueue_dma source(%dma_start3A_67 : memref<1x1024x1024xf32, #tpu.memory_space<any>>) target(%dma_start3A_64 : memref<1x1024x1024xf32, #tpu.memory_space<vmem>>) target_semaphore(%dma_start3A_61 : memref<!tpu.dma_semaphore, #tpu.memory_space<semaphore_mem>>)
        } else {
        }
      } else {
      }
      %convert_element_type3A_23 = arith.extui %or3A : i1 to i32
      %cond3A_24 = arith.constant 0 : i32
      %cond3A_25 = arith.cmpi ne, %convert_element_type3A_23, %cond3A_24 : i32
      scf.if %cond3A_25 {
        %get3A_47 = arith.index_cast %arg0 : i32 to index
        %get3A_48 = memref.load %arg1[%get3A_47] : memref<32xi32, #tpu.memory_space<smem>>
        %dma_wait3A = tpu.memref_slice %arg12[%rem3A_1] : memref<3x!tpu.dma_semaphore, #tpu.memory_space<semaphore_mem>> -> memref<1x!tpu.dma_semaphore, #tpu.memory_space<semaphore_mem>>
        %dma_wait3A_49 = tpu.memref_squeeze %dma_wait3A : memref<1x!tpu.dma_semaphore, #tpu.memory_space<semaphore_mem>> -> memref<!tpu.dma_semaphore, #tpu.memory_space<semaphore_mem>>
        %dma_wait3A_50 = arith.constant 0 : i32
        %dma_wait3A_51 = arith.constant 0 : i32
        %dma_wait3A_52 = tpu.memref_slice %arg10[%rem3A_1, %dma_wait3A_50, %dma_wait3A_51] : memref<3x1024x1024xf32, #tpu.memory_space<vmem>> -> memref<1x1024x1024xf32, #tpu.memory_space<vmem>>
        %dma_wait3A_53 = arith.constant 0 : i32
        %dma_wait3A_54 = arith.constant 0 : i32
        %dma_wait3A_55 = tpu.memref_slice %arg7[%get3A_48, %dma_wait3A_53, %dma_wait3A_54] : memref<16x1024x1024xf32, #tpu.memory_space<any>> -> memref<1x1024x1024xf32, #tpu.memory_space<any>>
        tpu.wait_dma2 semaphore(%dma_wait3A_49 : memref<!tpu.dma_semaphore, #tpu.memory_space<semaphore_mem>>) src(%dma_wait3A_55 : memref<1x1024x1024xf32, #tpu.memory_space<any>>) dst(%dma_wait3A_52 : memref<1x1024x1024xf32, #tpu.memory_space<vmem>>)
        %get3A_56 = arith.index_cast %rem3A_1 : i32 to index
        %get3A_57 = arith.constant 0 : index
        %get3A_58 = arith.constant 0 : index
        %get3A_59 = vector.load %arg10[%get3A_56, %get3A_57, %get3A_58] : memref<3x1024x1024xf32, #tpu.memory_space<vmem>>, vector<1x1024x1024xf32>
        %get3A_60 = vector.shape_cast %get3A_59 : vector<1x1024x1024xf32> to vector<1024x1024xf32>
        %convert_element_type3A_61 = arith.truncf %get3A_60 : vector<1024x1024xf32> to vector<1024x1024xbf16>
        %swap3A_62 = arith.index_cast %rem3A_1 : i32 to index
        %swap3A_63 = arith.constant 0 : index
        %swap3A_64 = arith.constant 0 : index
        %swap3A_65 = vector.load %arg11[%swap3A_62, %swap3A_63, %swap3A_64] : memref<3x1024x1024xbf16, #tpu.memory_space<vmem>>, vector<1x1024x1024xbf16>
        %swap3A_66 = vector.shape_cast %swap3A_65 : vector<1x1024x1024xbf16> to vector<1024x1024xbf16>
        %swap3A_67 = vector.shape_cast %convert_element_type3A_61 : vector<1024x1024xbf16> to vector<1x1024x1024xbf16>
        tpu.vector_store %arg11[%swap3A_62, %swap3A_63, %swap3A_64], %swap3A_67 {strides = array<i32>} : memref<3x1024x1024xbf16, #tpu.memory_space<vmem>>, vector<1x1024x1024xbf16>,
      } else {
      }
      %get3A_26 = arith.constant 0 : index
      %get3A_27 = arith.constant 0 : index
      %get3A_28 = vector.load %arg6[%get3A_26, %get3A_27] : memref<256x1024xf32, #tpu.memory_space<vmem>>, vector<256x1024xf32>
      %convert_element_type3A_29 = arith.truncf %get3A_28 : vector<256x1024xf32> to vector<256x1024xbf16>
      %get3A_30 = arith.index_cast %rem3A_1 : i32 to index
      %get3A_31 = arith.constant 0 : index
      %get3A_32 = arith.constant 0 : index
      %get3A_33 = vector.load %arg11[%get3A_30, %get3A_31, %get3A_32] : memref<3x1024x1024xbf16, #tpu.memory_space<vmem>>, vector<1x1024x1024xbf16>
      %get3A_34 = vector.shape_cast %get3A_33 : vector<1x1024x1024xbf16> to vector<1024x1024xbf16>
      %dot_general3A = arith.constant dense<0.000000e+00> : vector<256x1024xf32>
      %dot_general3A_35 = tpu.matmul %convert_element_type3A_29, %get3A_34, %dot_general3A {dimension_numbers = #tpu.dot_dimension_numbers<[1], [1], [0], [0], [0, 0, 1, 0], [], []>, transpose_lhs_hint = false} : vector<256x1024xbf16>, vector<1024x1024xbf16>, vector<256x1024xf32> -> vector<256x1024xf32>
      %get3A_36 = arith.constant 0 : index
      %get3A_37 = arith.constant 0 : index
      %get3A_38 = arith.constant 0 : index
      %get3A_39 = vector.load %arg8[%get3A_36, %get3A_37, %get3A_38] : memref<1x1x1024xf32, #tpu.memory_space<vmem>>, vector<1x1x1024xf32>
      %get3A_40 = vector.shape_cast %get3A_39 : vector<1x1x1024xf32> to vector<1x1024xf32>
      %add3A = vector.broadcast %get3A_40 : vector<1x1024xf32> to vector<256x1024xf32>
      %add3A_41 = arith.addf %dot_general3A_35, %add3A : vector<256x1024xf32>
      %max3A_42 = arith.constant 0.000000e+00 : f32
      %max3A_43 = vector.broadcast %max3A_42 : f32 to vector<256x1024xf32>
      %max3A_44 = arith.maximumf %add3A_41, %max3A_43 : vector<256x1024xf32>
      %swap3A = arith.constant 0 : index
      %swap3A_45 = arith.constant 0 : index
      %swap3A_46 = vector.load %arg9[%swap3A, %swap3A_45] : memref<256x1024xf32, #tpu.memory_space<vmem>>, vector<256x1024xf32>
      tpu.vector_store %arg9[%swap3A, %swap3A_45], %max3A_44 {strides = array<i32>} : memref<256x1024xf32, #tpu.memory_space<vmem>>, vector<256x1024xf32>,
    } else {
    }
    return
  }
  func.func @transform_0(%arg0: i32, %arg1: memref<32xi32, #tpu.memory_space<smem>>, %arg2: memref<1xi32, #tpu.memory_space<smem>>, %arg3: memref<1xi32, #tpu.memory_space<smem>>, %arg4: memref<32xi32, #tpu.memory_space<smem>>, %arg5: memref<32xi32, #tpu.memory_space<smem>>) -> (i32, i32) {
    %get3A = arith.constant 0 : index
    %get3A_0 = memref.load %arg2[%get3A] : memref<1xi32, #tpu.memory_space<smem>>
    %sub3A = arith.constant 1 : i32
    %sub3A_1 = arith.subi %get3A_0, %sub3A : i32
    %min3A = arith.minsi %arg0, %sub3A_1 : i32
    %c0_i32 = arith.constant 0 : i32
    %c0_i32_2 = arith.constant 0 : i32
    return %min3A, %c0_i32 : i32, i32
  }
  func.func @transform_2(%arg0: i32, %arg1: memref<32xi32, #tpu.memory_space<smem>>, %arg2: memref<1xi32, #tpu.memory_space<smem>>, %arg3: memref<1xi32, #tpu.memory_space<smem>>, %arg4: memref<32xi32, #tpu.memory_space<smem>>, %arg5: memref<32xi32, #tpu.memory_space<smem>>) -> (i32, i32, i32) {
    %get3A = arith.index_cast %arg0 : i32 to index
    %get3A_0 = memref.load %arg1[%get3A] : memref<32xi32, #tpu.memory_space<smem>>
    %c0_i32 = arith.constant 0 : i32
    %c0_i32_1 = arith.constant 0 : i32
    %c0_i32_2 = arith.constant 0 : i32
    return %get3A_0, %c0_i32, %c0_i32_1 : i32, i32, i32
  }
  func.func @transform_3(%arg0: i32, %arg1: memref<32xi32, #tpu.memory_space<smem>>, %arg2: memref<1xi32, #tpu.memory_space<smem>>, %arg3: memref<1xi32, #tpu.memory_space<smem>>, %arg4: memref<32xi32, #tpu.memory_space<smem>>, %arg5: memref<32xi32, #tpu.memory_space<smem>>) -> (i32, i32) {
    %get3A = arith.constant 0 : index
    %get3A_0 = memref.load %arg2[%get3A] : memref<1xi32, #tpu.memory_space<smem>>
    %sub3A = arith.constant 1 : i32
    %sub3A_1 = arith.subi %get3A_0, %sub3A : i32
    %min3A = arith.minsi %arg0, %sub3A_1 : i32
    %c0_i32 = arith.constant 0 : i32
    %c0_i32_2 = arith.constant 0 : i32
    return %min3A, %c0_i32 : i32, i32
  }
}

</mosaic_0001>

<sc_bundles>
// kernel: kernel.6.cloned.1.call-start
scs
__scs_entry_jumppad:
0x0: {  	(pc) =	sbr.rel $0x88, $3  }
0x1: {  	(tag) =	ssettag $0x0;
	lr =	simm.s32 $0x1  }
0x2: {  	[smem:$0x3F9D] =	sst lr;
	_ =	strace $0xD0000000  }
0x3: {  	_ = 	snop  }
0x4: {  	_ = 	snop  }
0x5: {  	_ = 	snop  }
0x6: {  	_ = 	snop  }
0x7: {  	_ = 	snop  }
__scs_overlays_trampoline_lowered:
0x8: {  	[smem:$0x3FAC] =	sst s0  }
0x9: {  	[smem:$0x3FAD] =	sst s1  }
0xa: {  	[smem:$0x3FAE] =	sst s2  }
0xb: {  	[smem:$0x3FAF] =	sst s3  }
0xc: {  	[smem:$0x3FB0] =	sst s4  }
0xd: {  	[smem:$0x3FB1] =	sst s5  }
0xe: {  	[smem:$0x3FB2] =	sst s6  }
0xf: {  	[smem:$0x3FB3] =	sst s7  }
0x10: {  	[smem:$0x3FB4] =	sst s8  }
0x11: {  	[smem:$0x3FB5] =	sst s9;
	s0 =	simm.s32 @!p0 $0x0  }
0x12: {  	s1 =	sld [smem:$0x3F9B];
	s0 =	simm.s32 @p0 $0x1  }
0x13: {  	[smem:$0x3FB6] =	sst s0;
	s0 =	simm.s32 @!p1 $0x0  }
0x14: {  	s2 =	sld [smem:$0x3F9A];
	s0 =	simm.s32 @p1 $0x1  }
0x15: {  	[smem:$0x3FB7] =	sst s0;
	s0 =	simm.s32 @!p2 $0x0  }
0x16: {  	s3 =	sld [smem:$0x3FDB];
	s0 =	simm.s32 @p2 $0x1  }
0x17: {  	s4 =	simm.s32 $0x1BF5;
	[smem:$0x3FB9] =	sst s0  }
0x18: {  	s0 =	sld [smem:$0x3F9C];
	_ =	swait.ge [sflag:s4], $0x0  }
0x19: {  	s7 =	sld [smem:$0x3F9D]  }
0x1a: {  	s8 =	sadd.s32 $0xFFFFE003, lr  }
0x1b: {  	s9 =	sadd.s32 $0xFFFFFEF7, lr;
	s5 =	simm.s32 $0xFFFFFFFF;
	p2 =	slt.u32 s8, $0xFFFFF086  }
0x1c: {  	p1 =	slt.u32 s9, $0xF7A;
	s5 =	simm.s32 @!p2 $0x0  }
0x1d: {  	s5 =	simm.s32 @p1 $0x1;
	p0 =	seq.s32 s7, s2  }
0x1e: {  	s7 =	smul.u32 @!p0 $0xF7A, s2;
	p2 =	seq.s32 @!p0 s5, $0x0  }
0x1f: {  	s9 =	smul.u32 $0xF7A, s1;
	s8 =	simm.s32 @!p0 $0x1BF5;
	p2 =	por !p2, p0  }
0x20: {  	[sflag:s8] =	ssyncset.s32 @!p0 $0xFFFFF086;
	s6 =	sadd.s32 @!p0 s3, s7;
	s7 =	simm.s32 @!p0 $0x108  }
0x21: {  	s3 =	sadd.s32 s3, s9;
	s6 =	sadd.s32 @!p0 $0x88, s6;
	s7 =	simm.s32 @p2 $0x1082  }
0x22: {  	[simem:s7], [sflag:s8] =	dma.local @!p0 [hbm:s6], $0xF7A  }
0x23: {  	s9 =	sor.u32 $0xD0000000, s2;
	s6 =	simm.s32 $0x108;
	_ =	swait.ge @!p0 [sflag:s8], $0x0  }
0x24: {  	s3 =	sadd.s32 $0x88, s3;
	s6 =	simm.s32 @!p1 $0x1082;
	[sflag:s4] =	ssyncset.s32 $0xFFFFF086  }
0x25: {  	[simem:s6], [sflag:s4] =	dma.local [hbm:s3], $0xF7A  }
0x26: {  	[smem:$0x3F9D] =	sst s1;
	(tag) =	ssettag s2;
	_ =	strace s9  }
0x27: {  	s1 =	sld [smem:$0x3FAD]  }
0x28: {  	s2 =	sld [smem:$0x3FAE]  }
0x29: {  	s4 =	sld [smem:$0x3FB0]  }
0x2a: {  	p0 =	seq.s32 s5, $0x0;
	s5 =	sld [smem:$0x3FB1]  }
0x2b: {  	s6 =	sld [smem:$0x3FB2]  }
0x2c: {  	s7 =	sld [smem:$0x3FB3]  }
0x2d: {  	s3 =	simm.s32 $0x108;
	s8 =	sld [smem:$0x3FB4]  }
0x2e: {  	s3 =	simm.s32 @!p0 $0x1082;
	s9 =	sld [smem:$0x3FB5]  }
0x2f: {  	lr =	sadd.s32 s0, s3;
	s0 =	sld [smem:$0x3FAC]  }
0x30: {  	s3 =	sld [smem:$0x3FAF]  }
0x31: {  	[smem:$0x3FB8] =	sst s10  }
0x32: {  	s10 =	sld [smem:$0x3FB6];
	_ =	sdelay $0x3  }
0x33: {  	p0 =	seq.s32 s10, $0x1;
	s10 =	sld [smem:$0x3FB8];
	_ =	sdelay $0x3  }
0x34: {  	[smem:$0x3FB8] =	sst s10  }
0x35: {  	s10 =	sld [smem:$0x3FB7];
	_ =	sdelay $0x3  }
0x36: {  	p1 =	seq.s32 s10, $0x1;
	s10 =	sld [smem:$0x3FB8];
	_ =	sdelay $0x3  }
0x37: {  	[smem:$0x3FB8] =	sst s10  }
0x38: {  	s10 =	sld [smem:$0x3FB9]  }
0x39: {  	_ = 	snop;
	(pc) =	sbr.ind lr, $3  }
0x3a: {  	_ = 	snop  }
0x3b: {  	_ = 	snop  }
0x3c: {  	p2 =	seq.s32 s10, $0x1;
	s10 =	sld [smem:$0x3FB8]  }
0x3d: {  	_ =	shalt  }
0x3e: {  	_ =	shalt  }
0x3f: {  	_ =	shalt  }
0x40: {  	_ =	shalt  }
0x41: {  	_ =	shalt  }
0x42: {  	_ =	shalt  }
0x43: {  	_ =	shalt  }
0x44: {  	_ =	shalt  }
0x45: {  	_ =	shalt  }
0x46: {  	_ =	shalt  }
0x47: {  	_ =	shalt  }
0x48: {  	_ =	shalt  }
0x49: {  	_ =	shalt  }
0x4a: {  	_ =	shalt  }
0x4b: {  	_ =	shalt  }
0x4c: {  	_ =	shalt  }
0x4d: {  	_ =	shalt  }
0x4e: {  	_ =	shalt  }
0x4f: {  	_ =	shalt  }
0x50: {  	_ =	shalt  }
0x51: {  	_ =	shalt  }
0x52: {  	_ =	shalt  }
0x53: {  	_ =	shalt  }
0x54: {  	_ =	shalt  }
0x55: {  	_ =	shalt  }
0x56: {  	_ =	shalt  }
0x57: {  	_ =	shalt  }
0x58: {  	_ =	shalt  }
0x59: {  	_ =	shalt  }
0x5a: {  	_ =	shalt  }
0x5b: {  	_ =	shalt  }
0x5c: {  	_ =	shalt  }
0x5d: {  	_ =	shalt  }
0x5e: {  	_ =	shalt  }
0x5f: {  	_ =	shalt  }
0x60: {  	_ =	shalt  }
0x61: {  	_ =	shalt  }
0x62: {  	_ =	shalt  }
0x63: {  	_ =	shalt  }
0x64: {  	_ =	shalt  }
0x65: {  	_ =	shalt  }
0x66: {  	_ =	shalt  }
0x67: {  	_ =	shalt  }
0x68: {  	_ =	shalt  }
0x69: {  	_ =	shalt  }
0x6a: {  	_ =	shalt  }
0x6b: {  	_ =	shalt  }
0x6c: {  	_ =	shalt  }
0x6d: {  	_ =	shalt  }
0x6e: {  	_ =	shalt  }
0x6f: {  	_ =	shalt  }
0x70: {  	_ =	shalt  }
0x71: {  	_ =	shalt  }
0x72: {  	_ =	shalt  }
0x73: {  	_ =	shalt  }
0x74: {  	_ =	shalt  }
0x75: {  	_ =	shalt  }
0x76: {  	_ =	shalt  }
0x77: {  	_ =	shalt  }
0x78: {  	_ =	shalt  }
0x79: {  	_ =	shalt  }
0x7a: {  	_ =	shalt  }
0x7b: {  	_ =	shalt  }
0x7c: {  	_ =	shalt  }
0x7d: {  	_ =	shalt  }
0x7e: {  	_ =	shalt  }
0x7f: {  	_ =	shalt  }
0x80: {  	_ =	shalt  }
0x81: {  	_ =	shalt  }
0x82: {  	_ =	shalt  }
0x83: {  	_ =	shalt  }
0x84: {  	_ =	shalt  }
0x85: {  	_ =	shalt  }
0x86: {  	_ =	shalt  }
0x87: {  	_ =	shalt  }
.Lfunc_end0:
.L_simem_size_0:
called_computation_lowered:
.L_overlay_start_0:
0x88: {  	s2 =	sld [smem:$0x3FD9]  }
0x89: {  	s3 =	sld [smem:$0x3FFE];
	_ =	sdelay $0x1  }
0x8a: {  	s1 =	srdreg.scid  }
0x8b: {  	s0 =	sand.u32 $0x1, s1  }
0x8c: {  	s17 =	sshll.u32 s0, $0xA;
	s2 =	sadd.s32 s3, s2  }
0x8d: {  	s2 =	sadd.s32 s2, s17  }
0x8e: {  	[smem:$0x3FC4] =	sst s2  }
0x8f: {  	_ = 	snop  }
0x90: {  	s2 =	sld [smem:$0x3FC9];
	(tm) =	ssettm $0x1  }
0x91: {  	s18 =	sld [smem:$0x3FFB];
	_ =	sdelay $0x3  }
0x92: {  	_ =	strace s18  }
0x93: {  	s3 =	sld [smem:$0x3FFC];
	_ =	sdelay $0x3  }
0x94: {  	_ =	strace s3  }
0x95: {  	s3 =	sld [smem:$0x3FFD];
	_ =	sdelay $0x3  }
0x96: {  	_ =	strace s3  }
0x97: {  	_ =	strace $0x8FFFFFFF  }
0x98: {  	s19 =	sld [smem:$0x3FDB];
	_ =	sdelay $0x1  }
0x99: {  	s4 =	simm.s32 $_scs_section_size  }
0x9a: {  	s5 =	simm.s32 $_size__tile_overlayer_lowered;
	s6 =	simm.s32 $_tile_overlayer_lowered  }
0x9b: {  	s22 =	simm.s32 $0x1BFF;
	s21 =	sshll.u32 s6, $0x1;
	s3 =	sadd.s32 s4, s19  }
0x9c: {  	s7 =	simm.s32 $0x0;
	s20 =	sshll.u32 s5, $0x1;
	s5 =	sadd.s32 s21, s3  }
0x9d: {  	[timem:s7], [sflag:s22] =	dma.local [hbm:s5], s20  }
0x9e: {  	_ =	swait.ge [sflag:s22], s20  }
0x9f: {  	s4 =	ssub.s32 $0x0, s20;
	[sflag:s22] =	ssyncset.done $0x0  }
0xa0: {  	[sflag:s22] =	ssyncadd.s32 s4;
	_ =	sdelay $0x1  }
0xa1: {  	s23 =	simm.s32 $0x1B8B  }
0xa2: {  	_ =	swait.ge [sflag:s23], $0x1  }
0xa3: {  	[sflag:s23] =	ssyncset.done $0x0  }
0xa4: {  	s25 =	simm.s32 $0x1B8E;
	s24 =	sld [smem:$0x3FFE];
	[sflag:s23] =	ssyncadd.s32 $0xFFFFFFFF  }
0xa5: {  	s26 =	simm.s32 $execute0_lowered;
	[smem:$0x3FD2] =	sst s25  }
0xa6: {  	s5 =	sshll.u32 s26, $0x1;
	_ =	strace $0x80000046;
	[dreg:$0x1] =	wrdreg $0xFFFFFFFF  }
0xa7: {  	s28 =	simm.s32 $_size_execute0_lowered;
	s3 =	sadd.s32 s3, s5;
	[dreg:$0x0] =	wrdreg $0x0  }
0xa8: {  	s5 =	sshll.u32 s28, $0x1;
	[dreg:$0x2] =	wrdreg s3  }
0xa9: {  	[dreg:$0x3] =	wrdreg s5  }
0xaa: {  	[dreg:$0x4] =	wrdreg $0xC0  }
0xab: {  	_ =	task [dreg:s7], $0x5FFFF  }
0xac: {  	[dreg:$0x1] =	wrdreg $0xFFFFFFFF  }
0xad: {  	[dreg:$0x0] =	wrdreg $0x60  }
0xae: {  	[dreg:$0x2] =	wrdreg s2  }
0xaf: {  	[dreg:$0x3] =	wrdreg s24  }
0xb0: {  	[dreg:$0x4] =	wrdreg $0x9  }
0xb1: {  	_ =	task.clear_ibuf [dreg:s7], $0x5FFFF;
	_ =	strace $0x90000046  }
0xb2: {  	s29 =	simm.s32 $0x9;
	_ =	strace $0x80000048  }
0xb3: {  	_ =	swait.ge [sflag:s29], $0x1  }
0xb4: {  	[sflag:s29] =	ssyncadd.s32 $0xFFFFFFFF  }
0xb5: {  	_ =	strace $0x90000048  }
0xb6: {  	_ =	sfence  }
0xb7: {  	s30 =	sld [smem:$0x0];
	_ =	sdelay $0x2  }
0xb8: {  	s31 =	sshll.u32 s1, $0xD;
	s1 =	sshrl.u32 s1, $0x2  }
0xb9: {  	s3 =	sand.u32 $0x4000, s31;
	s1 =	sadd.s32 s1, s30  }
0xba: {  	s0 =	sor.u32 s3, s0;
	s1 =	sshll.u32 s1, $0x11  }
0xbb: {  	s0 =	sor.u32 s1, s0  }
0xbc: {  	s0 =	sadd.s32 $0x8F2B, s0  }
0xbd: {  	[sflag:s0] =	ssyncadd.remote.s32 $0x1  }
0xbe: {  	_ =	sfence.sel $0xFFFF  }
0xbf: {  	[dreg:$0x0] =	wrdreg $0xFFFFFFFF;
	(pc) =	sbr.abs _section_cstart, $3  }
0xc0: {  	[dreg:$0x1] =	wrdreg $0xFFFFFFFF  }
0xc1: {  	_ =	task.clear_ibuf [dreg:s7], $0x2FFFF;
	_ =	strace $0x9FFFFFFF  }
0xc2: {  	(tm) =	ssettm $0x7FFFFFFF  }
0xc3: {  	_ =	shalt  }
tec
execute0_lowered:
.L_overlay_start_1:
0x0: {  	(tag) =	ssettag $0x1  }
0x1: {  	s0 =	srdreg.scid  }
0x2: {  	s1 =	rddreg [dreg:$0x0];
	s2 =	stileid.u32  }
0x3: {  	s6 =	rddreg [dreg:$0x1];
	s26 =	simm.s32 $0x80;
	s18 =	simm.s32 $0x100  }
0x4: {  	s21 =	simm.s32 $0x1900;
	s22 =	simm.s32 $0x2100;
	s23 =	simm.s32 $0x2900  }
0x5: {  	s24 =	simm.s32 $0x3100;
	s28 =	simm.s32 $0x4900;
	s29 =	simm.s32 $0x5100  }
0x6: {  	s30 =	simm.s32 $0x5900;
	s31 =	simm.s32 $0x6100;
	s10 =	simm.s32 $0x7900  }
0x7: {  	s11 =	simm.s32 $0x8100;
	s12 =	simm.s32 $0x8900;
	s13 =	simm.s32 $0x9100  }
0x8: {  	s14 =	simm.s32 $0x9900;
	s15 =	simm.s32 $0xA100;
	s16 =	simm.s32 $0xA900  }
0x9: {  	s17 =	simm.s32 $0xB100;
	s9 =	simm.s32 $0xB900;
	s0 =	sand.u32 $0x1, s0  }
0xa: {  	s3 =	sshll.u32 s2, $0x7;
	s2 =	simm.s32 $0x0;
	s8 =	sadd.s32 $0x1800, s6  }
0xb: {  	s4 =	sshll.u32 s0, $0x6;
	[smem:$0x7FF] =	sst s2;
	s0 =	ssub.s32 $0x2, s0  }
0xc: {  	s5 =	sor.u32 s4, s3;
	_ =	strace $0x80000047;
	s25 =	sshrl.u32 s0, $0x1  }
0xd: {  	[dreg:$0x6] =	wrdreg s26;
	s26 =	simm.s32 $0x4100;
	s3 =	sshll.u32 s5, $0x1  }
0xe: {  	s5 =	sshll.u32 s5, $0x7;
	s0 =	ssub.s32 s0, s25;
	s7 =	sand.u32 $0xF00, s3  }
0xf: {  	s25 =	simm.s32 $0x3900;
	s1 =	sadd.s32 s1, s5;
	s7 =	sor.u32 s4, s7  }
0x10: {  	s5 =	sadd.s32 $0x11C00, s6;
	s4 =	sor.u32 s4, s3;
	s7 =	sshrl.u32 s7, $0x3  }
0x11: {  	[dreg:$0x5] =	wrdreg s1;
	s4 =	sshrl.u32 s4, $0x3;
	s7 =	sadd.s32 s8, s7  }
0x12: {  	v2 =	vlaneseq.u32;
	s3 =	sadd.s32 $0x11A00, s6;
	s4 =	sor.u32 $0x10, s4;
	[dreg:$0x3] =	wrdreg s7  }
0x13: {  	vm0 =	vmmov $0xffff;
	v1 =	vshrl.u32 v2, $0x3;
	s4 =	sadd.s32 s8, s4;
	s7 =	smax.u32 s0, $0x1;
	s8 =	simm.s32 $0x2  }
0x14: {  	v0 =	vand.u32 $0x7, v2;
	v2 =	vor.u32 $0x8, v2;
	v1 =	vmul.u32 $0x8, v1;
	[dreg:$0x4] =	wrdreg s4;
	s4 =	sadd.s32 $0x11B00, s6;
	s6 =	sadd.s32 $0x11D00, s6  }
.LBB2_1:
0x15: {  	s19 =	rddreg [dreg:$0x3]  }
0x16: {  	[tilespmem:s2], [sflag:$0x2] =	stream.linear.gather [hbm4b:s19+s2], $0x40, $0x38;
	[tilespmem:$0x10100] =	vst v63  }
0x17: {  	_ =	swait.ge [sflag:s8], $0x40  }
0x18: {  	s0 =	rddreg [dreg:$0x4];
	[sflag:s8] =	ssyncset.done $0x0  }
0x19: {  	s20 =	rddreg [dreg:$0x6];
	[sflag:s8] =	ssyncadd.s32 $0xFFFFFFC0  }
0x1a: {  	[tilespmem:s20], [sflag:$0x2] =	stream.linear.gather [hbm4b:s0+s2], $0x40, $0x38;
	[tilespmem:$0x10100] =	vst v63  }
0x1b: {  	_ =	swait.ge [sflag:s8], $0x40  }
0x1c: {  	[sflag:s8] =	ssyncset.done $0x0  }
0x1d: {  	s1 =	rddreg [dreg:$0x5];
	[sflag:s8] =	ssyncadd.s32 $0xFFFFFFC0  }
0x1e: {  	[tilespmem:s18], [sflag:$0x2] =	stream.linear.gather [hbm4b:s1+s2], $0x10000, $0x38;
	[tilespmem:$0x10100] =	vst v63  }
0x1f: {  	_ =	swait.ge [sflag:s8], $0x10000  }
0x20: {  	[sflag:s8] =	ssyncset.done $0x0  }
0x21: {  	[sflag:s8] =	ssyncadd.s32 $0xFFFF0000  }
0x22: {  	v3 =	vld [tilespmem:$0x0];
	_ =	sdelay $0x4  }
0x23: {  	v4 =	vshll.u32 v3, $0x3  }
0x24: {  	v3 =	vand.u32 $0x7, v3;
	v4 =	vand.u32 $0xFFFFFFC0, v4  }
0x25: {  	v3 =	vor.u32 v3, v4  }
0x26: {  	v4 =	vperm.xlane v3, v0;
	_ =	sdelay $0x1  }
0x27: {  	v4 =	vadd.s32 v1, v4;
	_ =	sdelay $0x4  }
0x28: {  	[hbm4b:s3+s2] =	stream.indirect_vreg.scatter [tilespmem:s18], [sflag:$0x1], $0x80, v4, vm0, $0xb8;
	[tilespmem:$0x10100] =	vst v63  }
0x29: {  	s19 =	simm.s32 $0x900;
	v3 =	vperm.xlane v3, v2  }
0x2a: {  	[hbm4b:s4+s2] =	stream.indirect_vreg.scatter [tilespmem:s19], [sflag:$0x1], $0x80, v4, vm0, $0xb8;
	[tilespmem:$0x10100] =	vst v63  }
0x2b: {  	s20 =	simm.s32 $0x1100;
	v3 =	vadd.s32 v1, v3  }
0x2c: {  	[hbm4b:s5+s2] =	stream.indirect_vreg.scatter [tilespmem:s20], [sflag:$0x1], $0x80, v4, vm0, $0xb8;
	[tilespmem:$0x10100] =	vst v63  }
0x2d: {  	_ = 	snop  }
0x2e: {  	[hbm4b:s6+s2] =	stream.indirect_vreg.scatter [tilespmem:s21], [sflag:$0x1], $0x80, v4, vm0, $0xb8;
	[tilespmem:$0x10100] =	vst v63  }
0x2f: {  	_ = 	snop  }
0x30: {  	[hbm4b:s3+s2] =	stream.indirect_vreg.scatter [tilespmem:s22], [sflag:$0x1], $0x80, v3, vm0, $0xb8;
	[tilespmem:$0x10100] =	vst v63  }
0x31: {  	_ = 	snop  }
0x32: {  	[hbm4b:s4+s2] =	stream.indirect_vreg.scatter [tilespmem:s23], [sflag:$0x1], $0x80, v3, vm0, $0xb8;
	[tilespmem:$0x10100] =	vst v63  }
0x33: {  	_ = 	snop  }
0x34: {  	[hbm4b:s5+s2] =	stream.indirect_vreg.scatter [tilespmem:s24], [sflag:$0x1], $0x80, v3, vm0, $0xb8;
	[tilespmem:$0x10100] =	vst v63  }
0x35: {  	_ = 	snop  }
0x36: {  	[hbm4b:s6+s2] =	stream.indirect_vreg.scatter [tilespmem:s25], [sflag:$0x1], $0x80, v3, vm0, $0xb8;
	[tilespmem:$0x10100] =	vst v63  }
0x37: {  	v3 =	vld [tilespmem:$0x10];
	_ =	sdelay $0x4  }
0x38: {  	v57 =	vshll.u32 v3, $0x3  }
0x39: {  	v3 =	vand.u32 $0x7, v3;
	v4 =	vand.u32 $0xFFFFFFC0, v57  }
0x3a: {  	v3 =	vor.u32 v3, v4  }
0x3b: {  	v4 =	vperm.xlane v3, v0;
	_ =	sdelay $0x1  }
0x3c: {  	v4 =	vadd.s32 v1, v4;
	_ =	sdelay $0x4  }
0x3d: {  	[hbm4b:s3+s2] =	stream.indirect_vreg.scatter [tilespmem:s26], [sflag:$0x1], $0x80, v4, vm0, $0xb8;
	[tilespmem:$0x10100] =	vst v63  }
0x3e: {  	v3 =	vperm.xlane v3, v2  }
0x3f: {  	[hbm4b:s4+s2] =	stream.indirect_vreg.scatter [tilespmem:s28], [sflag:$0x1], $0x80, v4, vm0, $0xb8;
	[tilespmem:$0x10100] =	vst v63  }
0x40: {  	v3 =	vadd.s32 v1, v3  }
0x41: {  	[hbm4b:s5+s2] =	stream.indirect_vreg.scatter [tilespmem:s29], [sflag:$0x1], $0x80, v4, vm0, $0xb8;
	[tilespmem:$0x10100] =	vst v63  }
0x42: {  	_ = 	snop  }
0x43: {  	[hbm4b:s6+s2] =	stream.indirect_vreg.scatter [tilespmem:s30], [sflag:$0x1], $0x80, v4, vm0, $0xb8;
	[tilespmem:$0x10100] =	vst v63  }
0x44: {  	_ = 	snop  }
0x45: {  	[hbm4b:s3+s2] =	stream.indirect_vreg.scatter [tilespmem:s31], [sflag:$0x1], $0x80, v3, vm0, $0xb8;
	[tilespmem:$0x10100] =	vst v63  }
0x46: {  	s1 =	simm.s32 $0x6900  }
0x47: {  	[hbm4b:s4+s2] =	stream.indirect_vreg.scatter [tilespmem:s1], [sflag:$0x1], $0x80, v3, vm0, $0xb8;
	[tilespmem:$0x10100] =	vst v63  }
0x48: {  	s0 =	simm.s32 $0x7100  }
0x49: {  	[hbm4b:s5+s2] =	stream.indirect_vreg.scatter [tilespmem:s0], [sflag:$0x1], $0x80, v3, vm0, $0xb8;
	[tilespmem:$0x10100] =	vst v63  }
0x4a: {  	_ = 	snop  }
0x4b: {  	[hbm4b:s6+s2] =	stream.indirect_vreg.scatter [tilespmem:s10], [sflag:$0x1], $0x80, v3, vm0, $0xb8;
	[tilespmem:$0x10100] =	vst v63  }
0x4c: {  	v3 =	vld [tilespmem:$0x20];
	_ =	sdelay $0x4  }
0x4d: {  	v58 =	vshll.u32 v3, $0x3  }
0x4e: {  	v3 =	vand.u32 $0x7, v3;
	v4 =	vand.u32 $0xFFFFFFC0, v58  }
0x4f: {  	v3 =	vor.u32 v3, v4  }
0x50: {  	v4 =	vperm.xlane v3, v0;
	_ =	sdelay $0x1  }
0x51: {  	v4 =	vadd.s32 v1, v4;
	_ =	sdelay $0x4  }
0x52: {  	[hbm4b:s3+s2] =	stream.indirect_vreg.scatter [tilespmem:s11], [sflag:$0x1], $0x80, v4, vm0, $0xb8;
	[tilespmem:$0x10100] =	vst v63  }
0x53: {  	v3 =	vperm.xlane v3, v2  }
0x54: {  	[hbm4b:s4+s2] =	stream.indirect_vreg.scatter [tilespmem:s12], [sflag:$0x1], $0x80, v4, vm0, $0xb8;
	[tilespmem:$0x10100] =	vst v63  }
0x55: {  	v3 =	vadd.s32 v1, v3  }
0x56: {  	[hbm4b:s5+s2] =	stream.indirect_vreg.scatter [tilespmem:s13], [sflag:$0x1], $0x80, v4, vm0, $0xb8;
	[tilespmem:$0x10100] =	vst v63  }
0x57: {  	_ = 	snop  }
0x58: {  	[hbm4b:s6+s2] =	stream.indirect_vreg.scatter [tilespmem:s14], [sflag:$0x1], $0x80, v4, vm0, $0xb8;
	[tilespmem:$0x10100] =	vst v63  }
0x59: {  	_ = 	snop  }
0x5a: {  	[hbm4b:s3+s2] =	stream.indirect_vreg.scatter [tilespmem:s15], [sflag:$0x1], $0x80, v3, vm0, $0xb8;
	[tilespmem:$0x10100] =	vst v63  }
0x5b: {  	_ = 	snop  }
0x5c: {  	[hbm4b:s4+s2] =	stream.indirect_vreg.scatter [tilespmem:s16], [sflag:$0x1], $0x80, v3, vm0, $0xb8;
	[tilespmem:$0x10100] =	vst v63  }
0x5d: {  	_ = 	snop  }
0x5e: {  	[hbm4b:s5+s2] =	stream.indirect_vreg.scatter [tilespmem:s17], [sflag:$0x1], $0x80, v3, vm0, $0xb8;
	[tilespmem:$0x10100] =	vst v63  }
0x5f: {  	_ = 	snop  }
0x60: {  	[hbm4b:s6+s2] =	stream.indirect_vreg.scatter [tilespmem:s9], [sflag:$0x1], $0x80, v3, vm0, $0xb8;
	[tilespmem:$0x10100] =	vst v63  }
0x61: {  	v3 =	vld [tilespmem:$0x30];
	_ =	sdelay $0x4  }
0x62: {  	v59 =	vshll.u32 v3, $0x3  }
0x63: {  	v3 =	vand.u32 $0x7, v3;
	v4 =	vand.u32 $0xFFFFFFC0, v59  }
0x64: {  	v3 =	vor.u32 v3, v4  }
0x65: {  	v4 =	vperm.xlane v3, v0;
	_ =	sdelay $0x1  }
0x66: {  	v4 =	vadd.s32 v1, v4;
	_ =	sdelay $0x3  }
0x67: {  	s0 =	simm.s32 $0xC100  }
0x68: {  	[hbm4b:s3+s2] =	stream.indirect_vreg.scatter [tilespmem:s0], [sflag:$0x1], $0x80, v4, vm0, $0xb8;
	[tilespmem:$0x10100] =	vst v63  }
0x69: {  	v3 =	vperm.xlane v3, v2;
	s0 =	simm.s32 $0xC900  }
0x6a: {  	[hbm4b:s4+s2] =	stream.indirect_vreg.scatter [tilespmem:s0], [sflag:$0x1], $0x80, v4, vm0, $0xb8;
	[tilespmem:$0x10100] =	vst v63  }
0x6b: {  	v3 =	vadd.s32 v1, v3;
	s0 =	simm.s32 $0xD100  }
0x6c: {  	[hbm4b:s5+s2] =	stream.indirect_vreg.scatter [tilespmem:s0], [sflag:$0x1], $0x80, v4, vm0, $0xb8;
	[tilespmem:$0x10100] =	vst v63  }
0x6d: {  	s0 =	simm.s32 $0xD900  }
0x6e: {  	[hbm4b:s6+s2] =	stream.indirect_vreg.scatter [tilespmem:s0], [sflag:$0x1], $0x80, v4, vm0, $0xb8;
	[tilespmem:$0x10100] =	vst v63  }
0x6f: {  	s0 =	simm.s32 $0xE100  }
0x70: {  	[hbm4b:s3+s2] =	stream.indirect_vreg.scatter [tilespmem:s0], [sflag:$0x1], $0x80, v3, vm0, $0xb8;
	[tilespmem:$0x10100] =	vst v63  }
0x71: {  	s0 =	simm.s32 $0xE900  }
0x72: {  	[hbm4b:s4+s2] =	stream.indirect_vreg.scatter [tilespmem:s0], [sflag:$0x1], $0x80, v3, vm0, $0xb8;
	[tilespmem:$0x10100] =	vst v63  }
0x73: {  	s0 =	simm.s32 $0xF100  }
0x74: {  	[hbm4b:s5+s2] =	stream.indirect_vreg.scatter [tilespmem:s0], [sflag:$0x1], $0x80, v3, vm0, $0xb8;
	[tilespmem:$0x10100] =	vst v63  }
0x75: {  	s0 =	simm.s32 $0xF900  }
0x76: {  	[hbm4b:s6+s2] =	stream.indirect_vreg.scatter [tilespmem:s0], [sflag:$0x1], $0x80, v3, vm0, $0xb8;
	[tilespmem:$0x10100] =	vst v63  }
0x77: {  	v3 =	vld [tilespmem:$0x80];
	_ =	sdelay $0x4  }
0x78: {  	v60 =	vshll.u32 v3, $0x3  }
0x79: {  	v3 =	vand.u32 $0x7, v3;
	v4 =	vand.u32 $0xFFFFFFC0, v60  }
0x7a: {  	v3 =	vor.u32 v3, v4  }
0x7b: {  	v4 =	vperm.xlane v3, v0;
	_ =	sdelay $0x1  }
0x7c: {  	v4 =	vadd.s32 v1, v4;
	_ =	sdelay $0x4  }
0x7d: {  	[hbm4b:s3+s2] =	stream.indirect_vreg.scatter [tilespmem:s18], [sflag:$0x1], $0x80, v4, vm0, $0xb8;
	[tilespmem:$0x10100] =	vst v63  }
0x7e: {  	v3 =	vperm.xlane v3, v2  }
0x7f: {  	[hbm4b:s4+s2] =	stream.indirect_vreg.scatter [tilespmem:s19], [sflag:$0x1], $0x80, v4, vm0, $0xb8;
	[tilespmem:$0x10100] =	vst v63  }
0x80: {  	v3 =	vadd.s32 v1, v3  }
0x81: {  	[hbm4b:s5+s2] =	stream.indirect_vreg.scatter [tilespmem:s20], [sflag:$0x1], $0x80, v4, vm0, $0xb8;
	[tilespmem:$0x10100] =	vst v63  }
0x82: {  	_ = 	snop  }
0x83: {  	[hbm4b:s6+s2] =	stream.indirect_vreg.scatter [tilespmem:s21], [sflag:$0x1], $0x80, v4, vm0, $0xb8;
	[tilespmem:$0x10100] =	vst v63  }
0x84: {  	_ = 	snop  }
0x85: {  	[hbm4b:s3+s2] =	stream.indirect_vreg.scatter [tilespmem:s22], [sflag:$0x1], $0x80, v3, vm0, $0xb8;
	[tilespmem:$0x10100] =	vst v63  }
0x86: {  	_ = 	snop  }
0x87: {  	[hbm4b:s4+s2] =	stream.indirect_vreg.scatter [tilespmem:s23], [sflag:$0x1], $0x80, v3, vm0, $0xb8;
	[tilespmem:$0x10100] =	vst v63  }
0x88: {  	_ = 	snop  }
0x89: {  	[hbm4b:s5+s2] =	stream.indirect_vreg.scatter [tilespmem:s24], [sflag:$0x1], $0x80, v3, vm0, $0xb8;
	[tilespmem:$0x10100] =	vst v63  }
0x8a: {  	_ = 	snop  }
0x8b: {  	[hbm4b:s6+s2] =	stream.indirect_vreg.scatter [tilespmem:s25], [sflag:$0x1], $0x80, v3, vm0, $0xb8;
	[tilespmem:$0x10100] =	vst v63  }
0x8c: {  	v3 =	vld [tilespmem:$0x90];
	_ =	sdelay $0x4  }
0x8d: {  	v61 =	vshll.u32 v3, $0x3  }
0x8e: {  	v3 =	vand.u32 $0x7, v3;
	v4 =	vand.u32 $0xFFFFFFC0, v61  }
0x8f: {  	v3 =	vor.u32 v3, v4  }
0x90: {  	v4 =	vperm.xlane v3, v0;
	_ =	sdelay $0x1  }
0x91: {  	v4 =	vadd.s32 v1, v4;
	_ =	sdelay $0x4  }
0x92: {  	[hbm4b:s3+s2] =	stream.indirect_vreg.scatter [tilespmem:s26], [sflag:$0x1], $0x80, v4, vm0, $0xb8;
	[tilespmem:$0x10100] =	vst v63  }
0x93: {  	v3 =	vperm.xlane v3, v2  }
0x94: {  	[hbm4b:s4+s2] =	stream.indirect_vreg.scatter [tilespmem:s28], [sflag:$0x1], $0x80, v4, vm0, $0xb8;
	[tilespmem:$0x10100] =	vst v63  }
0x95: {  	v3 =	vadd.s32 v1, v3  }
0x96: {  	[hbm4b:s5+s2] =	stream.indirect_vreg.scatter [tilespmem:s29], [sflag:$0x1], $0x80, v4, vm0, $0xb8;
	[tilespmem:$0x10100] =	vst v63  }
0x97: {  	_ = 	snop  }
0x98: {  	[hbm4b:s6+s2] =	stream.indirect_vreg.scatter [tilespmem:s30], [sflag:$0x1], $0x80, v4, vm0, $0xb8;
	[tilespmem:$0x10100] =	vst v63  }
0x99: {  	_ = 	snop  }
0x9a: {  	[hbm4b:s3+s2] =	stream.indirect_vreg.scatter [tilespmem:s31], [sflag:$0x1], $0x80, v3, vm0, $0xb8;
	[tilespmem:$0x10100] =	vst v63  }
0x9b: {  	_ = 	snop  }
0x9c: {  	[hbm4b:s4+s2] =	stream.indirect_vreg.scatter [tilespmem:s1], [sflag:$0x1], $0x80, v3, vm0, $0xb8;
	[tilespmem:$0x10100] =	vst v63  }
0x9d: {  	s20 =	simm.s32 $0x7100  }
0x9e: {  	[hbm4b:s5+s2] =	stream.indirect_vreg.scatter [tilespmem:s20], [sflag:$0x1], $0x80, v3, vm0, $0xb8;
	[tilespmem:$0x10100] =	vst v63  }
0x9f: {  	_ = 	snop  }
0xa0: {  	[hbm4b:s6+s2] =	stream.indirect_vreg.scatter [tilespmem:s10], [sflag:$0x1], $0x80, v3, vm0, $0xb8;
	[tilespmem:$0x10100] =	vst v63  }
0xa1: {  	v3 =	vld [tilespmem:$0xA0];
	_ =	sdelay $0x4  }
0xa2: {  	v62 =	vshll.u32 v3, $0x3  }
0xa3: {  	v3 =	vand.u32 $0x7, v3;
	v4 =	vand.u32 $0xFFFFFFC0, v62  }
0xa4: {  	v3 =	vor.u32 v3, v4  }
0xa5: {  	v4 =	vperm.xlane v3, v0;
	_ =	sdelay $0x1  }
0xa6: {  	v4 =	vadd.s32 v1, v4;
	_ =	sdelay $0x4  }
0xa7: {  	[hbm4b:s3+s2] =	stream.indirect_vreg.scatter [tilespmem:s11], [sflag:$0x1], $0x80, v4, vm0, $0xb8;
	[tilespmem:$0x10100] =	vst v63  }
0xa8: {  	v3 =	vperm.xlane v3, v2  }
0xa9: {  	[hbm4b:s4+s2] =	stream.indirect_vreg.scatter [tilespmem:s12], [sflag:$0x1], $0x80, v4, vm0, $0xb8;
	[tilespmem:$0x10100] =	vst v63  }
0xaa: {  	v3 =	vadd.s32 v1, v3  }
0xab: {  	[hbm4b:s5+s2] =	stream.indirect_vreg.scatter [tilespmem:s13], [sflag:$0x1], $0x80, v4, vm0, $0xb8;
	[tilespmem:$0x10100] =	vst v63  }
0xac: {  	_ = 	snop  }
0xad: {  	[hbm4b:s6+s2] =	stream.indirect_vreg.scatter [tilespmem:s14], [sflag:$0x1], $0x80, v4, vm0, $0xb8;
	[tilespmem:$0x10100] =	vst v63  }
0xae: {  	_ = 	snop  }
0xaf: {  	[hbm4b:s3+s2] =	stream.indirect_vreg.scatter [tilespmem:s15], [sflag:$0x1], $0x80, v3, vm0, $0xb8;
	[tilespmem:$0x10100] =	vst v63  }
0xb0: {  	_ = 	snop  }
0xb1: {  	[hbm4b:s4+s2] =	stream.indirect_vreg.scatter [tilespmem:s16], [sflag:$0x1], $0x80, v3, vm0, $0xb8;
	[tilespmem:$0x10100] =	vst v63  }
0xb2: {  	_ = 	snop  }
0xb3: {  	[hbm4b:s5+s2] =	stream.indirect_vreg.scatter [tilespmem:s17], [sflag:$0x1], $0x80, v3, vm0, $0xb8;
	[tilespmem:$0x10100] =	vst v63  }
0xb4: {  	_ = 	snop  }
0xb5: {  	[hbm4b:s6+s2] =	stream.indirect_vreg.scatter [tilespmem:s9], [sflag:$0x1], $0x80, v3, vm0, $0xb8;
	[tilespmem:$0x10100] =	vst v63  }
0xb6: {  	v3 =	vld [tilespmem:$0xB0];
	_ =	sdelay $0x4  }
0xb7: {  	v63 =	vshll.u32 v3, $0x3  }
0xb8: {  	v3 =	vand.u32 $0x7, v3;
	v4 =	vand.u32 $0xFFFFFFC0, v63  }
0xb9: {  	v3 =	vor.u32 v3, v4  }
0xba: {  	v4 =	vperm.xlane v3, v0;
	_ =	sdelay $0x1  }
0xbb: {  	v4 =	vadd.s32 v1, v4;
	_ =	sdelay $0x3  }
0xbc: {  	s19 =	simm.s32 $0xC100  }
0xbd: {  	[hbm4b:s3+s2] =	stream.indirect_vreg.scatter [tilespmem:s19], [sflag:$0x1], $0x80, v4, vm0, $0xb8;
	[tilespmem:$0x10100] =	vst v63  }
0xbe: {  	s20 =	simm.s32 $0xC900;
	v3 =	vperm.xlane v3, v2  }
0xbf: {  	[hbm4b:s4+s2] =	stream.indirect_vreg.scatter [tilespmem:s20], [sflag:$0x1], $0x80, v4, vm0, $0xb8;
	[tilespmem:$0x10100] =	vst v63  }
0xc0: {  	v3 =	vadd.s32 v1, v3;
	s19 =	simm.s32 $0xD100  }
0xc1: {  	[hbm4b:s5+s2] =	stream.indirect_vreg.scatter [tilespmem:s19], [sflag:$0x1], $0x80, v4, vm0, $0xb8;
	[tilespmem:$0x10100] =	vst v63  }
0xc2: {  	s20 =	simm.s32 $0xD900  }
0xc3: {  	[hbm4b:s6+s2] =	stream.indirect_vreg.scatter [tilespmem:s20], [sflag:$0x1], $0x80, v4, vm0, $0xb8;
	[tilespmem:$0x10100] =	vst v63  }
0xc4: {  	s19 =	simm.s32 $0xE100  }
0xc5: {  	[hbm4b:s3+s2] =	stream.indirect_vreg.scatter [tilespmem:s19], [sflag:$0x1], $0x80, v3, vm0, $0xb8;
	[tilespmem:$0x10100] =	vst v63  }
0xc6: {  	s20 =	simm.s32 $0xE900  }
0xc7: {  	[hbm4b:s4+s2] =	stream.indirect_vreg.scatter [tilespmem:s20], [sflag:$0x1], $0x80, v3, vm0, $0xb8;
	[tilespmem:$0x10100] =	vst v63  }
0xc8: {  	s19 =	simm.s32 $0xF100  }
0xc9: {  	[hbm4b:s5+s2] =	stream.indirect_vreg.scatter [tilespmem:s19], [sflag:$0x1], $0x80, v3, vm0, $0xb8;
	[tilespmem:$0x10100] =	vst v63  }
0xca: {  	s20 =	simm.s32 $0x1  }
0xcb: {  	[hbm4b:s6+s2] =	stream.indirect_vreg.scatter [tilespmem:s0], [sflag:$0x1], $0x80, v3, vm0, $0xb8;
	[tilespmem:$0x10100] =	vst v63  }
0xcc: {  	p0 =	sne.s32 s7, $0x1;
	_ =	swait.ge [sflag:s20], $0x10000  }
.Ltmp0:
0xcd: {  	[sflag:s20] =	ssyncset.done $0x0;
	(pc) =	sbr.rel @p0 .LBB2_1-.Ltmp0, $4  }
0xce: {  	[sflag:s20] =	ssyncadd.s32 $0xFFFF0000  }
0xcf: {  	_ =	swait.ge [sflag:s20], $0x10000  }
0xd0: {  	[sflag:s20] =	ssyncset.done $0x0  }
0xd1: {  	s7 =	sadd.s32 $0xFFFFFFFF, s7;
	[sflag:s20] =	ssyncadd.s32 $0xFFFF0000  }
0xd2: {  	_ =	sfence.sel $0x180000  }
0xd3: {  	[bflag:$0x0] =	sbarrier.arrive $0xFFFF  }
0xd4: {  	_ =	strace $0x90000047  }
0xd5: {  	s0 =	stileid.u32;
	[bflag:$0x2] =	sbarrier.arrive $0xFFFF  }
0xd6: {  	p0 =	sne.s32 s0, $0x0;
	s0 =	rddreg [dreg:$0x2]  }
0xd7: {  	s0 =	sadd.s32 @!p0 $0x100000, s0  }
0xd8: {  	[sflag:s0] =	ssyncadd.tile.s32 @!p0 $0x1;
	_ =	shalt  }
.Lfunc_end2:
_tile_overlayer_lowered:
.L_overlay_start_2:
0xd9: {  	(tag) =	ssettag $0x2  }
0xda: {  	s0 =	rddreg [dreg:$0x0];
	s2 =	stileid.u32  }
0xdb: {  	s1 =	rddreg [dreg:$0x1];
	p0 =	sne.s32 s2, $0x0  }
0xdc: {  	s3 =	rddreg [dreg:$0x2];
	[bflag:$0x3] =	sbarrier.arrive $0xFFFF;
	s2 =	simm.s32 @!p0 $0x1C02  }
0xdd: {  	[timem:s3], [sflag:s2] =	dma.local @!p0 [hbm:s0], s1  }
0xde: {  	s0 =	simm.s32 @!p0 $0x2  }
0xdf: {  	_ =	swait.ge @!p0 [sflag:s0], s1  }
0xe0: {  	s1 =	ssub.s32 @!p0 $0x0, s1;
	[sflag:s0] =	ssyncset.done @!p0 $0x0  }
0xe1: {  	[sflag:s0] =	ssyncadd.s32 @!p0 s1  }
0xe2: {  	[bflag:$0x3] =	sbarrier.arrive $0xFFFF  }
0xe3: {  	_ =	shalt  }

// kernel: kernel.9.cloned.1.call-start
scs
__scs_entry_jumppad:
0x0: {  	(pc) =	sbr.rel $0x88, $3  }
0x1: {  	(tag) =	ssettag $0x0;
	lr =	simm.s32 $0x1  }
0x2: {  	[smem:$0x3F9D] =	sst lr;
	_ =	strace $0xD0000000  }
0x3: {  	_ = 	snop  }
0x4: {  	_ = 	snop  }
0x5: {  	_ = 	snop  }
0x6: {  	_ = 	snop  }
0x7: {  	_ = 	snop  }
__scs_overlays_trampoline_lowered:
0x8: {  	[smem:$0x3FAC] =	sst s0  }
0x9: {  	[smem:$0x3FAD] =	sst s1  }
0xa: {  	[smem:$0x3FAE] =	sst s2  }
0xb: {  	[smem:$0x3FAF] =	sst s3  }
0xc: {  	[smem:$0x3FB0] =	sst s4  }
0xd: {  	[smem:$0x3FB1] =	sst s5  }
0xe: {  	[smem:$0x3FB2] =	sst s6  }
0xf: {  	[smem:$0x3FB3] =	sst s7  }
0x10: {  	[smem:$0x3FB4] =	sst s8  }
0x11: {  	[smem:$0x3FB5] =	sst s9;
	s0 =	simm.s32 @!p0 $0x0  }
0x12: {  	s1 =	sld [smem:$0x3F9B];
	s0 =	simm.s32 @p0 $0x1  }
0x13: {  	[smem:$0x3FB6] =	sst s0;
	s0 =	simm.s32 @!p1 $0x0  }
0x14: {  	s2 =	sld [smem:$0x3F9A];
	s0 =	simm.s32 @p1 $0x1  }
0x15: {  	[smem:$0x3FB7] =	sst s0;
	s0 =	simm.s32 @!p2 $0x0  }
0x16: {  	s3 =	sld [smem:$0x3FDB];
	s0 =	simm.s32 @p2 $0x1  }
0x17: {  	s4 =	simm.s32 $0x1BF5;
	[smem:$0x3FB9] =	sst s0  }
0x18: {  	s0 =	sld [smem:$0x3F9C];
	_ =	swait.ge [sflag:s4], $0x0  }
0x19: {  	s7 =	sld [smem:$0x3F9D]  }
0x1a: {  	s8 =	sadd.s32 $0xFFFFE003, lr  }
0x1b: {  	s9 =	sadd.s32 $0xFFFFFEF7, lr;
	s5 =	simm.s32 $0xFFFFFFFF;
	p2 =	slt.u32 s8, $0xFFFFF086  }
0x1c: {  	p1 =	slt.u32 s9, $0xF7A;
	s5 =	simm.s32 @!p2 $0x0  }
0x1d: {  	s5 =	simm.s32 @p1 $0x1;
	p0 =	seq.s32 s7, s2  }
0x1e: {  	s7 =	smul.u32 @!p0 $0xF7A, s2;
	p2 =	seq.s32 @!p0 s5, $0x0  }
0x1f: {  	s9 =	smul.u32 $0xF7A, s1;
	s8 =	simm.s32 @!p0 $0x1BF5;
	p2 =	por !p2, p0  }
0x20: {  	[sflag:s8] =	ssyncset.s32 @!p0 $0xFFFFF086;
	s6 =	sadd.s32 @!p0 s3, s7;
	s7 =	simm.s32 @!p0 $0x108  }
0x21: {  	s3 =	sadd.s32 s3, s9;
	s6 =	sadd.s32 @!p0 $0x88, s6;
	s7 =	simm.s32 @p2 $0x1082  }
0x22: {  	[simem:s7], [sflag:s8] =	dma.local @!p0 [hbm:s6], $0xF7A  }
0x23: {  	s9 =	sor.u32 $0xD0000000, s2;
	s6 =	simm.s32 $0x108;
	_ =	swait.ge @!p0 [sflag:s8], $0x0  }
0x24: {  	s3 =	sadd.s32 $0x88, s3;
	s6 =	simm.s32 @!p1 $0x1082;
	[sflag:s4] =	ssyncset.s32 $0xFFFFF086  }
0x25: {  	[simem:s6], [sflag:s4] =	dma.local [hbm:s3], $0xF7A  }
0x26: {  	[smem:$0x3F9D] =	sst s1;
	(tag) =	ssettag s2;
	_ =	strace s9  }
0x27: {  	s1 =	sld [smem:$0x3FAD]  }
0x28: {  	s2 =	sld [smem:$0x3FAE]  }
0x29: {  	s4 =	sld [smem:$0x3FB0]  }
0x2a: {  	p0 =	seq.s32 s5, $0x0;
	s5 =	sld [smem:$0x3FB1]  }
0x2b: {  	s6 =	sld [smem:$0x3FB2]  }
0x2c: {  	s7 =	sld [smem:$0x3FB3]  }
0x2d: {  	s3 =	simm.s32 $0x108;
	s8 =	sld [smem:$0x3FB4]  }
0x2e: {  	s3 =	simm.s32 @!p0 $0x1082;
	s9 =	sld [smem:$0x3FB5]  }
0x2f: {  	lr =	sadd.s32 s0, s3;
	s0 =	sld [smem:$0x3FAC]  }
0x30: {  	s3 =	sld [smem:$0x3FAF]  }
0x31: {  	[smem:$0x3FB8] =	sst s10  }
0x32: {  	s10 =	sld [smem:$0x3FB6];
	_ =	sdelay $0x3  }
0x33: {  	p0 =	seq.s32 s10, $0x1;
	s10 =	sld [smem:$0x3FB8];
	_ =	sdelay $0x3  }
0x34: {  	[smem:$0x3FB8] =	sst s10  }
0x35: {  	s10 =	sld [smem:$0x3FB7];
	_ =	sdelay $0x3  }
0x36: {  	p1 =	seq.s32 s10, $0x1;
	s10 =	sld [smem:$0x3FB8];
	_ =	sdelay $0x3  }
0x37: {  	[smem:$0x3FB8] =	sst s10  }
0x38: {  	s10 =	sld [smem:$0x3FB9]  }
0x39: {  	_ = 	snop;
	(pc) =	sbr.ind lr, $3  }
0x3a: {  	_ = 	snop  }
0x3b: {  	_ = 	snop  }
0x3c: {  	p2 =	seq.s32 s10, $0x1;
	s10 =	sld [smem:$0x3FB8]  }
0x3d: {  	_ =	shalt  }
0x3e: {  	_ =	shalt  }
0x3f: {  	_ =	shalt  }
0x40: {  	_ =	shalt  }
0x41: {  	_ =	shalt  }
0x42: {  	_ =	shalt  }
0x43: {  	_ =	shalt  }
0x44: {  	_ =	shalt  }
0x45: {  	_ =	shalt  }
0x46: {  	_ =	shalt  }
0x47: {  	_ =	shalt  }
0x48: {  	_ =	shalt  }
0x49: {  	_ =	shalt  }
0x4a: {  	_ =	shalt  }
0x4b: {  	_ =	shalt  }
0x4c: {  	_ =	shalt  }
0x4d: {  	_ =	shalt  }
0x4e: {  	_ =	shalt  }
0x4f: {  	_ =	shalt  }
0x50: {  	_ =	shalt  }
0x51: {  	_ =	shalt  }
0x52: {  	_ =	shalt  }
0x53: {  	_ =	shalt  }
0x54: {  	_ =	shalt  }
0x55: {  	_ =	shalt  }
0x56: {  	_ =	shalt  }
0x57: {  	_ =	shalt  }
0x58: {  	_ =	shalt  }
0x59: {  	_ =	shalt  }
0x5a: {  	_ =	shalt  }
0x5b: {  	_ =	shalt  }
0x5c: {  	_ =	shalt  }
0x5d: {  	_ =	shalt  }
0x5e: {  	_ =	shalt  }
0x5f: {  	_ =	shalt  }
0x60: {  	_ =	shalt  }
0x61: {  	_ =	shalt  }
0x62: {  	_ =	shalt  }
0x63: {  	_ =	shalt  }
0x64: {  	_ =	shalt  }
0x65: {  	_ =	shalt  }
0x66: {  	_ =	shalt  }
0x67: {  	_ =	shalt  }
0x68: {  	_ =	shalt  }
0x69: {  	_ =	shalt  }
0x6a: {  	_ =	shalt  }
0x6b: {  	_ =	shalt  }
0x6c: {  	_ =	shalt  }
0x6d: {  	_ =	shalt  }
0x6e: {  	_ =	shalt  }
0x6f: {  	_ =	shalt  }
0x70: {  	_ =	shalt  }
0x71: {  	_ =	shalt  }
0x72: {  	_ =	shalt  }
0x73: {  	_ =	shalt  }
0x74: {  	_ =	shalt  }
0x75: {  	_ =	shalt  }
0x76: {  	_ =	shalt  }
0x77: {  	_ =	shalt  }
0x78: {  	_ =	shalt  }
0x79: {  	_ =	shalt  }
0x7a: {  	_ =	shalt  }
0x7b: {  	_ =	shalt  }
0x7c: {  	_ =	shalt  }
0x7d: {  	_ =	shalt  }
0x7e: {  	_ =	shalt  }
0x7f: {  	_ =	shalt  }
0x80: {  	_ =	shalt  }
0x81: {  	_ =	shalt  }
0x82: {  	_ =	shalt  }
0x83: {  	_ =	shalt  }
0x84: {  	_ =	shalt  }
0x85: {  	_ =	shalt  }
0x86: {  	_ =	shalt  }
0x87: {  	_ =	shalt  }
.Lfunc_end0:
.L_simem_size_0:
called_computation.1_lowered:
.L_overlay_start_0:
0x88: {  	s2 =	sld [smem:$0x3FD9]  }
0x89: {  	s3 =	sld [smem:$0x3FFE];
	_ =	sdelay $0x1  }
0x8a: {  	s1 =	srdreg.scid  }
0x8b: {  	s0 =	sand.u32 $0x1, s1  }
0x8c: {  	s17 =	sshll.u32 s0, $0xA;
	s2 =	sadd.s32 s3, s2  }
0x8d: {  	s2 =	sadd.s32 s2, s17  }
0x8e: {  	[smem:$0x3FC4] =	sst s2  }
0x8f: {  	_ = 	snop  }
0x90: {  	s2 =	sld [smem:$0x3FD0];
	(tm) =	ssettm $0x1  }
0x91: {  	s18 =	sld [smem:$0x3FFB];
	_ =	sdelay $0x3  }
0x92: {  	_ =	strace s18  }
0x93: {  	s3 =	sld [smem:$0x3FFC];
	_ =	sdelay $0x3  }
0x94: {  	_ =	strace s3  }
0x95: {  	s3 =	sld [smem:$0x3FFD];
	_ =	sdelay $0x3  }
0x96: {  	_ =	strace s3  }
0x97: {  	_ =	strace $0x8FFFFFFF  }
0x98: {  	s19 =	sld [smem:$0x3FDB];
	_ =	sdelay $0x1  }
0x99: {  	s4 =	simm.s32 $_scs_section_size  }
0x9a: {  	s5 =	simm.s32 $_size__tile_overlayer_lowered;
	s6 =	simm.s32 $_tile_overlayer_lowered  }
0x9b: {  	s22 =	simm.s32 $0x1BFF;
	s21 =	sshll.u32 s6, $0x1;
	s3 =	sadd.s32 s4, s19  }
0x9c: {  	s7 =	simm.s32 $0x0;
	s20 =	sshll.u32 s5, $0x1;
	s5 =	sadd.s32 s21, s3  }
0x9d: {  	[timem:s7], [sflag:s22] =	dma.local [hbm:s5], s20  }
0x9e: {  	_ =	swait.ge [sflag:s22], s20  }
0x9f: {  	s4 =	ssub.s32 $0x0, s20;
	[sflag:s22] =	ssyncset.done $0x0  }
0xa0: {  	[sflag:s22] =	ssyncadd.s32 s4;
	_ =	sdelay $0x1  }
0xa1: {  	s23 =	simm.s32 $0x1B8B  }
0xa2: {  	_ =	swait.ge [sflag:s23], $0x1  }
0xa3: {  	[sflag:s23] =	ssyncset.done $0x0  }
0xa4: {  	s25 =	simm.s32 $0x1B8E;
	s24 =	sld [smem:$0x3FFE];
	[sflag:s23] =	ssyncadd.s32 $0xFFFFFFFF  }
0xa5: {  	s26 =	simm.s32 $execute0_lowered;
	[smem:$0x3FD2] =	sst s25  }
0xa6: {  	s5 =	sshll.u32 s26, $0x1;
	_ =	strace $0x80000049;
	[dreg:$0x1] =	wrdreg $0xFFFFFFFF  }
0xa7: {  	s28 =	simm.s32 $_size_execute0_lowered;
	s3 =	sadd.s32 s3, s5;
	[dreg:$0x0] =	wrdreg $0x0  }
0xa8: {  	s5 =	sshll.u32 s28, $0x1;
	[dreg:$0x2] =	wrdreg s3  }
0xa9: {  	[dreg:$0x3] =	wrdreg s5  }
0xaa: {  	[dreg:$0x4] =	wrdreg $0xC0  }
0xab: {  	_ =	task [dreg:s7], $0x5FFFF  }
0xac: {  	[dreg:$0x1] =	wrdreg $0xFFFFFFFF  }
0xad: {  	[dreg:$0x0] =	wrdreg $0x60  }
0xae: {  	[dreg:$0x2] =	wrdreg s24  }
0xaf: {  	[dreg:$0x3] =	wrdreg s2  }
0xb0: {  	[dreg:$0x4] =	wrdreg $0x9  }
0xb1: {  	_ =	task.clear_ibuf [dreg:s7], $0x5FFFF;
	_ =	strace $0x90000049  }
0xb2: {  	s29 =	simm.s32 $0x9;
	_ =	strace $0x8000004B  }
0xb3: {  	_ =	swait.ge [sflag:s29], $0x1  }
0xb4: {  	[sflag:s29] =	ssyncadd.s32 $0xFFFFFFFF  }
0xb5: {  	_ =	strace $0x9000004B  }
0xb6: {  	_ =	sfence  }
0xb7: {  	s30 =	sld [smem:$0x0];
	_ =	sdelay $0x2  }
0xb8: {  	s31 =	sshll.u32 s1, $0xD;
	s1 =	sshrl.u32 s1, $0x2  }
0xb9: {  	s3 =	sand.u32 $0x4000, s31;
	s1 =	sadd.s32 s1, s30  }
0xba: {  	s0 =	sor.u32 s3, s0;
	s1 =	sshll.u32 s1, $0x11  }
0xbb: {  	s0 =	sor.u32 s1, s0  }
0xbc: {  	s0 =	sadd.s32 $0x8F2B, s0  }
0xbd: {  	[sflag:s0] =	ssyncadd.remote.s32 $0x1  }
0xbe: {  	_ =	sfence.sel $0xFFFF  }
0xbf: {  	[dreg:$0x0] =	wrdreg $0xFFFFFFFF;
	(pc) =	sbr.abs _section_cstart, $3  }
0xc0: {  	[dreg:$0x1] =	wrdreg $0xFFFFFFFF  }
0xc1: {  	_ =	task.clear_ibuf [dreg:s7], $0x2FFFF;
	_ =	strace $0x9FFFFFFF  }
0xc2: {  	(tm) =	ssettm $0x7FFFFFFF  }
0xc3: {  	_ =	shalt  }
tec
execute0_lowered:
.L_overlay_start_1:
0x0: {  	(tag) =	ssettag $0x1  }
0x1: {  	s0 =	rddreg [dreg:$0x0]  }
0x2: {  	s1 =	rddreg [dreg:$0x1];
	s2 =	srdreg.scid  }
0x3: {  	s3 =	stileid.u32;
	s16 =	simm.s32 $0x2;
	s12 =	simm.s32 $0x4900  }
0x4: {  	s13 =	simm.s32 $0xF100;
	s14 =	simm.s32 $0x10100;
	s15 =	simm.s32 $0x11100  }
0x5: {  	s28 =	simm.s32 $0x12900;
	s29 =	simm.s32 $0x13100;
	s30 =	simm.s32 $0x13900  }
0x6: {  	s31 =	simm.s32 $0x0;
	s4 =	sand.u32 $0x1, s2;
	s2 =	simm.s32 $0x0  }
0x7: {  	s3 =	sshll.u32 s3, $0x7;
	s8 =	sadd.s32 $0x1800, s0;
	s5 =	sshll.u32 s4, $0x6  }
0x8: {  	[smem:$0x7FF] =	sst s2;
	s4 =	ssub.s32 $0x2, s4;
	s6 =	sor.u32 s5, s3  }
0x9: {  	_ =	strace $0x8000004A;
	s3 =	sadd.s32 $0x111C00, s0;
	s11 =	sshrl.u32 s4, $0x1  }
0xa: {  	s7 =	sshll.u32 s6, $0x4;
	s9 =	sshll.u32 s6, $0x1;
	s4 =	ssub.s32 s4, s11  }
0xb: {  	s21 =	sshll.u32 s6, $0x7;
	s7 =	sadd.s32 s7, s0;
	s10 =	sand.u32 $0xF00, s9  }
0xc: {  	s9 =	sor.u32 s5, s9;
	s11 =	sadd.s32 s1, s21;
	s26 =	smax.u32 s4, $0x1  }
0xd: {  	s4 =	simm.s32 $0x1;
	s20 =	sadd.s32 $0x1A00, s7;
	[dreg:$0xa] =	wrdreg s26  }
0xe: {  	s5 =	sor.u32 s5, s10;
	s22 =	sadd.s32 $0x9A00, s7;
	[dreg:$0x5] =	wrdreg s20  }
0xf: {  	s9 =	sshrl.u32 s9, $0x3;
	s23 =	sadd.s32 $0x800, s11;
	[dreg:$0x6] =	wrdreg s22  }
0x10: {  	s10 =	sadd.s32 $0x111F00, s0;
	s24 =	sadd.s32 $0x1000, s11;
	[dreg:$0x7] =	wrdreg s23  }
0x11: {  	s25 =	sadd.s32 $0x1800, s11;
	s26 =	simm.s32 $0x12100;
	[dreg:$0x8] =	wrdreg s24  }
0x12: {  	s5 =	sshrl.u32 s5, $0x3;
	s9 =	sor.u32 $0x10, s9;
	[dreg:$0x9] =	wrdreg s25  }
0x13: {  	s20 =	simm.s32 $0x4100;
	s22 =	simm.s32 $0xE900;
	s23 =	simm.s32 $0xF900  }
0x14: {  	v2 =	vlaneseq.u32;
	s24 =	simm.s32 $0x10900;
	s25 =	simm.s32 $0x11900;
	s5 =	sadd.s32 s8, s5  }
0x15: {  	vm0 =	vmmov $0xffff;
	v1 =	vshrl.u32 v2, $0x3;
	s19 =	sadd.s32 s8, s9;
	s8 =	sadd.s32 $0x111D00, s0;
	[dreg:$0x3] =	wrdreg s5  }
0x16: {  	v0 =	vand.u32 $0x7, v2;
	v2 =	vor.u32 $0x8, v2;
	v1 =	vmul.u32 $0x8, v1;
	s9 =	sadd.s32 $0x111E00, s0;
	[dreg:$0x4] =	wrdreg s19;
	s5 =	simm.s32 $0xC100  }
.LBB2_1:
0x17: {  	s0 =	rddreg [dreg:$0x3]  }
0x18: {  	[tilespmem:s2], [sflag:$0x2] =	stream.linear.gather [hbm4b:s0+s2], $0x40, $0x38;
	[tilespmem:$0x14100] =	vst v63  }
0x19: {  	_ =	swait.ge [sflag:s16], $0x40  }
0x1a: {  	[sflag:s16] =	ssyncset.done $0x0  }
0x1b: {  	s1 =	simm.s32 $0x80;
	s18 =	rddreg [dreg:$0x4];
	[sflag:s16] =	ssyncadd.s32 $0xFFFFFFC0  }
0x1c: {  	[tilespmem:s1], [sflag:$0x2] =	stream.linear.gather [hbm4b:s18+s2], $0x40, $0x38;
	[tilespmem:$0x14100] =	vst v63  }
0x1d: {  	_ =	swait.ge [sflag:s16], $0x40  }
0x1e: {  	[sflag:s16] =	ssyncset.done $0x0  }
0x1f: {  	s21 =	simm.s32 $0x100;
	s19 =	rddreg [dreg:$0x5];
	[sflag:s16] =	ssyncadd.s32 $0xFFFFFFC0  }
0x20: {  	[tilespmem:s21], [sflag:$0x2] =	stream.linear.gather [hbm4b:s19+s2], $0x2000, $0x38;
	[tilespmem:$0x14100] =	vst v63  }
0x21: {  	_ =	swait.ge [sflag:s16], $0x2000  }
0x22: {  	[sflag:s16] =	ssyncset.done $0x0  }
0x23: {  	s7 =	simm.s32 $0x2100;
	s6 =	rddreg [dreg:$0x6];
	[sflag:s16] =	ssyncadd.s32 $0xFFFFE000  }
0x24: {  	[tilespmem:s7], [sflag:$0x2] =	stream.linear.gather [hbm4b:s6+s2], $0x2000, $0x38;
	[tilespmem:$0x14100] =	vst v63  }
0x25: {  	_ =	swait.ge [sflag:s16], $0x2000  }
0x26: {  	[sflag:s16] =	ssyncset.done $0x0  }
0x27: {  	[sflag:s16] =	ssyncadd.s32 $0xFFFFE000  }
0x28: {  	v3 =	vld [tilespmem:$0x0];
	_ =	sdelay $0x4  }
0x29: {  	v4 =	vshll.u32 v3, $0x3  }
0x2a: {  	v3 =	vand.u32 $0x7, v3;
	v4 =	vand.u32 $0xFFFFFFC0, v4  }
0x2b: {  	v3 =	vor.u32 v3, v4  }
0x2c: {  	v4 =	vperm.xlane v3, v0;
	_ =	sdelay $0x1  }
0x2d: {  	v4 =	vadd.s32 v1, v4;
	_ =	sdelay $0x4  }
0x2e: {  	[tilespmem:s20], [sflag:$0x1] =	stream.indirect_vreg.gather [hbm4b:s3+s2], $0x80, v4, vm0, $0xb8;
	[tilespmem:$0x14100] =	vst v63  }
0x2f: {  	v3 =	vperm.xlane v3, v2  }
0x30: {  	[tilespmem:s12], [sflag:$0x1] =	stream.indirect_vreg.gather [hbm4b:s8+s2], $0x80, v4, vm0, $0xb8;
	[tilespmem:$0x14100] =	vst v63  }
0x31: {  	s17 =	simm.s32 $0x5100;
	v3 =	vadd.s32 v1, v3  }
0x32: {  	[tilespmem:s17], [sflag:$0x1] =	stream.indirect_vreg.gather [hbm4b:s9+s2], $0x80, v4, vm0, $0xb8;
	[tilespmem:$0x14100] =	vst v63  }
0x33: {  	s18 =	simm.s32 $0x5900  }
0x34: {  	[tilespmem:s18], [sflag:$0x1] =	stream.indirect_vreg.gather [hbm4b:s10+s2], $0x80, v4, vm0, $0xb8;
	[tilespmem:$0x14100] =	vst v63  }
0x35: {  	s19 =	simm.s32 $0x6100  }
0x36: {  	[tilespmem:s19], [sflag:$0x1] =	stream.indirect_vreg.gather [hbm4b:s3+s2], $0x80, v3, vm0, $0xb8;
	[tilespmem:$0x14100] =	vst v63  }
0x37: {  	s21 =	simm.s32 $0x6900  }
0x38: {  	[tilespmem:s21], [sflag:$0x1] =	stream.indirect_vreg.gather [hbm4b:s8+s2], $0x80, v3, vm0, $0xb8;
	[tilespmem:$0x14100] =	vst v63  }
0x39: {  	s1 =	simm.s32 $0x7100  }
0x3a: {  	[tilespmem:s1], [sflag:$0x1] =	stream.indirect_vreg.gather [hbm4b:s9+s2], $0x80, v3, vm0, $0xb8;
	[tilespmem:$0x14100] =	vst v63  }
0x3b: {  	s6 =	simm.s32 $0x7900  }
0x3c: {  	[tilespmem:s6], [sflag:$0x1] =	stream.indirect_vreg.gather [hbm4b:s10+s2], $0x80, v3, vm0, $0xb8;
	[tilespmem:$0x14100] =	vst v63  }
0x3d: {  	v3 =	vld [tilespmem:$0x80];
	_ =	sdelay $0x4  }
0x3e: {  	v61 =	vshll.u32 v3, $0x3  }
0x3f: {  	v3 =	vand.u32 $0x7, v3;
	v4 =	vand.u32 $0xFFFFFFC0, v61  }
0x40: {  	v3 =	vor.u32 v3, v4  }
0x41: {  	v4 =	vperm.xlane v3, v0;
	_ =	sdelay $0x1  }
0x42: {  	v4 =	vadd.s32 v1, v4;
	_ =	sdelay $0x3  }
0x43: {  	s7 =	simm.s32 $0x8100  }
0x44: {  	[tilespmem:s7], [sflag:$0x1] =	stream.indirect_vreg.gather [hbm4b:s3+s2], $0x80, v4, vm0, $0xb8;
	[tilespmem:$0x14100] =	vst v63  }
0x45: {  	s17 =	simm.s32 $0x8900;
	v3 =	vperm.xlane v3, v2  }
0x46: {  	[tilespmem:s17], [sflag:$0x1] =	stream.indirect_vreg.gather [hbm4b:s8+s2], $0x80, v4, vm0, $0xb8;
	[tilespmem:$0x14100] =	vst v63  }
0x47: {  	s18 =	simm.s32 $0x9100;
	v3 =	vadd.s32 v1, v3  }
0x48: {  	[tilespmem:s18], [sflag:$0x1] =	stream.indirect_vreg.gather [hbm4b:s9+s2], $0x80, v4, vm0, $0xb8;
	[tilespmem:$0x14100] =	vst v63  }
0x49: {  	s19 =	simm.s32 $0x9900  }
0x4a: {  	[tilespmem:s19], [sflag:$0x1] =	stream.indirect_vreg.gather [hbm4b:s10+s2], $0x80, v4, vm0, $0xb8;
	[tilespmem:$0x14100] =	vst v63  }
0x4b: {  	s21 =	simm.s32 $0xA100  }
0x4c: {  	[tilespmem:s21], [sflag:$0x1] =	stream.indirect_vreg.gather [hbm4b:s3+s2], $0x80, v3, vm0, $0xb8;
	[tilespmem:$0x14100] =	vst v63  }
0x4d: {  	s1 =	simm.s32 $0xA900  }
0x4e: {  	[tilespmem:s1], [sflag:$0x1] =	stream.indirect_vreg.gather [hbm4b:s8+s2], $0x80, v3, vm0, $0xb8;
	[tilespmem:$0x14100] =	vst v63  }
0x4f: {  	s6 =	simm.s32 $0xB100  }
0x50: {  	[tilespmem:s6], [sflag:$0x1] =	stream.indirect_vreg.gather [hbm4b:s9+s2], $0x80, v3, vm0, $0xb8;
	[tilespmem:$0x14100] =	vst v63  }
0x51: {  	s7 =	simm.s32 $0xB900  }
0x52: {  	[tilespmem:s7], [sflag:$0x1] =	stream.indirect_vreg.gather [hbm4b:s10+s2], $0x80, v3, vm0, $0xb8;
	[tilespmem:$0x14100] =	vst v63  }
0x53: {  	_ =	swait.ge [sflag:s4], $0x4000  }
0x54: {  	[sflag:s4] =	ssyncset.done $0x0  }
0x55: {  	[sflag:s4] =	ssyncadd.s32 $0xFFFFC000  }
0x56: {  	_ =	swait.ge [sflag:s4], $0x4000  }
0x57: {  	[sflag:s4] =	ssyncset.done $0x0  }
0x58: {  	[sflag:s4] =	ssyncadd.s32 $0xFFFFC000  }
0x59: {  	v3 =	vld [tilespmem:$0x10];
	_ =	sdelay $0x4  }
0x5a: {  	v62 =	vshll.u32 v3, $0x3  }
0x5b: {  	v3 =	vand.u32 $0x7, v3;
	v4 =	vand.u32 $0xFFFFFFC0, v62  }
0x5c: {  	v3 =	vor.u32 v3, v4  }
0x5d: {  	v4 =	vperm.xlane v3, v0;
	_ =	sdelay $0x1  }
0x5e: {  	v4 =	vadd.s32 v1, v4;
	_ =	sdelay $0x4  }
0x5f: {  	[tilespmem:s5], [sflag:$0x1] =	stream.indirect_vreg.gather [hbm4b:s3+s2], $0x80, v4, vm0, $0xb8;
	[tilespmem:$0x14100] =	vst v63  }
0x60: {  	s17 =	simm.s32 $0xC900;
	v3 =	vperm.xlane v3, v2  }
0x61: {  	[tilespmem:s17], [sflag:$0x1] =	stream.indirect_vreg.gather [hbm4b:s8+s2], $0x80, v4, vm0, $0xb8;
	[tilespmem:$0x14100] =	vst v63  }
0x62: {  	s18 =	simm.s32 $0xD100;
	v3 =	vadd.s32 v1, v3  }
0x63: {  	[tilespmem:s18], [sflag:$0x1] =	stream.indirect_vreg.gather [hbm4b:s9+s2], $0x80, v4, vm0, $0xb8;
	[tilespmem:$0x14100] =	vst v63  }
0x64: {  	s19 =	simm.s32 $0xD900  }
0x65: {  	[tilespmem:s19], [sflag:$0x1] =	stream.indirect_vreg.gather [hbm4b:s10+s2], $0x80, v4, vm0, $0xb8;
	[tilespmem:$0x14100] =	vst v63  }
0x66: {  	s21 =	simm.s32 $0xE100  }
0x67: {  	[tilespmem:s21], [sflag:$0x1] =	stream.indirect_vreg.gather [hbm4b:s3+s2], $0x80, v3, vm0, $0xb8;
	[tilespmem:$0x14100] =	vst v63  }
0x68: {  	_ = 	snop  }
0x69: {  	[tilespmem:s22], [sflag:$0x1] =	stream.indirect_vreg.gather [hbm4b:s8+s2], $0x80, v3, vm0, $0xb8;
	[tilespmem:$0x14100] =	vst v63  }
0x6a: {  	_ = 	snop  }
0x6b: {  	[tilespmem:s13], [sflag:$0x1] =	stream.indirect_vreg.gather [hbm4b:s9+s2], $0x80, v3, vm0, $0xb8;
	[tilespmem:$0x14100] =	vst v63  }
0x6c: {  	_ = 	snop  }
0x6d: {  	[tilespmem:s23], [sflag:$0x1] =	stream.indirect_vreg.gather [hbm4b:s10+s2], $0x80, v3, vm0, $0xb8;
	[tilespmem:$0x14100] =	vst v63  }
0x6e: {  	v3 =	vld [tilespmem:$0x90];
	_ =	sdelay $0x4  }
0x6f: {  	v63 =	vshll.u32 v3, $0x3  }
0x70: {  	v3 =	vand.u32 $0x7, v3;
	v4 =	vand.u32 $0xFFFFFFC0, v63  }
0x71: {  	v3 =	vor.u32 v3, v4  }
0x72: {  	v4 =	vperm.xlane v3, v0;
	_ =	sdelay $0x1  }
0x73: {  	v4 =	vadd.s32 v1, v4;
	_ =	sdelay $0x4  }
0x74: {  	[tilespmem:s14], [sflag:$0x1] =	stream.indirect_vreg.gather [hbm4b:s3+s2], $0x80, v4, vm0, $0xb8;
	[tilespmem:$0x14100] =	vst v63  }
0x75: {  	v3 =	vperm.xlane v3, v2  }
0x76: {  	[tilespmem:s24], [sflag:$0x1] =	stream.indirect_vreg.gather [hbm4b:s8+s2], $0x80, v4, vm0, $0xb8;
	[tilespmem:$0x14100] =	vst v63  }
0x77: {  	v3 =	vadd.s32 v1, v3  }
0x78: {  	[tilespmem:s15], [sflag:$0x1] =	stream.indirect_vreg.gather [hbm4b:s9+s2], $0x80, v4, vm0, $0xb8;
	[tilespmem:$0x14100] =	vst v63  }
0x79: {  	_ = 	snop  }
0x7a: {  	[tilespmem:s25], [sflag:$0x1] =	stream.indirect_vreg.gather [hbm4b:s10+s2], $0x80, v4, vm0, $0xb8;
	[tilespmem:$0x14100] =	vst v63  }
0x7b: {  	_ = 	snop  }
0x7c: {  	[tilespmem:s26], [sflag:$0x1] =	stream.indirect_vreg.gather [hbm4b:s3+s2], $0x80, v3, vm0, $0xb8;
	[tilespmem:$0x14100] =	vst v63  }
0x7d: {  	_ = 	snop  }
0x7e: {  	[tilespmem:s28], [sflag:$0x1] =	stream.indirect_vreg.gather [hbm4b:s8+s2], $0x80, v3, vm0, $0xb8;
	[tilespmem:$0x14100] =	vst v63  }
0x7f: {  	_ = 	snop  }
0x80: {  	[tilespmem:s29], [sflag:$0x1] =	stream.indirect_vreg.gather [hbm4b:s9+s2], $0x80, v3, vm0, $0xb8;
	[tilespmem:$0x14100] =	vst v63  }
0x81: {  	s0 =	simm.s32 $0x0  }
0x82: {  	[tilespmem:s30], [sflag:$0x1] =	stream.indirect_vreg.gather [hbm4b:s10+s2], $0x80, v3, vm0, $0xb8;
	[tilespmem:$0x14100] =	vst v63  }
.LBB2_2:
0x83: {  	s1 =	sshll.u32 s0, $0x7;
	s6 =	sshll.u32 s0, $0xA  }
0x84: {  	s17 =	simm.s32 $0x0;
	s6 =	sand.u32 $0x2000, s6;
	s7 =	sand.u32 $0x380, s1  }
0x85: {  	s19 =	sand.u32 $0x40, s17;
	s18 =	sor.u32 s6, s7  }
0x86: {  	v3 =	vld [tilespmem:s1+$0x100];
	s21 =	sand.u32 $0x1C00, s17;
	s6 =	sor.u32 s19, s18  }
0x87: {  	v4 =	vld [tilespmem:s1+$0x2100];
	s1 =	sor.u32 s21, s6  }
0x88: {  	v8 =	vld [tilespmem:s1+$0x8100]  }
0x89: {  	v7 =	vld [tilespmem:s1+$0x8110]  }
0x8a: {  	v6 =	vld [tilespmem:s1+$0x8120]  }
0x8b: {  	v5 =	vld [tilespmem:s1+$0x8130]  }
0x8c: {  	v10 =	vld [tilespmem:s1+$0x4100]  }
0x8d: {  	v11 =	vld [tilespmem:s1+$0x4110]  }
0x8e: {  	s19 =	simm.s32 $0x0;
	s6 =	simm.s32 $0x40;
	v9 =	vld [tilespmem:s1+$0x4120]  }
.LBB2_3:
0x8f: {  	s7 =	sand.u32 $0x40, s6;
	v12 =	vld [tilespmem:s1+$0x4130];
	s17 =	sadd.s32 $0x200, s17  }
0x90: {  	s21 =	sand.u32 $0x1C00, s17;
	s7 =	sor.u32 s7, s18  }
0x91: {  	v13 =	vmul.f32 v8, v4;
	s7 =	sor.u32 s21, s7;
	v10 =	vmul.f32 v10, v3  }
0x92: {  	v14 =	vmul.f32 v7, v4;
	s19 =	sadd.s32 $0x4, s19;
	v8 =	vld [tilespmem:s7+$0x8100];
	v11 =	vmul.f32 v11, v3  }
0x93: {  	p0 =	slt.u32 s19, $0x3C;
	v7 =	vld [tilespmem:s7+$0x8110];
	v10 =	vadd.f32 v13, v10;
	v9 =	vmul.f32 v9, v3;
	v13 =	vmul.f32 v6, v4  }
.Ltmp0:
0x94: {  	v6 =	vld [tilespmem:s7+$0x8120];
	v11 =	vadd.f32 v14, v11;
	v12 =	vmul.f32 v12, v3;
	v14 =	vmul.f32 v5, v4;
	(pc) =	sbr.rel @p0 .LBB2_3-.Ltmp0, $4  }
0x95: {  	v5 =	vld [tilespmem:s7+$0x8130];
	[tilespmem:s1+$0x4100] =	vst v10;
	v9 =	vadd.f32 v13, v9  }
0x96: {  	v10 =	vld [tilespmem:s7+$0x4100];
	[tilespmem:s1+$0x4110] =	vst v11;
	v12 =	vadd.f32 v14, v12  }
0x97: {  	v11 =	vld [tilespmem:s7+$0x4110];
	[tilespmem:s1+$0x4120] =	vst v9  }
0x98: {  	s6 =	sadd.s32 $0x40, s6;
	v9 =	vld [tilespmem:s7+$0x4120];
	[tilespmem:s1+$0x4130] =	vst v12;
	s1 =	smov.u32 s7  }
0x99: {  	v12 =	vld [tilespmem:s1+$0x4130];
	_ =	sdelay $0x1  }
0x9a: {  	v8 =	vmul.f32 v8, v4;
	v10 =	vmul.f32 v10, v3  }
0x9b: {  	v7 =	vmul.f32 v7, v4;
	s0 =	sadd.s32 $0x1, s0;
	v11 =	vmul.f32 v11, v3  }
0x9c: {  	v6 =	vmul.f32 v6, v4;
	p0 =	sne.s32 s0, $0x10;
	v8 =	vadd.f32 v8, v10;
	v9 =	vmul.f32 v9, v3  }
.Ltmp1:
0x9d: {  	v62 =	vmul.f32 v5, v4;
	v7 =	vadd.f32 v7, v11;
	v3 =	vmul.f32 v12, v3;
	(pc) =	sbr.rel @p0 .LBB2_2-.Ltmp1, $4  }
0x9e: {  	[tilespmem:s1+$0x4100] =	vst v8;
	v63 =	vadd.f32 v6, v9  }
0x9f: {  	[tilespmem:s1+$0x4110] =	vst v7;
	v3 =	vadd.f32 v62, v3  }
0xa0: {  	[tilespmem:s1+$0x4120] =	vst v63  }
0xa1: {  	[tilespmem:s1+$0x4130] =	vst v3  }
0xa2: {  	s0 =	simm.s32 $0x0  }
0xa3: {  	[hbm4b:s11+s0] =	stream.linear.scatter [tilespmem:s20], [sflag:$0x2], $0x4000, $0x38;
	[tilespmem:$0x14100] =	vst v63  }
0xa4: {  	_ =	swait.ge [sflag:s16], $0x4000  }
0xa5: {  	[sflag:s16] =	ssyncset.done $0x0  }
0xa6: {  	[sflag:s16] =	ssyncadd.s32 $0xFFFFC000  }
0xa7: {  	_ =	swait.ge [sflag:s4], $0x4000  }
0xa8: {  	[sflag:s4] =	ssyncset.done $0x0  }
0xa9: {  	[sflag:s4] =	ssyncadd.s32 $0xFFFFC000  }
0xaa: {  	_ =	swait.ge [sflag:s4], $0x4000  }
0xab: {  	[sflag:s4] =	ssyncset.done $0x0  }
0xac: {  	[sflag:s4] =	ssyncadd.s32 $0xFFFFC000  }
0xad: {  	v3 =	vld [tilespmem:$0x20];
	_ =	sdelay $0x4  }
0xae: {  	v4 =	vshll.u32 v3, $0x3  }
0xaf: {  	v3 =	vand.u32 $0x7, v3;
	v4 =	vand.u32 $0xFFFFFFC0, v4  }
0xb0: {  	v3 =	vor.u32 v3, v4  }
0xb1: {  	v4 =	vperm.xlane v3, v0;
	_ =	sdelay $0x1  }
0xb2: {  	v4 =	vadd.s32 v1, v4;
	_ =	sdelay $0x4  }
0xb3: {  	[tilespmem:s20], [sflag:$0x1] =	stream.indirect_vreg.gather [hbm4b:s3+s0], $0x80, v4, vm0, $0xb8;
	[tilespmem:$0x14100] =	vst v63  }
0xb4: {  	v3 =	vperm.xlane v3, v2  }
0xb5: {  	[tilespmem:s12], [sflag:$0x1] =	stream.indirect_vreg.gather [hbm4b:s8+s0], $0x80, v4, vm0, $0xb8;
	[tilespmem:$0x14100] =	vst v63  }
0xb6: {  	s1 =	simm.s32 $0x5100;
	v3 =	vadd.s32 v1, v3  }
0xb7: {  	[tilespmem:s1], [sflag:$0x1] =	stream.indirect_vreg.gather [hbm4b:s9+s0], $0x80, v4, vm0, $0xb8;
	[tilespmem:$0x14100] =	vst v63  }
0xb8: {  	s7 =	simm.s32 $0x5900  }
0xb9: {  	[tilespmem:s7], [sflag:$0x1] =	stream.indirect_vreg.gather [hbm4b:s10+s0], $0x80, v4, vm0, $0xb8;
	[tilespmem:$0x14100] =	vst v63  }
0xba: {  	s12 =	simm.s32 $0x6100  }
0xbb: {  	[tilespmem:s12], [sflag:$0x1] =	stream.indirect_vreg.gather [hbm4b:s3+s0], $0x80, v3, vm0, $0xb8;
	[tilespmem:$0x14100] =	vst v63  }
0xbc: {  	s17 =	simm.s32 $0x6900  }
0xbd: {  	[tilespmem:s17], [sflag:$0x1] =	stream.indirect_vreg.gather [hbm4b:s8+s0], $0x80, v3, vm0, $0xb8;
	[tilespmem:$0x14100] =	vst v63  }
0xbe: {  	s18 =	simm.s32 $0x7100  }
0xbf: {  	[tilespmem:s18], [sflag:$0x1] =	stream.indirect_vreg.gather [hbm4b:s9+s0], $0x80, v3, vm0, $0xb8;
	[tilespmem:$0x14100] =	vst v63  }
0xc0: {  	s19 =	simm.s32 $0x7900  }
0xc1: {  	[tilespmem:s19], [sflag:$0x1] =	stream.indirect_vreg.gather [hbm4b:s10+s0], $0x80, v3, vm0, $0xb8;
	[tilespmem:$0x14100] =	vst v63  }
0xc2: {  	v3 =	vld [tilespmem:$0xA0];
	_ =	sdelay $0x4  }
0xc3: {  	v63 =	vshll.u32 v3, $0x3  }
0xc4: {  	v3 =	vand.u32 $0x7, v3;
	v4 =	vand.u32 $0xFFFFFFC0, v63  }
0xc5: {  	v3 =	vor.u32 v3, v4  }
0xc6: {  	v4 =	vperm.xlane v3, v0;
	_ =	sdelay $0x1  }
0xc7: {  	v4 =	vadd.s32 v1, v4;
	_ =	sdelay $0x3  }
0xc8: {  	s21 =	simm.s32 $0x8100  }
0xc9: {  	[tilespmem:s21], [sflag:$0x1] =	stream.indirect_vreg.gather [hbm4b:s3+s0], $0x80, v4, vm0, $0xb8;
	[tilespmem:$0x14100] =	vst v63  }
0xca: {  	s6 =	simm.s32 $0x8900;
	v3 =	vperm.xlane v3, v2  }
0xcb: {  	[tilespmem:s6], [sflag:$0x1] =	stream.indirect_vreg.gather [hbm4b:s8+s0], $0x80, v4, vm0, $0xb8;
	[tilespmem:$0x14100] =	vst v63  }
0xcc: {  	s7 =	simm.s32 $0x9100;
	v3 =	vadd.s32 v1, v3  }
0xcd: {  	[tilespmem:s7], [sflag:$0x1] =	stream.indirect_vreg.gather [hbm4b:s9+s0], $0x80, v4, vm0, $0xb8;
	[tilespmem:$0x14100] =	vst v63  }
0xce: {  	s12 =	simm.s32 $0x9900  }
0xcf: {  	[tilespmem:s12], [sflag:$0x1] =	stream.indirect_vreg.gather [hbm4b:s10+s0], $0x80, v4, vm0, $0xb8;
	[tilespmem:$0x14100] =	vst v63  }
0xd0: {  	s17 =	simm.s32 $0xA100  }
0xd1: {  	[tilespmem:s17], [sflag:$0x1] =	stream.indirect_vreg.gather [hbm4b:s3+s0], $0x80, v3, vm0, $0xb8;
	[tilespmem:$0x14100] =	vst v63  }
0xd2: {  	s18 =	simm.s32 $0xA900  }
0xd3: {  	[tilespmem:s18], [sflag:$0x1] =	stream.indirect_vreg.gather [hbm4b:s8+s0], $0x80, v3, vm0, $0xb8;
	[tilespmem:$0x14100] =	vst v63  }
0xd4: {  	s19 =	simm.s32 $0xB100  }
0xd5: {  	[tilespmem:s19], [sflag:$0x1] =	stream.indirect_vreg.gather [hbm4b:s9+s0], $0x80, v3, vm0, $0xb8;
	[tilespmem:$0x14100] =	vst v63  }
0xd6: {  	s1 =	simm.s32 $0x0;
	s21 =	simm.s32 $0xB900  }
0xd7: {  	[tilespmem:s21], [sflag:$0x1] =	stream.indirect_vreg.gather [hbm4b:s10+s0], $0x80, v3, vm0, $0xb8;
	[tilespmem:$0x14100] =	vst v63  }
.LBB2_6:
0xd8: {  	s6 =	sshll.u32 s1, $0x7;
	s7 =	sshll.u32 s1, $0xA  }
0xd9: {  	s7 =	sand.u32 $0x2000, s7;
	s17 =	sand.u32 $0x380, s6  }
0xda: {  	s19 =	sand.u32 $0x40, s0;
	s18 =	sor.u32 s7, s17  }
0xdb: {  	s21 =	sand.u32 $0x1C00, s0;
	v3 =	vld [tilespmem:s6+$0x900];
	s7 =	sor.u32 s19, s18  }
0xdc: {  	v4 =	vld [tilespmem:s6+$0x2900];
	s17 =	sor.u32 s21, s7  }
0xdd: {  	v8 =	vld [tilespmem:s17+$0x10100]  }
0xde: {  	v7 =	vld [tilespmem:s17+$0x10110]  }
0xdf: {  	v6 =	vld [tilespmem:s17+$0x10120]  }
0xe0: {  	v5 =	vld [tilespmem:s17+$0x10130]  }
0xe1: {  	v10 =	vld [tilespmem:s17+$0xC100]  }
0xe2: {  	v11 =	vld [tilespmem:s17+$0xC110]  }
0xe3: {  	s6 =	simm.s32 $0x40;
	s19 =	simm.s32 $0x0;
	s7 =	simm.s32 $0x0;
	v9 =	vld [tilespmem:s17+$0xC120]  }
.LBB2_7:
0xe4: {  	s21 =	sand.u32 $0x40, s6;
	v12 =	vld [tilespmem:s17+$0xC130];
	s7 =	sadd.s32 $0x200, s7  }
0xe5: {  	s12 =	sand.u32 $0x1C00, s7;
	s21 =	sor.u32 s21, s18  }
0xe6: {  	v13 =	vmul.f32 v8, v4;
	s12 =	sor.u32 s12, s21;
	v10 =	vmul.f32 v10, v3  }
0xe7: {  	v14 =	vmul.f32 v7, v4;
	s19 =	sadd.s32 $0x4, s19;
	v8 =	vld [tilespmem:s12+$0x10100];
	v11 =	vmul.f32 v11, v3  }
0xe8: {  	p0 =	slt.u32 s19, $0x3C;
	v7 =	vld [tilespmem:s12+$0x10110];
	v10 =	vadd.f32 v13, v10;
	v9 =	vmul.f32 v9, v3;
	v13 =	vmul.f32 v6, v4  }
.Ltmp2:
0xe9: {  	v6 =	vld [tilespmem:s12+$0x10120];
	v11 =	vadd.f32 v14, v11;
	v12 =	vmul.f32 v12, v3;
	v14 =	vmul.f32 v5, v4;
	(pc) =	sbr.rel @p0 .LBB2_7-.Ltmp2, $4  }
0xea: {  	v5 =	vld [tilespmem:s12+$0x10130];
	[tilespmem:s17+$0xC100] =	vst v10;
	v9 =	vadd.f32 v13, v9  }
0xeb: {  	v10 =	vld [tilespmem:s12+$0xC100];
	[tilespmem:s17+$0xC110] =	vst v11;
	v12 =	vadd.f32 v14, v12  }
0xec: {  	v11 =	vld [tilespmem:s12+$0xC110];
	[tilespmem:s17+$0xC120] =	vst v9  }
0xed: {  	s6 =	sadd.s32 $0x40, s6;
	v9 =	vld [tilespmem:s12+$0xC120];
	[tilespmem:s17+$0xC130] =	vst v12;
	s17 =	smov.u32 s12  }
0xee: {  	v12 =	vld [tilespmem:s17+$0xC130];
	_ =	sdelay $0x1  }
0xef: {  	v8 =	vmul.f32 v8, v4;
	v10 =	vmul.f32 v10, v3  }
0xf0: {  	v7 =	vmul.f32 v7, v4;
	s1 =	sadd.s32 $0x1, s1;
	v11 =	vmul.f32 v11, v3  }
0xf1: {  	v6 =	vmul.f32 v6, v4;
	p0 =	sne.s32 s1, $0x10;
	v8 =	vadd.f32 v8, v10;
	v9 =	vmul.f32 v9, v3  }
.Ltmp3:
0xf2: {  	v62 =	vmul.f32 v5, v4;
	v7 =	vadd.f32 v7, v11;
	v3 =	vmul.f32 v12, v3;
	(pc) =	sbr.rel @p0 .LBB2_6-.Ltmp3, $4  }
0xf3: {  	[tilespmem:s17+$0xC100] =	vst v8;
	v63 =	vadd.f32 v6, v9  }
0xf4: {  	[tilespmem:s17+$0xC110] =	vst v7;
	v3 =	vadd.f32 v62, v3  }
0xf5: {  	[tilespmem:s17+$0xC120] =	vst v63  }
0xf6: {  	[tilespmem:s17+$0xC130] =	vst v3  }
0xf7: {  	s0 =	simm.s32 $0x0;
	s1 =	rddreg [dreg:$0x7]  }
0xf8: {  	[hbm4b:s1+s0] =	stream.linear.scatter [tilespmem:s5], [sflag:$0x2], $0x4000, $0x38;
	[tilespmem:$0x14100] =	vst v63  }
0xf9: {  	_ =	swait.ge [sflag:s16], $0x4000  }
0xfa: {  	[sflag:s16] =	ssyncset.done $0x0  }
0xfb: {  	[sflag:s16] =	ssyncadd.s32 $0xFFFFC000  }
0xfc: {  	_ =	swait.ge [sflag:s4], $0x4000  }
0xfd: {  	[sflag:s4] =	ssyncset.done $0x0  }
0xfe: {  	[sflag:s4] =	ssyncadd.s32 $0xFFFFC000  }
0xff: {  	_ =	swait.ge [sflag:s4], $0x4000  }
0x100: {  	[sflag:s4] =	ssyncset.done $0x0  }
0x101: {  	[sflag:s4] =	ssyncadd.s32 $0xFFFFC000  }
0x102: {  	v3 =	vld [tilespmem:$0x30];
	_ =	sdelay $0x4  }
0x103: {  	v4 =	vshll.u32 v3, $0x3  }
0x104: {  	v3 =	vand.u32 $0x7, v3;
	v4 =	vand.u32 $0xFFFFFFC0, v4  }
0x105: {  	v3 =	vor.u32 v3, v4  }
0x106: {  	v4 =	vperm.xlane v3, v0;
	_ =	sdelay $0x1  }
0x107: {  	v4 =	vadd.s32 v1, v4;
	_ =	sdelay $0x4  }
0x108: {  	[tilespmem:s5], [sflag:$0x1] =	stream.indirect_vreg.gather [hbm4b:s3+s0], $0x80, v4, vm0, $0xb8;
	[tilespmem:$0x14100] =	vst v63  }
0x109: {  	s17 =	simm.s32 $0xC900;
	v3 =	vperm.xlane v3, v2  }
0x10a: {  	[tilespmem:s17], [sflag:$0x1] =	stream.indirect_vreg.gather [hbm4b:s8+s0], $0x80, v4, vm0, $0xb8;
	[tilespmem:$0x14100] =	vst v63  }
0x10b: {  	s18 =	simm.s32 $0xD100;
	v3 =	vadd.s32 v1, v3  }
0x10c: {  	[tilespmem:s18], [sflag:$0x1] =	stream.indirect_vreg.gather [hbm4b:s9+s0], $0x80, v4, vm0, $0xb8;
	[tilespmem:$0x14100] =	vst v63  }
0x10d: {  	s19 =	simm.s32 $0xD900  }
0x10e: {  	[tilespmem:s19], [sflag:$0x1] =	stream.indirect_vreg.gather [hbm4b:s10+s0], $0x80, v4, vm0, $0xb8;
	[tilespmem:$0x14100] =	vst v63  }
0x10f: {  	s21 =	simm.s32 $0xE100  }
0x110: {  	[tilespmem:s21], [sflag:$0x1] =	stream.indirect_vreg.gather [hbm4b:s3+s0], $0x80, v3, vm0, $0xb8;
	[tilespmem:$0x14100] =	vst v63  }
0x111: {  	_ = 	snop  }
0x112: {  	[tilespmem:s22], [sflag:$0x1] =	stream.indirect_vreg.gather [hbm4b:s8+s0], $0x80, v3, vm0, $0xb8;
	[tilespmem:$0x14100] =	vst v63  }
0x113: {  	_ = 	snop  }
0x114: {  	[tilespmem:s13], [sflag:$0x1] =	stream.indirect_vreg.gather [hbm4b:s9+s0], $0x80, v3, vm0, $0xb8;
	[tilespmem:$0x14100] =	vst v63  }
0x115: {  	_ = 	snop  }
0x116: {  	[tilespmem:s23], [sflag:$0x1] =	stream.indirect_vreg.gather [hbm4b:s10+s0], $0x80, v3, vm0, $0xb8;
	[tilespmem:$0x14100] =	vst v63  }
0x117: {  	v3 =	vld [tilespmem:$0xB0];
	_ =	sdelay $0x4  }
0x118: {  	v63 =	vshll.u32 v3, $0x3  }
0x119: {  	v3 =	vand.u32 $0x7, v3;
	v4 =	vand.u32 $0xFFFFFFC0, v63  }
0x11a: {  	v3 =	vor.u32 v3, v4  }
0x11b: {  	v4 =	vperm.xlane v3, v0;
	_ =	sdelay $0x1  }
0x11c: {  	v4 =	vadd.s32 v1, v4;
	_ =	sdelay $0x4  }
0x11d: {  	[tilespmem:s14], [sflag:$0x1] =	stream.indirect_vreg.gather [hbm4b:s3+s0], $0x80, v4, vm0, $0xb8;
	[tilespmem:$0x14100] =	vst v63  }
0x11e: {  	v3 =	vperm.xlane v3, v2  }
0x11f: {  	[tilespmem:s24], [sflag:$0x1] =	stream.indirect_vreg.gather [hbm4b:s8+s0], $0x80, v4, vm0, $0xb8;
	[tilespmem:$0x14100] =	vst v63  }
0x120: {  	v3 =	vadd.s32 v1, v3  }
0x121: {  	[tilespmem:s15], [sflag:$0x1] =	stream.indirect_vreg.gather [hbm4b:s9+s0], $0x80, v4, vm0, $0xb8;
	[tilespmem:$0x14100] =	vst v63  }
0x122: {  	_ = 	snop  }
0x123: {  	[tilespmem:s25], [sflag:$0x1] =	stream.indirect_vreg.gather [hbm4b:s10+s0], $0x80, v4, vm0, $0xb8;
	[tilespmem:$0x14100] =	vst v63  }
0x124: {  	_ = 	snop  }
0x125: {  	[tilespmem:s26], [sflag:$0x1] =	stream.indirect_vreg.gather [hbm4b:s3+s0], $0x80, v3, vm0, $0xb8;
	[tilespmem:$0x14100] =	vst v63  }
0x126: {  	_ = 	snop  }
0x127: {  	[tilespmem:s28], [sflag:$0x1] =	stream.indirect_vreg.gather [hbm4b:s8+s0], $0x80, v3, vm0, $0xb8;
	[tilespmem:$0x14100] =	vst v63  }
0x128: {  	_ = 	snop  }
0x129: {  	[tilespmem:s29], [sflag:$0x1] =	stream.indirect_vreg.gather [hbm4b:s9+s0], $0x80, v3, vm0, $0xb8;
	[tilespmem:$0x14100] =	vst v63  }
0x12a: {  	s1 =	simm.s32 $0x0  }
0x12b: {  	[tilespmem:s30], [sflag:$0x1] =	stream.indirect_vreg.gather [hbm4b:s10+s0], $0x80, v3, vm0, $0xb8;
	[tilespmem:$0x14100] =	vst v63  }
.LBB2_10:
0x12c: {  	s6 =	sshll.u32 s1, $0x7;
	s7 =	sshll.u32 s1, $0xA  }
0x12d: {  	s7 =	sand.u32 $0x2000, s7;
	s12 =	sand.u32 $0x380, s6  }
0x12e: {  	s19 =	sand.u32 $0x40, s0;
	s18 =	sor.u32 s7, s12  }
0x12f: {  	s21 =	sand.u32 $0x1C00, s0;
	v3 =	vld [tilespmem:s6+$0x1100];
	s7 =	sor.u32 s19, s18  }
0x130: {  	v4 =	vld [tilespmem:s6+$0x3100];
	s17 =	sor.u32 s21, s7  }
0x131: {  	v8 =	vld [tilespmem:s17+$0x8100]  }
0x132: {  	v7 =	vld [tilespmem:s17+$0x8110]  }
0x133: {  	v6 =	vld [tilespmem:s17+$0x8120]  }
0x134: {  	v5 =	vld [tilespmem:s17+$0x8130]  }
0x135: {  	v10 =	vld [tilespmem:s17+$0x4100]  }
0x136: {  	v11 =	vld [tilespmem:s17+$0x4110]  }
0x137: {  	s6 =	simm.s32 $0x40;
	s19 =	simm.s32 $0x0;
	s7 =	simm.s32 $0x0;
	v9 =	vld [tilespmem:s17+$0x4120]  }
.LBB2_11:
0x138: {  	s12 =	sand.u32 $0x40, s6;
	v12 =	vld [tilespmem:s17+$0x4130];
	s7 =	sadd.s32 $0x200, s7  }
0x139: {  	s21 =	sand.u32 $0x1C00, s7;
	s12 =	sor.u32 s12, s18  }
0x13a: {  	v13 =	vmul.f32 v8, v4;
	s12 =	sor.u32 s21, s12;
	v10 =	vmul.f32 v10, v3  }
0x13b: {  	v14 =	vmul.f32 v7, v4;
	s19 =	sadd.s32 $0x4, s19;
	v8 =	vld [tilespmem:s12+$0x8100];
	v11 =	vmul.f32 v11, v3  }
0x13c: {  	p0 =	slt.u32 s19, $0x3C;
	v7 =	vld [tilespmem:s12+$0x8110];
	v10 =	vadd.f32 v13, v10;
	v9 =	vmul.f32 v9, v3;
	v13 =	vmul.f32 v6, v4  }
.Ltmp4:
0x13d: {  	v6 =	vld [tilespmem:s12+$0x8120];
	v11 =	vadd.f32 v14, v11;
	v12 =	vmul.f32 v12, v3;
	v14 =	vmul.f32 v5, v4;
	(pc) =	sbr.rel @p0 .LBB2_11-.Ltmp4, $4  }
0x13e: {  	v5 =	vld [tilespmem:s12+$0x8130];
	[tilespmem:s17+$0x4100] =	vst v10;
	v9 =	vadd.f32 v13, v9  }
0x13f: {  	v10 =	vld [tilespmem:s12+$0x4100];
	[tilespmem:s17+$0x4110] =	vst v11;
	v12 =	vadd.f32 v14, v12  }
0x140: {  	v11 =	vld [tilespmem:s12+$0x4110];
	[tilespmem:s17+$0x4120] =	vst v9  }
0x141: {  	s6 =	sadd.s32 $0x40, s6;
	v9 =	vld [tilespmem:s12+$0x4120];
	[tilespmem:s17+$0x4130] =	vst v12;
	s17 =	smov.u32 s12  }
0x142: {  	v12 =	vld [tilespmem:s17+$0x4130];
	_ =	sdelay $0x1  }
0x143: {  	v8 =	vmul.f32 v8, v4;
	v10 =	vmul.f32 v10, v3  }
0x144: {  	v7 =	vmul.f32 v7, v4;
	s1 =	sadd.s32 $0x1, s1;
	v11 =	vmul.f32 v11, v3  }
0x145: {  	v6 =	vmul.f32 v6, v4;
	p0 =	sne.s32 s1, $0x10;
	v8 =	vadd.f32 v8, v10;
	v9 =	vmul.f32 v9, v3  }
.Ltmp5:
0x146: {  	v62 =	vmul.f32 v5, v4;
	v7 =	vadd.f32 v7, v11;
	v3 =	vmul.f32 v12, v3;
	(pc) =	sbr.rel @p0 .LBB2_10-.Ltmp5, $4  }
0x147: {  	[tilespmem:s17+$0x4100] =	vst v8;
	v63 =	vadd.f32 v6, v9  }
0x148: {  	[tilespmem:s17+$0x4110] =	vst v7;
	v3 =	vadd.f32 v62, v3  }
0x149: {  	[tilespmem:s17+$0x4120] =	vst v63  }
0x14a: {  	[tilespmem:s17+$0x4130] =	vst v3  }
0x14b: {  	s0 =	simm.s32 $0x0;
	s1 =	rddreg [dreg:$0x8]  }
0x14c: {  	[hbm4b:s1+s0] =	stream.linear.scatter [tilespmem:s20], [sflag:$0x2], $0x4000, $0x38;
	[tilespmem:$0x14100] =	vst v63  }
0x14d: {  	_ =	swait.ge [sflag:s16], $0x4000  }
0x14e: {  	[sflag:s16] =	ssyncset.done $0x0  }
0x14f: {  	[sflag:s16] =	ssyncadd.s32 $0xFFFFC000  }
0x150: {  	_ =	swait.ge [sflag:s4], $0x4000  }
0x151: {  	[sflag:s4] =	ssyncset.done $0x0  }
0x152: {  	[sflag:s4] =	ssyncadd.s32 $0xFFFFC000  }
0x153: {  	_ =	swait.ge [sflag:s4], $0x4000  }
0x154: {  	[sflag:s4] =	ssyncset.done $0x0  }
0x155: {  	s1 =	simm.s32 $0x0;
	[sflag:s4] =	ssyncadd.s32 $0xFFFFC000  }
.LBB2_14:
0x156: {  	s6 =	sshll.u32 s1, $0x7;
	s7 =	sshll.u32 s1, $0xA  }
0x157: {  	s7 =	sand.u32 $0x2000, s7;
	s12 =	sand.u32 $0x380, s6  }
0x158: {  	s19 =	sand.u32 $0x40, s0;
	s18 =	sor.u32 s7, s12  }
0x159: {  	s21 =	sand.u32 $0x1C00, s0;
	v3 =	vld [tilespmem:s6+$0x1900];
	s7 =	sor.u32 s19, s18  }
0x15a: {  	v4 =	vld [tilespmem:s6+$0x3900];
	s17 =	sor.u32 s21, s7  }
0x15b: {  	v8 =	vld [tilespmem:s17+$0x10100]  }
0x15c: {  	v7 =	vld [tilespmem:s17+$0x10110]  }
0x15d: {  	v6 =	vld [tilespmem:s17+$0x10120]  }
0x15e: {  	v5 =	vld [tilespmem:s17+$0x10130]  }
0x15f: {  	v10 =	vld [tilespmem:s17+$0xC100]  }
0x160: {  	v11 =	vld [tilespmem:s17+$0xC110]  }
0x161: {  	s6 =	simm.s32 $0x40;
	s19 =	simm.s32 $0x0;
	s7 =	simm.s32 $0x0;
	v9 =	vld [tilespmem:s17+$0xC120]  }
.LBB2_15:
0x162: {  	s12 =	sand.u32 $0x40, s6;
	v12 =	vld [tilespmem:s17+$0xC130];
	s7 =	sadd.s32 $0x200, s7  }
0x163: {  	s21 =	sand.u32 $0x1C00, s7;
	s12 =	sor.u32 s12, s18  }
0x164: {  	v13 =	vmul.f32 v8, v4;
	s12 =	sor.u32 s21, s12;
	v10 =	vmul.f32 v10, v3  }
0x165: {  	v14 =	vmul.f32 v7, v4;
	s19 =	sadd.s32 $0x4, s19;
	v8 =	vld [tilespmem:s12+$0x10100];
	v11 =	vmul.f32 v11, v3  }
0x166: {  	p0 =	slt.u32 s19, $0x3C;
	v7 =	vld [tilespmem:s12+$0x10110];
	v10 =	vadd.f32 v13, v10;
	v9 =	vmul.f32 v9, v3;
	v13 =	vmul.f32 v6, v4  }
.Ltmp6:
0x167: {  	v6 =	vld [tilespmem:s12+$0x10120];
	v11 =	vadd.f32 v14, v11;
	v12 =	vmul.f32 v12, v3;
	v14 =	vmul.f32 v5, v4;
	(pc) =	sbr.rel @p0 .LBB2_15-.Ltmp6, $4  }
0x168: {  	v5 =	vld [tilespmem:s12+$0x10130];
	[tilespmem:s17+$0xC100] =	vst v10;
	v9 =	vadd.f32 v13, v9  }
0x169: {  	v10 =	vld [tilespmem:s12+$0xC100];
	[tilespmem:s17+$0xC110] =	vst v11;
	v12 =	vadd.f32 v14, v12  }
0x16a: {  	v11 =	vld [tilespmem:s12+$0xC110];
	[tilespmem:s17+$0xC120] =	vst v9  }
0x16b: {  	s6 =	sadd.s32 $0x40, s6;
	v9 =	vld [tilespmem:s12+$0xC120];
	[tilespmem:s17+$0xC130] =	vst v12;
	s17 =	smov.u32 s12  }
0x16c: {  	v12 =	vld [tilespmem:s17+$0xC130];
	_ =	sdelay $0x1  }
0x16d: {  	v8 =	vmul.f32 v8, v4;
	v10 =	vmul.f32 v10, v3  }
0x16e: {  	v7 =	vmul.f32 v7, v4;
	s1 =	sadd.s32 $0x1, s1;
	v11 =	vmul.f32 v11, v3  }
0x16f: {  	v6 =	vmul.f32 v6, v4;
	p0 =	sne.s32 s1, $0x10;
	v8 =	vadd.f32 v8, v10;
	v9 =	vmul.f32 v9, v3  }
.Ltmp7:
0x170: {  	v62 =	vmul.f32 v5, v4;
	v7 =	vadd.f32 v7, v11;
	v3 =	vmul.f32 v12, v3;
	(pc) =	sbr.rel @p0 .LBB2_14-.Ltmp7, $4  }
0x171: {  	[tilespmem:s17+$0xC100] =	vst v8;
	v63 =	vadd.f32 v6, v9  }
0x172: {  	[tilespmem:s17+$0xC110] =	vst v7;
	v3 =	vadd.f32 v62, v3  }
0x173: {  	[tilespmem:s17+$0xC120] =	vst v63  }
0x174: {  	[tilespmem:s17+$0xC130] =	vst v3  }
0x175: {  	s0 =	rddreg [dreg:$0x9]  }
0x176: {  	[hbm4b:s0+s2] =	stream.linear.scatter [tilespmem:s5], [sflag:$0x2], $0x4000, $0x38;
	[tilespmem:$0x14100] =	vst v63  }
0x177: {  	_ =	swait.ge [sflag:s16], $0x4000  }
0x178: {  	s31 =	sadd.s32 $0x1, s31;
	s21 =	rddreg [dreg:$0xa]  }
0x179: {  	p0 =	sne.s32 s31, s21  }
.Ltmp8:
0x17a: {  	_ = 	snop;
	(pc) =	sbr.rel @p0 .LBB2_1-.Ltmp8, $3  }
0x17b: {  	_ =	sdelay $0x1  }
0x17c: {  	[sflag:s16] =	ssyncset.done $0x0  }
0x17d: {  	s12 =	simm.s32 $0x4900;
	[sflag:s16] =	ssyncadd.s32 $0xFFFFC000  }
0x17e: {  	_ =	sfence.sel $0x180000  }
0x17f: {  	[bflag:$0x0] =	sbarrier.arrive $0xFFFF  }
0x180: {  	_ =	strace $0x9000004A  }
0x181: {  	s0 =	stileid.u32;
	[bflag:$0x2] =	sbarrier.arrive $0xFFFF  }
0x182: {  	p0 =	sne.s32 s0, $0x0;
	s0 =	rddreg [dreg:$0x2]  }
0x183: {  	s0 =	sadd.s32 @!p0 $0x100000, s0  }
0x184: {  	[sflag:s0] =	ssyncadd.tile.s32 @!p0 $0x1;
	_ =	shalt  }
.Lfunc_end2:
_tile_overlayer_lowered:
.L_overlay_start_2:
0x185: {  	(tag) =	ssettag $0x2  }
0x186: {  	s0 =	rddreg [dreg:$0x0];
	s2 =	stileid.u32  }
0x187: {  	s1 =	rddreg [dreg:$0x1];
	p0 =	sne.s32 s2, $0x0  }
0x188: {  	s3 =	rddreg [dreg:$0x2];
	[bflag:$0x3] =	sbarrier.arrive $0xFFFF;
	s2 =	simm.s32 @!p0 $0x1C02  }
0x189: {  	[timem:s3], [sflag:s2] =	dma.local @!p0 [hbm:s0], s1  }
0x18a: {  	s0 =	simm.s32 @!p0 $0x2  }
0x18b: {  	_ =	swait.ge @!p0 [sflag:s0], s1  }
0x18c: {  	s1 =	ssub.s32 @!p0 $0x0, s1;
	[sflag:s0] =	ssyncset.done @!p0 $0x0  }
0x18d: {  	[sflag:s0] =	ssyncadd.s32 @!p0 s1  }
0x18e: {  	[bflag:$0x3] =	sbarrier.arrive $0xFFFF  }
0x18f: {  	_ =	shalt  }

</sc_bundles>
